<compile_context>
chip_gen: v7x
topology: tpu7x:2x2x1
jax: 0.10.2.dev20260603
libtpu: 0.0.44.dev20260713+nightly
codegen_flags: <defaults>
</compile_context>

<pallas_src>
import functools

import jax
import jax.numpy as jnp
from jax import lax
from jax.experimental import pallas as pl
from jax.experimental.pallas import tpu as pltpu
from jax.experimental.pallas import tpu_sc as plsc

_NC = 2
_NS = 16
_NW = _NC * _NS
_R = 16


def kernel(x, C):
    B, H = x.shape
    V, D = C.shape
    rpw = B // _NW
    nch = rpw // _R
    assert rpw * _NW == B and nch * _R == rpw
    assert nch >= 6 and nch % 2 == 0

    mesh = plsc.VectorSubcoreMesh(
        core_axis_name="c", subcore_axis_name="s",
        num_cores=_NC, num_subcores=_NS)

    @functools.partial(
        pl.kernel,
        out_type=jax.ShapeDtypeStruct((B, H, D), jnp.float32),
        mesh=mesh,
        scratch_types=[
            pltpu.VMEM((rpw, H), jnp.int32),
            pltpu.VMEM((2, _R, H, D), jnp.float32),
            pltpu.SemaphoreType.DMA,
            pltpu.SemaphoreType.DMA,
            pltpu.SemaphoreType.DMA,
            pltpu.SemaphoreType.DMA,
        ],
        compiler_params=pltpu.CompilerParams(use_tc_tiling_on_sc=False),
    )
    def emb(x_hbm, C_hbm, out_hbm, xslab, rows_v, g0, g1, o0, o1):
        wid = lax.axis_index("s") * _NC + lax.axis_index("c")
        row0 = wid * rpw
        gsem = (g0, g1)
        osem = (o0, o1)

        pltpu.sync_copy(x_hbm.at[pl.ds(row0, rpw)], xslab)

        def gfire(c, s):
            for r in range(_R):
                pltpu.async_copy(C_hbm.at[xslab.at[c * _R + r]],
                                 rows_v.at[s, r], gsem[s])

        def gdrain(s):
            pltpu.make_async_copy(
                out_hbm.at[pl.ds(0, _R)], rows_v.at[s], gsem[s]).wait()

        def sfire(c, s):
            pltpu.async_copy(rows_v.at[s],
                             out_hbm.at[pl.ds(row0 + c * _R, _R)], osem[s])

        def sdrain(s):
            pltpu.make_async_copy(
                rows_v.at[s], out_hbm.at[pl.ds(0, _R)], osem[s]).wait()

        gfire(0, 0)
        gfire(1, 1)
        gdrain(0)
        sfire(0, 0)
        sdrain(0)
        gfire(2, 0)
        gdrain(1)
        sfire(1, 1)

        @pl.loop(3, nch - 2, step=2)
        def pair(c):
            sdrain(1)
            gfire(c, 1)
            gdrain(0)
            sfire(c - 1, 0)
            sdrain(0)
            gfire(c + 1, 0)
            gdrain(1)
            sfire(c, 1)

        sdrain(1)
        gfire(nch - 1, 1)
        gdrain(0)
        sfire(nch - 2, 0)
        gdrain(1)
        sfire(nch - 1, 1)
        sdrain(0)
        sdrain(1)

    return emb(x, C)

# --- scband reference (transcript-rebuilt; emitter-appended) ---
"""Pipeline reference for scband-word-embedding-58377195487393 (READ-ONLY COPY).

The authoritative reference and input builder live on the scoring server;
editing this copy changes nothing except your own understanding.
"""

import jax, jax.numpy as jnp
import numpy as np

VOCAB = 1000000
EMB = 32
BATCH = 16384
HIST = 50

def setup_inputs(seed: int = 0) -> dict:
    key = jax.random.key(seed)
    k1, k2 = jax.random.split(key)
    x = jax.random.randint(k1, (BATCH, HIST), 0, VOCAB, dtype=jnp.int32)
    C = jax.random.normal(k2, (VOCAB, EMB), dtype=jnp.float32) * 0.05
    return {"x": x, "C": C}

def reference(x, C):
    # tf.gather(self.C, x) -> gather rows of the embedding table
    return jnp.take(C, x, axis=0)

if __name__ == "__main__":
    import jax
    _d = setup_inputs()
    print(jax.jit(kernel)(*tuple(_d.values())))

</pallas_src>

<mosaic_0001>
#map = affine_map<(d0, d1) -> (0, 0)>
#map1 = affine_map<(d0, d1) -> (0, 0, 0)>
module attributes {stable_mosaic.version = 14 : i64} {
  func.func @emb(%arg0: i32, %arg1: i32, %arg2: memref<16384x50xi32, #tpu.memory_space<hbm>>, %arg3: memref<1000000x32xf32, #tpu.memory_space<hbm>>, %arg4: memref<16384x50x32xf32, #tpu.memory_space<hbm>>, %arg5: memref<512x50xi32, #tpu.memory_space<vmem>>, %arg6: memref<2x16x50x32xf32, #tpu.memory_space<vmem>>, %arg7: memref<!tpu.dma_semaphore, #tpu.memory_space<semaphore_mem>>, %arg8: memref<!tpu.dma_semaphore, #tpu.memory_space<semaphore_mem>>, %arg9: memref<!tpu.dma_semaphore, #tpu.memory_space<semaphore_mem>>, %arg10: memref<!tpu.dma_semaphore, #tpu.memory_space<semaphore_mem>>) attributes {dimension_semantics = [#tpu.dimension_semantics<core_parallel>, #tpu.dimension_semantics<subcore_parallel>], iteration_bounds = array<i64: 2, 16>, scalar_prefetch = 0 : i64, scratch_operands = 6 : i64, tpu.core_type = #tpu.core_type<sc_vector_subcore>, window_params = [{transform_indices = #map}, {transform_indices = #map}, {transform_indices = #map1}]} {
    %mul3A = arith.constant 2 : i32
    %mul3A_0 = arith.muli %arg1, %mul3A : i32
    %add3A = arith.addi %mul3A_0, %arg0 : i32
    %mul3A_1 = arith.constant 512 : i32
    %mul3A_2 = arith.muli %add3A, %mul3A_1 : i32
    "tpu.region"() ({
      %run_scoped3A = tpu.sem_alloc : memref<!tpu.dma_semaphore, #tpu.memory_space<semaphore_mem>>
      %dma_start3A_1065 = arith.constant 0 : i32
      %dma_start3A_1066 = tpu.memref_slice %arg2[%mul3A_2, %dma_start3A_1065] : memref<16384x50xi32, #tpu.memory_space<hbm>> -> memref<512x50xi32, #tpu.memory_space<hbm>>
      %dma_start3A_1067 = arith.constant 0 : i32
      %dma_start3A_1068 = tpu.memref_slice %arg2[%mul3A_2, %dma_start3A_1067] : memref<16384x50xi32, #tpu.memory_space<hbm>> -> memref<512x50xi32, #tpu.memory_space<hbm>>
      tpu.enqueue_dma source(%dma_start3A_1068 : memref<512x50xi32, #tpu.memory_space<hbm>>) target(%arg5 : memref<512x50xi32, #tpu.memory_space<vmem>>) target_semaphore(%run_scoped3A : memref<!tpu.dma_semaphore, #tpu.memory_space<semaphore_mem>>)
      %dma_wait3A_1069 = arith.constant 0 : i32
      %dma_wait3A_1070 = tpu.memref_slice %arg2[%mul3A_2, %dma_wait3A_1069] : memref<16384x50xi32, #tpu.memory_space<hbm>> -> memref<512x50xi32, #tpu.memory_space<hbm>>
      %dma_wait3A_1071 = arith.constant 0 : i32
      %dma_wait3A_1072 = tpu.memref_slice %arg2[%mul3A_2, %dma_wait3A_1071] : memref<16384x50xi32, #tpu.memory_space<hbm>> -> memref<512x50xi32, #tpu.memory_space<hbm>>
      tpu.wait_dma2 semaphore(%run_scoped3A : memref<!tpu.dma_semaphore, #tpu.memory_space<semaphore_mem>>) src(%dma_wait3A_1072 : memref<512x50xi32, #tpu.memory_space<hbm>>) dst(%arg5 : memref<512x50xi32, #tpu.memory_space<vmem>>)
      tpu.yield
    }) : () -> ()
    %dma_start3A = arith.constant 0 : i32
    %dma_start3A_3 = arith.constant 0 : i32
    %dma_start3A_4 = arith.constant 0 : i32
    %dma_start3A_5 = arith.constant 0 : i32
    %dma_start3A_6 = arith.constant 0 : i32
    %dma_start3A_7 = tpu.memref_slice %arg6[%dma_start3A_3, %dma_start3A_4, %dma_start3A_5, %dma_start3A_6] : memref<2x16x50x32xf32, #tpu.memory_space<vmem>> -> memref<1x1x50x32xf32, #tpu.memory_space<vmem>>
    %dma_start3A_8 = tpu.memref_squeeze %dma_start3A_7 : memref<1x1x50x32xf32, #tpu.memory_space<vmem>> -> memref<50x32xf32, #tpu.memory_space<vmem>>
    %dma_start3A_9 = arith.constant 0 : i32
    %dma_start3A_10 = tpu.memref_slice %arg5[%dma_start3A, %dma_start3A_9] : memref<512x50xi32, #tpu.memory_space<vmem>> -> memref<1x50xi32, #tpu.memory_space<vmem>>
    %dma_start3A_11 = tpu.memref_squeeze %dma_start3A_10 : memref<1x50xi32, #tpu.memory_space<vmem>> -> memref<50xi32, #tpu.memory_space<vmem>>
    %dma_start3A_12 = arith.constant 0 : i32
    %dma_start3A_13 = arith.constant 0 : i32
    %dma_start3A_14 = tpu.memref_slice %arg3[%dma_start3A_12, %dma_start3A_13] : memref<1000000x32xf32, #tpu.memory_space<hbm>> -> memref<1000000x32xf32, #tpu.memory_space<hbm>>
    tpu.enqueue_indirect_dma source(%dma_start3A_14 : memref<1000000x32xf32, #tpu.memory_space<hbm>>) target(%dma_start3A_8 : memref<50x32xf32, #tpu.memory_space<vmem>>) offsets(%dma_start3A_11 : memref<50xi32, #tpu.memory_space<vmem>>) semaphore(%arg7 : memref<!tpu.dma_semaphore, #tpu.memory_space<semaphore_mem>>)
    %dma_start3A_15 = arith.constant 1 : i32
    %dma_start3A_16 = arith.constant 0 : i32
    %dma_start3A_17 = arith.constant 1 : i32
    %dma_start3A_18 = arith.constant 0 : i32
    %dma_start3A_19 = arith.constant 0 : i32
    %dma_start3A_20 = tpu.memref_slice %arg6[%dma_start3A_16, %dma_start3A_17, %dma_start3A_18, %dma_start3A_19] : memref<2x16x50x32xf32, #tpu.memory_space<vmem>> -> memref<1x1x50x32xf32, #tpu.memory_space<vmem>>
    %dma_start3A_21 = tpu.memref_squeeze %dma_start3A_20 : memref<1x1x50x32xf32, #tpu.memory_space<vmem>> -> memref<50x32xf32, #tpu.memory_space<vmem>>
    %dma_start3A_22 = arith.constant 0 : i32
    %dma_start3A_23 = tpu.memref_slice %arg5[%dma_start3A_15, %dma_start3A_22] : memref<512x50xi32, #tpu.memory_space<vmem>> -> memref<1x50xi32, #tpu.memory_space<vmem>>
    %dma_start3A_24 = tpu.memref_squeeze %dma_start3A_23 : memref<1x50xi32, #tpu.memory_space<vmem>> -> memref<50xi32, #tpu.memory_space<vmem>>
    %dma_start3A_25 = arith.constant 0 : i32
    %dma_start3A_26 = arith.constant 0 : i32
    %dma_start3A_27 = tpu.memref_slice %arg3[%dma_start3A_25, %dma_start3A_26] : memref<1000000x32xf32, #tpu.memory_space<hbm>> -> memref<1000000x32xf32, #tpu.memory_space<hbm>>
    tpu.enqueue_indirect_dma source(%dma_start3A_27 : memref<1000000x32xf32, #tpu.memory_space<hbm>>) target(%dma_start3A_21 : memref<50x32xf32, #tpu.memory_space<vmem>>) offsets(%dma_start3A_24 : memref<50xi32, #tpu.memory_space<vmem>>) semaphore(%arg7 : memref<!tpu.dma_semaphore, #tpu.memory_space<semaphore_mem>>)
    %dma_start3A_28 = arith.constant 2 : i32
    %dma_start3A_29 = arith.constant 0 : i32
    %dma_start3A_30 = arith.constant 2 : i32
    %dma_start3A_31 = arith.constant 0 : i32
    %dma_start3A_32 = arith.constant 0 : i32
    %dma_start3A_33 = tpu.memref_slice %arg6[%dma_start3A_29, %dma_start3A_30, %dma_start3A_31, %dma_start3A_32] : memref<2x16x50x32xf32, #tpu.memory_space<vmem>> -> memref<1x1x50x32xf32, #tpu.memory_space<vmem>>
    %dma_start3A_34 = tpu.memref_squeeze %dma_start3A_33 : memref<1x1x50x32xf32, #tpu.memory_space<vmem>> -> memref<50x32xf32, #tpu.memory_space<vmem>>
    %dma_start3A_35 = arith.constant 0 : i32
    %dma_start3A_36 = tpu.memref_slice %arg5[%dma_start3A_28, %dma_start3A_35] : memref<512x50xi32, #tpu.memory_space<vmem>> -> memref<1x50xi32, #tpu.memory_space<vmem>>
    %dma_start3A_37 = tpu.memref_squeeze %dma_start3A_36 : memref<1x50xi32, #tpu.memory_space<vmem>> -> memref<50xi32, #tpu.memory_space<vmem>>
    %dma_start3A_38 = arith.constant 0 : i32
    %dma_start3A_39 = arith.constant 0 : i32
    %dma_start3A_40 = tpu.memref_slice %arg3[%dma_start3A_38, %dma_start3A_39] : memref<1000000x32xf32, #tpu.memory_space<hbm>> -> memref<1000000x32xf32, #tpu.memory_space<hbm>>
    tpu.enqueue_indirect_dma source(%dma_start3A_40 : memref<1000000x32xf32, #tpu.memory_space<hbm>>) target(%dma_start3A_34 : memref<50x32xf32, #tpu.memory_space<vmem>>) offsets(%dma_start3A_37 : memref<50xi32, #tpu.memory_space<vmem>>) semaphore(%arg7 : memref<!tpu.dma_semaphore, #tpu.memory_space<semaphore_mem>>)
    %dma_start3A_41 = arith.constant 3 : i32
    %dma_start3A_42 = arith.constant 0 : i32
    %dma_start3A_43 = arith.constant 3 : i32
    %dma_start3A_44 = arith.constant 0 : i32
    %dma_start3A_45 = arith.constant 0 : i32
    %dma_start3A_46 = tpu.memref_slice %arg6[%dma_start3A_42, %dma_start3A_43, %dma_start3A_44, %dma_start3A_45] : memref<2x16x50x32xf32, #tpu.memory_space<vmem>> -> memref<1x1x50x32xf32, #tpu.memory_space<vmem>>
    %dma_start3A_47 = tpu.memref_squeeze %dma_start3A_46 : memref<1x1x50x32xf32, #tpu.memory_space<vmem>> -> memref<50x32xf32, #tpu.memory_space<vmem>>
    %dma_start3A_48 = arith.constant 0 : i32
    %dma_start3A_49 = tpu.memref_slice %arg5[%dma_start3A_41, %dma_start3A_48] : memref<512x50xi32, #tpu.memory_space<vmem>> -> memref<1x50xi32, #tpu.memory_space<vmem>>
    %dma_start3A_50 = tpu.memref_squeeze %dma_start3A_49 : memref<1x50xi32, #tpu.memory_space<vmem>> -> memref<50xi32, #tpu.memory_space<vmem>>
    %dma_start3A_51 = arith.constant 0 : i32
    %dma_start3A_52 = arith.constant 0 : i32
    %dma_start3A_53 = tpu.memref_slice %arg3[%dma_start3A_51, %dma_start3A_52] : memref<1000000x32xf32, #tpu.memory_space<hbm>> -> memref<1000000x32xf32, #tpu.memory_space<hbm>>
    tpu.enqueue_indirect_dma source(%dma_start3A_53 : memref<1000000x32xf32, #tpu.memory_space<hbm>>) target(%dma_start3A_47 : memref<50x32xf32, #tpu.memory_space<vmem>>) offsets(%dma_start3A_50 : memref<50xi32, #tpu.memory_space<vmem>>) semaphore(%arg7 : memref<!tpu.dma_semaphore, #tpu.memory_space<semaphore_mem>>)
    %dma_start3A_54 = arith.constant 4 : i32
    %dma_start3A_55 = arith.constant 0 : i32
    %dma_start3A_56 = arith.constant 4 : i32
    %dma_start3A_57 = arith.constant 0 : i32
    %dma_start3A_58 = arith.constant 0 : i32
    %dma_start3A_59 = tpu.memref_slice %arg6[%dma_start3A_55, %dma_start3A_56, %dma_start3A_57, %dma_start3A_58] : memref<2x16x50x32xf32, #tpu.memory_space<vmem>> -> memref<1x1x50x32xf32, #tpu.memory_space<vmem>>
    %dma_start3A_60 = tpu.memref_squeeze %dma_start3A_59 : memref<1x1x50x32xf32, #tpu.memory_space<vmem>> -> memref<50x32xf32, #tpu.memory_space<vmem>>
    %dma_start3A_61 = arith.constant 0 : i32
    %dma_start3A_62 = tpu.memref_slice %arg5[%dma_start3A_54, %dma_start3A_61] : memref<512x50xi32, #tpu.memory_space<vmem>> -> memref<1x50xi32, #tpu.memory_space<vmem>>
    %dma_start3A_63 = tpu.memref_squeeze %dma_start3A_62 : memref<1x50xi32, #tpu.memory_space<vmem>> -> memref<50xi32, #tpu.memory_space<vmem>>
    %dma_start3A_64 = arith.constant 0 : i32
    %dma_start3A_65 = arith.constant 0 : i32
    %dma_start3A_66 = tpu.memref_slice %arg3[%dma_start3A_64, %dma_start3A_65] : memref<1000000x32xf32, #tpu.memory_space<hbm>> -> memref<1000000x32xf32, #tpu.memory_space<hbm>>
    tpu.enqueue_indirect_dma source(%dma_start3A_66 : memref<1000000x32xf32, #tpu.memory_space<hbm>>) target(%dma_start3A_60 : memref<50x32xf32, #tpu.memory_space<vmem>>) offsets(%dma_start3A_63 : memref<50xi32, #tpu.memory_space<vmem>>) semaphore(%arg7 : memref<!tpu.dma_semaphore, #tpu.memory_space<semaphore_mem>>)
    %dma_start3A_67 = arith.constant 5 : i32
    %dma_start3A_68 = arith.constant 0 : i32
    %dma_start3A_69 = arith.constant 5 : i32
    %dma_start3A_70 = arith.constant 0 : i32
    %dma_start3A_71 = arith.constant 0 : i32
    %dma_start3A_72 = tpu.memref_slice %arg6[%dma_start3A_68, %dma_start3A_69, %dma_start3A_70, %dma_start3A_71] : memref<2x16x50x32xf32, #tpu.memory_space<vmem>> -> memref<1x1x50x32xf32, #tpu.memory_space<vmem>>
    %dma_start3A_73 = tpu.memref_squeeze %dma_start3A_72 : memref<1x1x50x32xf32, #tpu.memory_space<vmem>> -> memref<50x32xf32, #tpu.memory_space<vmem>>
    %dma_start3A_74 = arith.constant 0 : i32
    %dma_start3A_75 = tpu.memref_slice %arg5[%dma_start3A_67, %dma_start3A_74] : memref<512x50xi32, #tpu.memory_space<vmem>> -> memref<1x50xi32, #tpu.memory_space<vmem>>
    %dma_start3A_76 = tpu.memref_squeeze %dma_start3A_75 : memref<1x50xi32, #tpu.memory_space<vmem>> -> memref<50xi32, #tpu.memory_space<vmem>>
    %dma_start3A_77 = arith.constant 0 : i32
    %dma_start3A_78 = arith.constant 0 : i32
    %dma_start3A_79 = tpu.memref_slice %arg3[%dma_start3A_77, %dma_start3A_78] : memref<1000000x32xf32, #tpu.memory_space<hbm>> -> memref<1000000x32xf32, #tpu.memory_space<hbm>>
    tpu.enqueue_indirect_dma source(%dma_start3A_79 : memref<1000000x32xf32, #tpu.memory_space<hbm>>) target(%dma_start3A_73 : memref<50x32xf32, #tpu.memory_space<vmem>>) offsets(%dma_start3A_76 : memref<50xi32, #tpu.memory_space<vmem>>) semaphore(%arg7 : memref<!tpu.dma_semaphore, #tpu.memory_space<semaphore_mem>>)
    %dma_start3A_80 = arith.constant 6 : i32
    %dma_start3A_81 = arith.constant 0 : i32
    %dma_start3A_82 = arith.constant 6 : i32
    %dma_start3A_83 = arith.constant 0 : i32
    %dma_start3A_84 = arith.constant 0 : i32
    %dma_start3A_85 = tpu.memref_slice %arg6[%dma_start3A_81, %dma_start3A_82, %dma_start3A_83, %dma_start3A_84] : memref<2x16x50x32xf32, #tpu.memory_space<vmem>> -> memref<1x1x50x32xf32, #tpu.memory_space<vmem>>
    %dma_start3A_86 = tpu.memref_squeeze %dma_start3A_85 : memref<1x1x50x32xf32, #tpu.memory_space<vmem>> -> memref<50x32xf32, #tpu.memory_space<vmem>>
    %dma_start3A_87 = arith.constant 0 : i32
    %dma_start3A_88 = tpu.memref_slice %arg5[%dma_start3A_80, %dma_start3A_87] : memref<512x50xi32, #tpu.memory_space<vmem>> -> memref<1x50xi32, #tpu.memory_space<vmem>>
    %dma_start3A_89 = tpu.memref_squeeze %dma_start3A_88 : memref<1x50xi32, #tpu.memory_space<vmem>> -> memref<50xi32, #tpu.memory_space<vmem>>
    %dma_start3A_90 = arith.constant 0 : i32
    %dma_start3A_91 = arith.constant 0 : i32
    %dma_start3A_92 = tpu.memref_slice %arg3[%dma_start3A_90, %dma_start3A_91] : memref<1000000x32xf32, #tpu.memory_space<hbm>> -> memref<1000000x32xf32, #tpu.memory_space<hbm>>
    tpu.enqueue_indirect_dma source(%dma_start3A_92 : memref<1000000x32xf32, #tpu.memory_space<hbm>>) target(%dma_start3A_86 : memref<50x32xf32, #tpu.memory_space<vmem>>) offsets(%dma_start3A_89 : memref<50xi32, #tpu.memory_space<vmem>>) semaphore(%arg7 : memref<!tpu.dma_semaphore, #tpu.memory_space<semaphore_mem>>)
    %dma_start3A_93 = arith.constant 7 : i32
    %dma_start3A_94 = arith.constant 0 : i32
    %dma_start3A_95 = arith.constant 7 : i32
    %dma_start3A_96 = arith.constant 0 : i32
    %dma_start3A_97 = arith.constant 0 : i32
    %dma_start3A_98 = tpu.memref_slice %arg6[%dma_start3A_94, %dma_start3A_95, %dma_start3A_96, %dma_start3A_97] : memref<2x16x50x32xf32, #tpu.memory_space<vmem>> -> memref<1x1x50x32xf32, #tpu.memory_space<vmem>>
    %dma_start3A_99 = tpu.memref_squeeze %dma_start3A_98 : memref<1x1x50x32xf32, #tpu.memory_space<vmem>> -> memref<50x32xf32, #tpu.memory_space<vmem>>
    %dma_start3A_100 = arith.constant 0 : i32
    %dma_start3A_101 = tpu.memref_slice %arg5[%dma_start3A_93, %dma_start3A_100] : memref<512x50xi32, #tpu.memory_space<vmem>> -> memref<1x50xi32, #tpu.memory_space<vmem>>
    %dma_start3A_102 = tpu.memref_squeeze %dma_start3A_101 : memref<1x50xi32, #tpu.memory_space<vmem>> -> memref<50xi32, #tpu.memory_space<vmem>>
    %dma_start3A_103 = arith.constant 0 : i32
    %dma_start3A_104 = arith.constant 0 : i32
    %dma_start3A_105 = tpu.memref_slice %arg3[%dma_start3A_103, %dma_start3A_104] : memref<1000000x32xf32, #tpu.memory_space<hbm>> -> memref<1000000x32xf32, #tpu.memory_space<hbm>>
    tpu.enqueue_indirect_dma source(%dma_start3A_105 : memref<1000000x32xf32, #tpu.memory_space<hbm>>) target(%dma_start3A_99 : memref<50x32xf32, #tpu.memory_space<vmem>>) offsets(%dma_start3A_102 : memref<50xi32, #tpu.memory_space<vmem>>) semaphore(%arg7 : memref<!tpu.dma_semaphore, #tpu.memory_space<semaphore_mem>>)
    %dma_start3A_106 = arith.constant 8 : i32
    %dma_start3A_107 = arith.constant 0 : i32
    %dma_start3A_108 = arith.constant 8 : i32
    %dma_start3A_109 = arith.constant 0 : i32
    %dma_start3A_110 = arith.constant 0 : i32
    %dma_start3A_111 = tpu.memref_slice %arg6[%dma_start3A_107, %dma_start3A_108, %dma_start3A_109, %dma_start3A_110] : memref<2x16x50x32xf32, #tpu.memory_space<vmem>> -> memref<1x1x50x32xf32, #tpu.memory_space<vmem>>
    %dma_start3A_112 = tpu.memref_squeeze %dma_start3A_111 : memref<1x1x50x32xf32, #tpu.memory_space<vmem>> -> memref<50x32xf32, #tpu.memory_space<vmem>>
    %dma_start3A_113 = arith.constant 0 : i32
    %dma_start3A_114 = tpu.memref_slice %arg5[%dma_start3A_106, %dma_start3A_113] : memref<512x50xi32, #tpu.memory_space<vmem>> -> memref<1x50xi32, #tpu.memory_space<vmem>>
    %dma_start3A_115 = tpu.memref_squeeze %dma_start3A_114 : memref<1x50xi32, #tpu.memory_space<vmem>> -> memref<50xi32, #tpu.memory_space<vmem>>
    %dma_start3A_116 = arith.constant 0 : i32
    %dma_start3A_117 = arith.constant 0 : i32
    %dma_start3A_118 = tpu.memref_slice %arg3[%dma_start3A_116, %dma_start3A_117] : memref<1000000x32xf32, #tpu.memory_space<hbm>> -> memref<1000000x32xf32, #tpu.memory_space<hbm>>
    tpu.enqueue_indirect_dma source(%dma_start3A_118 : memref<1000000x32xf32, #tpu.memory_space<hbm>>) target(%dma_start3A_112 : memref<50x32xf32, #tpu.memory_space<vmem>>) offsets(%dma_start3A_115 : memref<50xi32, #tpu.memory_space<vmem>>) semaphore(%arg7 : memref<!tpu.dma_semaphore, #tpu.memory_space<semaphore_mem>>)
    %dma_start3A_119 = arith.constant 9 : i32
    %dma_start3A_120 = arith.constant 0 : i32
    %dma_start3A_121 = arith.constant 9 : i32
    %dma_start3A_122 = arith.constant 0 : i32
    %dma_start3A_123 = arith.constant 0 : i32
    %dma_start3A_124 = tpu.memref_slice %arg6[%dma_start3A_120, %dma_start3A_121, %dma_start3A_122, %dma_start3A_123] : memref<2x16x50x32xf32, #tpu.memory_space<vmem>> -> memref<1x1x50x32xf32, #tpu.memory_space<vmem>>
    %dma_start3A_125 = tpu.memref_squeeze %dma_start3A_124 : memref<1x1x50x32xf32, #tpu.memory_space<vmem>> -> memref<50x32xf32, #tpu.memory_space<vmem>>
    %dma_start3A_126 = arith.constant 0 : i32
    %dma_start3A_127 = tpu.memref_slice %arg5[%dma_start3A_119, %dma_start3A_126] : memref<512x50xi32, #tpu.memory_space<vmem>> -> memref<1x50xi32, #tpu.memory_space<vmem>>
    %dma_start3A_128 = tpu.memref_squeeze %dma_start3A_127 : memref<1x50xi32, #tpu.memory_space<vmem>> -> memref<50xi32, #tpu.memory_space<vmem>>
    %dma_start3A_129 = arith.constant 0 : i32
    %dma_start3A_130 = arith.constant 0 : i32
    %dma_start3A_131 = tpu.memref_slice %arg3[%dma_start3A_129, %dma_start3A_130] : memref<1000000x32xf32, #tpu.memory_space<hbm>> -> memref<1000000x32xf32, #tpu.memory_space<hbm>>
    tpu.enqueue_indirect_dma source(%dma_start3A_131 : memref<1000000x32xf32, #tpu.memory_space<hbm>>) target(%dma_start3A_125 : memref<50x32xf32, #tpu.memory_space<vmem>>) offsets(%dma_start3A_128 : memref<50xi32, #tpu.memory_space<vmem>>) semaphore(%arg7 : memref<!tpu.dma_semaphore, #tpu.memory_space<semaphore_mem>>)
    %dma_start3A_132 = arith.constant 10 : i32
    %dma_start3A_133 = arith.constant 0 : i32
    %dma_start3A_134 = arith.constant 10 : i32
    %dma_start3A_135 = arith.constant 0 : i32
    %dma_start3A_136 = arith.constant 0 : i32
    %dma_start3A_137 = tpu.memref_slice %arg6[%dma_start3A_133, %dma_start3A_134, %dma_start3A_135, %dma_start3A_136] : memref<2x16x50x32xf32, #tpu.memory_space<vmem>> -> memref<1x1x50x32xf32, #tpu.memory_space<vmem>>
    %dma_start3A_138 = tpu.memref_squeeze %dma_start3A_137 : memref<1x1x50x32xf32, #tpu.memory_space<vmem>> -> memref<50x32xf32, #tpu.memory_space<vmem>>
    %dma_start3A_139 = arith.constant 0 : i32
    %dma_start3A_140 = tpu.memref_slice %arg5[%dma_start3A_132, %dma_start3A_139] : memref<512x50xi32, #tpu.memory_space<vmem>> -> memref<1x50xi32, #tpu.memory_space<vmem>>
    %dma_start3A_141 = tpu.memref_squeeze %dma_start3A_140 : memref<1x50xi32, #tpu.memory_space<vmem>> -> memref<50xi32, #tpu.memory_space<vmem>>
    %dma_start3A_142 = arith.constant 0 : i32
    %dma_start3A_143 = arith.constant 0 : i32
    %dma_start3A_144 = tpu.memref_slice %arg3[%dma_start3A_142, %dma_start3A_143] : memref<1000000x32xf32, #tpu.memory_space<hbm>> -> memref<1000000x32xf32, #tpu.memory_space<hbm>>
    tpu.enqueue_indirect_dma source(%dma_start3A_144 : memref<1000000x32xf32, #tpu.memory_space<hbm>>) target(%dma_start3A_138 : memref<50x32xf32, #tpu.memory_space<vmem>>) offsets(%dma_start3A_141 : memref<50xi32, #tpu.memory_space<vmem>>) semaphore(%arg7 : memref<!tpu.dma_semaphore, #tpu.memory_space<semaphore_mem>>)
    %dma_start3A_145 = arith.constant 11 : i32
    %dma_start3A_146 = arith.constant 0 : i32
    %dma_start3A_147 = arith.constant 11 : i32
    %dma_start3A_148 = arith.constant 0 : i32
    %dma_start3A_149 = arith.constant 0 : i32
    %dma_start3A_150 = tpu.memref_slice %arg6[%dma_start3A_146, %dma_start3A_147, %dma_start3A_148, %dma_start3A_149] : memref<2x16x50x32xf32, #tpu.memory_space<vmem>> -> memref<1x1x50x32xf32, #tpu.memory_space<vmem>>
    %dma_start3A_151 = tpu.memref_squeeze %dma_start3A_150 : memref<1x1x50x32xf32, #tpu.memory_space<vmem>> -> memref<50x32xf32, #tpu.memory_space<vmem>>
    %dma_start3A_152 = arith.constant 0 : i32
    %dma_start3A_153 = tpu.memref_slice %arg5[%dma_start3A_145, %dma_start3A_152] : memref<512x50xi32, #tpu.memory_space<vmem>> -> memref<1x50xi32, #tpu.memory_space<vmem>>
    %dma_start3A_154 = tpu.memref_squeeze %dma_start3A_153 : memref<1x50xi32, #tpu.memory_space<vmem>> -> memref<50xi32, #tpu.memory_space<vmem>>
    %dma_start3A_155 = arith.constant 0 : i32
    %dma_start3A_156 = arith.constant 0 : i32
    %dma_start3A_157 = tpu.memref_slice %arg3[%dma_start3A_155, %dma_start3A_156] : memref<1000000x32xf32, #tpu.memory_space<hbm>> -> memref<1000000x32xf32, #tpu.memory_space<hbm>>
    tpu.enqueue_indirect_dma source(%dma_start3A_157 : memref<1000000x32xf32, #tpu.memory_space<hbm>>) target(%dma_start3A_151 : memref<50x32xf32, #tpu.memory_space<vmem>>) offsets(%dma_start3A_154 : memref<50xi32, #tpu.memory_space<vmem>>) semaphore(%arg7 : memref<!tpu.dma_semaphore, #tpu.memory_space<semaphore_mem>>)
    %dma_start3A_158 = arith.constant 12 : i32
    %dma_start3A_159 = arith.constant 0 : i32
    %dma_start3A_160 = arith.constant 12 : i32
    %dma_start3A_161 = arith.constant 0 : i32
    %dma_start3A_162 = arith.constant 0 : i32
    %dma_start3A_163 = tpu.memref_slice %arg6[%dma_start3A_159, %dma_start3A_160, %dma_start3A_161, %dma_start3A_162] : memref<2x16x50x32xf32, #tpu.memory_space<vmem>> -> memref<1x1x50x32xf32, #tpu.memory_space<vmem>>
    %dma_start3A_164 = tpu.memref_squeeze %dma_start3A_163 : memref<1x1x50x32xf32, #tpu.memory_space<vmem>> -> memref<50x32xf32, #tpu.memory_space<vmem>>
    %dma_start3A_165 = arith.constant 0 : i32
    %dma_start3A_166 = tpu.memref_slice %arg5[%dma_start3A_158, %dma_start3A_165] : memref<512x50xi32, #tpu.memory_space<vmem>> -> memref<1x50xi32, #tpu.memory_space<vmem>>
    %dma_start3A_167 = tpu.memref_squeeze %dma_start3A_166 : memref<1x50xi32, #tpu.memory_space<vmem>> -> memref<50xi32, #tpu.memory_space<vmem>>
    %dma_start3A_168 = arith.constant 0 : i32
    %dma_start3A_169 = arith.constant 0 : i32
    %dma_start3A_170 = tpu.memref_slice %arg3[%dma_start3A_168, %dma_start3A_169] : memref<1000000x32xf32, #tpu.memory_space<hbm>> -> memref<1000000x32xf32, #tpu.memory_space<hbm>>
    tpu.enqueue_indirect_dma source(%dma_start3A_170 : memref<1000000x32xf32, #tpu.memory_space<hbm>>) target(%dma_start3A_164 : memref<50x32xf32, #tpu.memory_space<vmem>>) offsets(%dma_start3A_167 : memref<50xi32, #tpu.memory_space<vmem>>) semaphore(%arg7 : memref<!tpu.dma_semaphore, #tpu.memory_space<semaphore_mem>>)
    %dma_start3A_171 = arith.constant 13 : i32
    %dma_start3A_172 = arith.constant 0 : i32
    %dma_start3A_173 = arith.constant 13 : i32
    %dma_start3A_174 = arith.constant 0 : i32
    %dma_start3A_175 = arith.constant 0 : i32
    %dma_start3A_176 = tpu.memref_slice %arg6[%dma_start3A_172, %dma_start3A_173, %dma_start3A_174, %dma_start3A_175] : memref<2x16x50x32xf32, #tpu.memory_space<vmem>> -> memref<1x1x50x32xf32, #tpu.memory_space<vmem>>
    %dma_start3A_177 = tpu.memref_squeeze %dma_start3A_176 : memref<1x1x50x32xf32, #tpu.memory_space<vmem>> -> memref<50x32xf32, #tpu.memory_space<vmem>>
    %dma_start3A_178 = arith.constant 0 : i32
    %dma_start3A_179 = tpu.memref_slice %arg5[%dma_start3A_171, %dma_start3A_178] : memref<512x50xi32, #tpu.memory_space<vmem>> -> memref<1x50xi32, #tpu.memory_space<vmem>>
    %dma_start3A_180 = tpu.memref_squeeze %dma_start3A_179 : memref<1x50xi32, #tpu.memory_space<vmem>> -> memref<50xi32, #tpu.memory_space<vmem>>
    %dma_start3A_181 = arith.constant 0 : i32
    %dma_start3A_182 = arith.constant 0 : i32
    %dma_start3A_183 = tpu.memref_slice %arg3[%dma_start3A_181, %dma_start3A_182] : memref<1000000x32xf32, #tpu.memory_space<hbm>> -> memref<1000000x32xf32, #tpu.memory_space<hbm>>
    tpu.enqueue_indirect_dma source(%dma_start3A_183 : memref<1000000x32xf32, #tpu.memory_space<hbm>>) target(%dma_start3A_177 : memref<50x32xf32, #tpu.memory_space<vmem>>) offsets(%dma_start3A_180 : memref<50xi32, #tpu.memory_space<vmem>>) semaphore(%arg7 : memref<!tpu.dma_semaphore, #tpu.memory_space<semaphore_mem>>)
    %dma_start3A_184 = arith.constant 14 : i32
    %dma_start3A_185 = arith.constant 0 : i32
    %dma_start3A_186 = arith.constant 14 : i32
    %dma_start3A_187 = arith.constant 0 : i32
    %dma_start3A_188 = arith.constant 0 : i32
    %dma_start3A_189 = tpu.memref_slice %arg6[%dma_start3A_185, %dma_start3A_186, %dma_start3A_187, %dma_start3A_188] : memref<2x16x50x32xf32, #tpu.memory_space<vmem>> -> memref<1x1x50x32xf32, #tpu.memory_space<vmem>>
    %dma_start3A_190 = tpu.memref_squeeze %dma_start3A_189 : memref<1x1x50x32xf32, #tpu.memory_space<vmem>> -> memref<50x32xf32, #tpu.memory_space<vmem>>
    %dma_start3A_191 = arith.constant 0 : i32
    %dma_start3A_192 = tpu.memref_slice %arg5[%dma_start3A_184, %dma_start3A_191] : memref<512x50xi32, #tpu.memory_space<vmem>> -> memref<1x50xi32, #tpu.memory_space<vmem>>
    %dma_start3A_193 = tpu.memref_squeeze %dma_start3A_192 : memref<1x50xi32, #tpu.memory_space<vmem>> -> memref<50xi32, #tpu.memory_space<vmem>>
    %dma_start3A_194 = arith.constant 0 : i32
    %dma_start3A_195 = arith.constant 0 : i32
    %dma_start3A_196 = tpu.memref_slice %arg3[%dma_start3A_194, %dma_start3A_195] : memref<1000000x32xf32, #tpu.memory_space<hbm>> -> memref<1000000x32xf32, #tpu.memory_space<hbm>>
    tpu.enqueue_indirect_dma source(%dma_start3A_196 : memref<1000000x32xf32, #tpu.memory_space<hbm>>) target(%dma_start3A_190 : memref<50x32xf32, #tpu.memory_space<vmem>>) offsets(%dma_start3A_193 : memref<50xi32, #tpu.memory_space<vmem>>) semaphore(%arg7 : memref<!tpu.dma_semaphore, #tpu.memory_space<semaphore_mem>>)
    %dma_start3A_197 = arith.constant 15 : i32
    %dma_start3A_198 = arith.constant 0 : i32
    %dma_start3A_199 = arith.constant 15 : i32
    %dma_start3A_200 = arith.constant 0 : i32
    %dma_start3A_201 = arith.constant 0 : i32
    %dma_start3A_202 = tpu.memref_slice %arg6[%dma_start3A_198, %dma_start3A_199, %dma_start3A_200, %dma_start3A_201] : memref<2x16x50x32xf32, #tpu.memory_space<vmem>> -> memref<1x1x50x32xf32, #tpu.memory_space<vmem>>
    %dma_start3A_203 = tpu.memref_squeeze %dma_start3A_202 : memref<1x1x50x32xf32, #tpu.memory_space<vmem>> -> memref<50x32xf32, #tpu.memory_space<vmem>>
    %dma_start3A_204 = arith.constant 0 : i32
    %dma_start3A_205 = tpu.memref_slice %arg5[%dma_start3A_197, %dma_start3A_204] : memref<512x50xi32, #tpu.memory_space<vmem>> -> memref<1x50xi32, #tpu.memory_space<vmem>>
    %dma_start3A_206 = tpu.memref_squeeze %dma_start3A_205 : memref<1x50xi32, #tpu.memory_space<vmem>> -> memref<50xi32, #tpu.memory_space<vmem>>
    %dma_start3A_207 = arith.constant 0 : i32
    %dma_start3A_208 = arith.constant 0 : i32
    %dma_start3A_209 = tpu.memref_slice %arg3[%dma_start3A_207, %dma_start3A_208] : memref<1000000x32xf32, #tpu.memory_space<hbm>> -> memref<1000000x32xf32, #tpu.memory_space<hbm>>
    tpu.enqueue_indirect_dma source(%dma_start3A_209 : memref<1000000x32xf32, #tpu.memory_space<hbm>>) target(%dma_start3A_203 : memref<50x32xf32, #tpu.memory_space<vmem>>) offsets(%dma_start3A_206 : memref<50xi32, #tpu.memory_space<vmem>>) semaphore(%arg7 : memref<!tpu.dma_semaphore, #tpu.memory_space<semaphore_mem>>)
    %dma_start3A_210 = arith.constant 16 : i32
    %dma_start3A_211 = arith.constant 1 : i32
    %dma_start3A_212 = arith.constant 0 : i32
    %dma_start3A_213 = arith.constant 0 : i32
    %dma_start3A_214 = arith.constant 0 : i32
    %dma_start3A_215 = tpu.memref_slice %arg6[%dma_start3A_211, %dma_start3A_212, %dma_start3A_213, %dma_start3A_214] : memref<2x16x50x32xf32, #tpu.memory_space<vmem>> -> memref<1x1x50x32xf32, #tpu.memory_space<vmem>>
    %dma_start3A_216 = tpu.memref_squeeze %dma_start3A_215 : memref<1x1x50x32xf32, #tpu.memory_space<vmem>> -> memref<50x32xf32, #tpu.memory_space<vmem>>
    %dma_start3A_217 = arith.constant 0 : i32
    %dma_start3A_218 = tpu.memref_slice %arg5[%dma_start3A_210, %dma_start3A_217] : memref<512x50xi32, #tpu.memory_space<vmem>> -> memref<1x50xi32, #tpu.memory_space<vmem>>
    %dma_start3A_219 = tpu.memref_squeeze %dma_start3A_218 : memref<1x50xi32, #tpu.memory_space<vmem>> -> memref<50xi32, #tpu.memory_space<vmem>>
    %dma_start3A_220 = arith.constant 0 : i32
    %dma_start3A_221 = arith.constant 0 : i32
    %dma_start3A_222 = tpu.memref_slice %arg3[%dma_start3A_220, %dma_start3A_221] : memref<1000000x32xf32, #tpu.memory_space<hbm>> -> memref<1000000x32xf32, #tpu.memory_space<hbm>>
    tpu.enqueue_indirect_dma source(%dma_start3A_222 : memref<1000000x32xf32, #tpu.memory_space<hbm>>) target(%dma_start3A_216 : memref<50x32xf32, #tpu.memory_space<vmem>>) offsets(%dma_start3A_219 : memref<50xi32, #tpu.memory_space<vmem>>) semaphore(%arg8 : memref<!tpu.dma_semaphore, #tpu.memory_space<semaphore_mem>>)
    %dma_start3A_223 = arith.constant 17 : i32
    %dma_start3A_224 = arith.constant 1 : i32
    %dma_start3A_225 = arith.constant 1 : i32
    %dma_start3A_226 = arith.constant 0 : i32
    %dma_start3A_227 = arith.constant 0 : i32
    %dma_start3A_228 = tpu.memref_slice %arg6[%dma_start3A_224, %dma_start3A_225, %dma_start3A_226, %dma_start3A_227] : memref<2x16x50x32xf32, #tpu.memory_space<vmem>> -> memref<1x1x50x32xf32, #tpu.memory_space<vmem>>
    %dma_start3A_229 = tpu.memref_squeeze %dma_start3A_228 : memref<1x1x50x32xf32, #tpu.memory_space<vmem>> -> memref<50x32xf32, #tpu.memory_space<vmem>>
    %dma_start3A_230 = arith.constant 0 : i32
    %dma_start3A_231 = tpu.memref_slice %arg5[%dma_start3A_223, %dma_start3A_230] : memref<512x50xi32, #tpu.memory_space<vmem>> -> memref<1x50xi32, #tpu.memory_space<vmem>>
    %dma_start3A_232 = tpu.memref_squeeze %dma_start3A_231 : memref<1x50xi32, #tpu.memory_space<vmem>> -> memref<50xi32, #tpu.memory_space<vmem>>
    %dma_start3A_233 = arith.constant 0 : i32
    %dma_start3A_234 = arith.constant 0 : i32
    %dma_start3A_235 = tpu.memref_slice %arg3[%dma_start3A_233, %dma_start3A_234] : memref<1000000x32xf32, #tpu.memory_space<hbm>> -> memref<1000000x32xf32, #tpu.memory_space<hbm>>
    tpu.enqueue_indirect_dma source(%dma_start3A_235 : memref<1000000x32xf32, #tpu.memory_space<hbm>>) target(%dma_start3A_229 : memref<50x32xf32, #tpu.memory_space<vmem>>) offsets(%dma_start3A_232 : memref<50xi32, #tpu.memory_space<vmem>>) semaphore(%arg8 : memref<!tpu.dma_semaphore, #tpu.memory_space<semaphore_mem>>)
    %dma_start3A_236 = arith.constant 18 : i32
    %dma_start3A_237 = arith.constant 1 : i32
    %dma_start3A_238 = arith.constant 2 : i32
    %dma_start3A_239 = arith.constant 0 : i32
    %dma_start3A_240 = arith.constant 0 : i32
    %dma_start3A_241 = tpu.memref_slice %arg6[%dma_start3A_237, %dma_start3A_238, %dma_start3A_239, %dma_start3A_240] : memref<2x16x50x32xf32, #tpu.memory_space<vmem>> -> memref<1x1x50x32xf32, #tpu.memory_space<vmem>>
    %dma_start3A_242 = tpu.memref_squeeze %dma_start3A_241 : memref<1x1x50x32xf32, #tpu.memory_space<vmem>> -> memref<50x32xf32, #tpu.memory_space<vmem>>
    %dma_start3A_243 = arith.constant 0 : i32
    %dma_start3A_244 = tpu.memref_slice %arg5[%dma_start3A_236, %dma_start3A_243] : memref<512x50xi32, #tpu.memory_space<vmem>> -> memref<1x50xi32, #tpu.memory_space<vmem>>
    %dma_start3A_245 = tpu.memref_squeeze %dma_start3A_244 : memref<1x50xi32, #tpu.memory_space<vmem>> -> memref<50xi32, #tpu.memory_space<vmem>>
    %dma_start3A_246 = arith.constant 0 : i32
    %dma_start3A_247 = arith.constant 0 : i32
    %dma_start3A_248 = tpu.memref_slice %arg3[%dma_start3A_246, %dma_start3A_247] : memref<1000000x32xf32, #tpu.memory_space<hbm>> -> memref<1000000x32xf32, #tpu.memory_space<hbm>>
    tpu.enqueue_indirect_dma source(%dma_start3A_248 : memref<1000000x32xf32, #tpu.memory_space<hbm>>) target(%dma_start3A_242 : memref<50x32xf32, #tpu.memory_space<vmem>>) offsets(%dma_start3A_245 : memref<50xi32, #tpu.memory_space<vmem>>) semaphore(%arg8 : memref<!tpu.dma_semaphore, #tpu.memory_space<semaphore_mem>>)
    %dma_start3A_249 = arith.constant 19 : i32
    %dma_start3A_250 = arith.constant 1 : i32
    %dma_start3A_251 = arith.constant 3 : i32
    %dma_start3A_252 = arith.constant 0 : i32
    %dma_start3A_253 = arith.constant 0 : i32
    %dma_start3A_254 = tpu.memref_slice %arg6[%dma_start3A_250, %dma_start3A_251, %dma_start3A_252, %dma_start3A_253] : memref<2x16x50x32xf32, #tpu.memory_space<vmem>> -> memref<1x1x50x32xf32, #tpu.memory_space<vmem>>
    %dma_start3A_255 = tpu.memref_squeeze %dma_start3A_254 : memref<1x1x50x32xf32, #tpu.memory_space<vmem>> -> memref<50x32xf32, #tpu.memory_space<vmem>>
    %dma_start3A_256 = arith.constant 0 : i32
    %dma_start3A_257 = tpu.memref_slice %arg5[%dma_start3A_249, %dma_start3A_256] : memref<512x50xi32, #tpu.memory_space<vmem>> -> memref<1x50xi32, #tpu.memory_space<vmem>>
    %dma_start3A_258 = tpu.memref_squeeze %dma_start3A_257 : memref<1x50xi32, #tpu.memory_space<vmem>> -> memref<50xi32, #tpu.memory_space<vmem>>
    %dma_start3A_259 = arith.constant 0 : i32
    %dma_start3A_260 = arith.constant 0 : i32
    %dma_start3A_261 = tpu.memref_slice %arg3[%dma_start3A_259, %dma_start3A_260] : memref<1000000x32xf32, #tpu.memory_space<hbm>> -> memref<1000000x32xf32, #tpu.memory_space<hbm>>
    tpu.enqueue_indirect_dma source(%dma_start3A_261 : memref<1000000x32xf32, #tpu.memory_space<hbm>>) target(%dma_start3A_255 : memref<50x32xf32, #tpu.memory_space<vmem>>) offsets(%dma_start3A_258 : memref<50xi32, #tpu.memory_space<vmem>>) semaphore(%arg8 : memref<!tpu.dma_semaphore, #tpu.memory_space<semaphore_mem>>)
    %dma_start3A_262 = arith.constant 20 : i32
    %dma_start3A_263 = arith.constant 1 : i32
    %dma_start3A_264 = arith.constant 4 : i32
    %dma_start3A_265 = arith.constant 0 : i32
    %dma_start3A_266 = arith.constant 0 : i32
    %dma_start3A_267 = tpu.memref_slice %arg6[%dma_start3A_263, %dma_start3A_264, %dma_start3A_265, %dma_start3A_266] : memref<2x16x50x32xf32, #tpu.memory_space<vmem>> -> memref<1x1x50x32xf32, #tpu.memory_space<vmem>>
    %dma_start3A_268 = tpu.memref_squeeze %dma_start3A_267 : memref<1x1x50x32xf32, #tpu.memory_space<vmem>> -> memref<50x32xf32, #tpu.memory_space<vmem>>
    %dma_start3A_269 = arith.constant 0 : i32
    %dma_start3A_270 = tpu.memref_slice %arg5[%dma_start3A_262, %dma_start3A_269] : memref<512x50xi32, #tpu.memory_space<vmem>> -> memref<1x50xi32, #tpu.memory_space<vmem>>
    %dma_start3A_271 = tpu.memref_squeeze %dma_start3A_270 : memref<1x50xi32, #tpu.memory_space<vmem>> -> memref<50xi32, #tpu.memory_space<vmem>>
    %dma_start3A_272 = arith.constant 0 : i32
    %dma_start3A_273 = arith.constant 0 : i32
    %dma_start3A_274 = tpu.memref_slice %arg3[%dma_start3A_272, %dma_start3A_273] : memref<1000000x32xf32, #tpu.memory_space<hbm>> -> memref<1000000x32xf32, #tpu.memory_space<hbm>>
    tpu.enqueue_indirect_dma source(%dma_start3A_274 : memref<1000000x32xf32, #tpu.memory_space<hbm>>) target(%dma_start3A_268 : memref<50x32xf32, #tpu.memory_space<vmem>>) offsets(%dma_start3A_271 : memref<50xi32, #tpu.memory_space<vmem>>) semaphore(%arg8 : memref<!tpu.dma_semaphore, #tpu.memory_space<semaphore_mem>>)
    %dma_start3A_275 = arith.constant 21 : i32
    %dma_start3A_276 = arith.constant 1 : i32
    %dma_start3A_277 = arith.constant 5 : i32
    %dma_start3A_278 = arith.constant 0 : i32
    %dma_start3A_279 = arith.constant 0 : i32
    %dma_start3A_280 = tpu.memref_slice %arg6[%dma_start3A_276, %dma_start3A_277, %dma_start3A_278, %dma_start3A_279] : memref<2x16x50x32xf32, #tpu.memory_space<vmem>> -> memref<1x1x50x32xf32, #tpu.memory_space<vmem>>
    %dma_start3A_281 = tpu.memref_squeeze %dma_start3A_280 : memref<1x1x50x32xf32, #tpu.memory_space<vmem>> -> memref<50x32xf32, #tpu.memory_space<vmem>>
    %dma_start3A_282 = arith.constant 0 : i32
    %dma_start3A_283 = tpu.memref_slice %arg5[%dma_start3A_275, %dma_start3A_282] : memref<512x50xi32, #tpu.memory_space<vmem>> -> memref<1x50xi32, #tpu.memory_space<vmem>>
    %dma_start3A_284 = tpu.memref_squeeze %dma_start3A_283 : memref<1x50xi32, #tpu.memory_space<vmem>> -> memref<50xi32, #tpu.memory_space<vmem>>
    %dma_start3A_285 = arith.constant 0 : i32
    %dma_start3A_286 = arith.constant 0 : i32
    %dma_start3A_287 = tpu.memref_slice %arg3[%dma_start3A_285, %dma_start3A_286] : memref<1000000x32xf32, #tpu.memory_space<hbm>> -> memref<1000000x32xf32, #tpu.memory_space<hbm>>
    tpu.enqueue_indirect_dma source(%dma_start3A_287 : memref<1000000x32xf32, #tpu.memory_space<hbm>>) target(%dma_start3A_281 : memref<50x32xf32, #tpu.memory_space<vmem>>) offsets(%dma_start3A_284 : memref<50xi32, #tpu.memory_space<vmem>>) semaphore(%arg8 : memref<!tpu.dma_semaphore, #tpu.memory_space<semaphore_mem>>)
    %dma_start3A_288 = arith.constant 22 : i32
    %dma_start3A_289 = arith.constant 1 : i32
    %dma_start3A_290 = arith.constant 6 : i32
    %dma_start3A_291 = arith.constant 0 : i32
    %dma_start3A_292 = arith.constant 0 : i32
    %dma_start3A_293 = tpu.memref_slice %arg6[%dma_start3A_289, %dma_start3A_290, %dma_start3A_291, %dma_start3A_292] : memref<2x16x50x32xf32, #tpu.memory_space<vmem>> -> memref<1x1x50x32xf32, #tpu.memory_space<vmem>>
    %dma_start3A_294 = tpu.memref_squeeze %dma_start3A_293 : memref<1x1x50x32xf32, #tpu.memory_space<vmem>> -> memref<50x32xf32, #tpu.memory_space<vmem>>
    %dma_start3A_295 = arith.constant 0 : i32
    %dma_start3A_296 = tpu.memref_slice %arg5[%dma_start3A_288, %dma_start3A_295] : memref<512x50xi32, #tpu.memory_space<vmem>> -> memref<1x50xi32, #tpu.memory_space<vmem>>
    %dma_start3A_297 = tpu.memref_squeeze %dma_start3A_296 : memref<1x50xi32, #tpu.memory_space<vmem>> -> memref<50xi32, #tpu.memory_space<vmem>>
    %dma_start3A_298 = arith.constant 0 : i32
    %dma_start3A_299 = arith.constant 0 : i32
    %dma_start3A_300 = tpu.memref_slice %arg3[%dma_start3A_298, %dma_start3A_299] : memref<1000000x32xf32, #tpu.memory_space<hbm>> -> memref<1000000x32xf32, #tpu.memory_space<hbm>>
    tpu.enqueue_indirect_dma source(%dma_start3A_300 : memref<1000000x32xf32, #tpu.memory_space<hbm>>) target(%dma_start3A_294 : memref<50x32xf32, #tpu.memory_space<vmem>>) offsets(%dma_start3A_297 : memref<50xi32, #tpu.memory_space<vmem>>) semaphore(%arg8 : memref<!tpu.dma_semaphore, #tpu.memory_space<semaphore_mem>>)
    %dma_start3A_301 = arith.constant 23 : i32
    %dma_start3A_302 = arith.constant 1 : i32
    %dma_start3A_303 = arith.constant 7 : i32
    %dma_start3A_304 = arith.constant 0 : i32
    %dma_start3A_305 = arith.constant 0 : i32
    %dma_start3A_306 = tpu.memref_slice %arg6[%dma_start3A_302, %dma_start3A_303, %dma_start3A_304, %dma_start3A_305] : memref<2x16x50x32xf32, #tpu.memory_space<vmem>> -> memref<1x1x50x32xf32, #tpu.memory_space<vmem>>
    %dma_start3A_307 = tpu.memref_squeeze %dma_start3A_306 : memref<1x1x50x32xf32, #tpu.memory_space<vmem>> -> memref<50x32xf32, #tpu.memory_space<vmem>>
    %dma_start3A_308 = arith.constant 0 : i32
    %dma_start3A_309 = tpu.memref_slice %arg5[%dma_start3A_301, %dma_start3A_308] : memref<512x50xi32, #tpu.memory_space<vmem>> -> memref<1x50xi32, #tpu.memory_space<vmem>>
    %dma_start3A_310 = tpu.memref_squeeze %dma_start3A_309 : memref<1x50xi32, #tpu.memory_space<vmem>> -> memref<50xi32, #tpu.memory_space<vmem>>
    %dma_start3A_311 = arith.constant 0 : i32
    %dma_start3A_312 = arith.constant 0 : i32
    %dma_start3A_313 = tpu.memref_slice %arg3[%dma_start3A_311, %dma_start3A_312] : memref<1000000x32xf32, #tpu.memory_space<hbm>> -> memref<1000000x32xf32, #tpu.memory_space<hbm>>
    tpu.enqueue_indirect_dma source(%dma_start3A_313 : memref<1000000x32xf32, #tpu.memory_space<hbm>>) target(%dma_start3A_307 : memref<50x32xf32, #tpu.memory_space<vmem>>) offsets(%dma_start3A_310 : memref<50xi32, #tpu.memory_space<vmem>>) semaphore(%arg8 : memref<!tpu.dma_semaphore, #tpu.memory_space<semaphore_mem>>)
    %dma_start3A_314 = arith.constant 24 : i32
    %dma_start3A_315 = arith.constant 1 : i32
    %dma_start3A_316 = arith.constant 8 : i32
    %dma_start3A_317 = arith.constant 0 : i32
    %dma_start3A_318 = arith.constant 0 : i32
    %dma_start3A_319 = tpu.memref_slice %arg6[%dma_start3A_315, %dma_start3A_316, %dma_start3A_317, %dma_start3A_318] : memref<2x16x50x32xf32, #tpu.memory_space<vmem>> -> memref<1x1x50x32xf32, #tpu.memory_space<vmem>>
    %dma_start3A_320 = tpu.memref_squeeze %dma_start3A_319 : memref<1x1x50x32xf32, #tpu.memory_space<vmem>> -> memref<50x32xf32, #tpu.memory_space<vmem>>
    %dma_start3A_321 = arith.constant 0 : i32
    %dma_start3A_322 = tpu.memref_slice %arg5[%dma_start3A_314, %dma_start3A_321] : memref<512x50xi32, #tpu.memory_space<vmem>> -> memref<1x50xi32, #tpu.memory_space<vmem>>
    %dma_start3A_323 = tpu.memref_squeeze %dma_start3A_322 : memref<1x50xi32, #tpu.memory_space<vmem>> -> memref<50xi32, #tpu.memory_space<vmem>>
    %dma_start3A_324 = arith.constant 0 : i32
    %dma_start3A_325 = arith.constant 0 : i32
    %dma_start3A_326 = tpu.memref_slice %arg3[%dma_start3A_324, %dma_start3A_325] : memref<1000000x32xf32, #tpu.memory_space<hbm>> -> memref<1000000x32xf32, #tpu.memory_space<hbm>>
    tpu.enqueue_indirect_dma source(%dma_start3A_326 : memref<1000000x32xf32, #tpu.memory_space<hbm>>) target(%dma_start3A_320 : memref<50x32xf32, #tpu.memory_space<vmem>>) offsets(%dma_start3A_323 : memref<50xi32, #tpu.memory_space<vmem>>) semaphore(%arg8 : memref<!tpu.dma_semaphore, #tpu.memory_space<semaphore_mem>>)
    %dma_start3A_327 = arith.constant 25 : i32
    %dma_start3A_328 = arith.constant 1 : i32
    %dma_start3A_329 = arith.constant 9 : i32
    %dma_start3A_330 = arith.constant 0 : i32
    %dma_start3A_331 = arith.constant 0 : i32
    %dma_start3A_332 = tpu.memref_slice %arg6[%dma_start3A_328, %dma_start3A_329, %dma_start3A_330, %dma_start3A_331] : memref<2x16x50x32xf32, #tpu.memory_space<vmem>> -> memref<1x1x50x32xf32, #tpu.memory_space<vmem>>
    %dma_start3A_333 = tpu.memref_squeeze %dma_start3A_332 : memref<1x1x50x32xf32, #tpu.memory_space<vmem>> -> memref<50x32xf32, #tpu.memory_space<vmem>>
    %dma_start3A_334 = arith.constant 0 : i32
    %dma_start3A_335 = tpu.memref_slice %arg5[%dma_start3A_327, %dma_start3A_334] : memref<512x50xi32, #tpu.memory_space<vmem>> -> memref<1x50xi32, #tpu.memory_space<vmem>>
    %dma_start3A_336 = tpu.memref_squeeze %dma_start3A_335 : memref<1x50xi32, #tpu.memory_space<vmem>> -> memref<50xi32, #tpu.memory_space<vmem>>
    %dma_start3A_337 = arith.constant 0 : i32
    %dma_start3A_338 = arith.constant 0 : i32
    %dma_start3A_339 = tpu.memref_slice %arg3[%dma_start3A_337, %dma_start3A_338] : memref<1000000x32xf32, #tpu.memory_space<hbm>> -> memref<1000000x32xf32, #tpu.memory_space<hbm>>
    tpu.enqueue_indirect_dma source(%dma_start3A_339 : memref<1000000x32xf32, #tpu.memory_space<hbm>>) target(%dma_start3A_333 : memref<50x32xf32, #tpu.memory_space<vmem>>) offsets(%dma_start3A_336 : memref<50xi32, #tpu.memory_space<vmem>>) semaphore(%arg8 : memref<!tpu.dma_semaphore, #tpu.memory_space<semaphore_mem>>)
    %dma_start3A_340 = arith.constant 26 : i32
    %dma_start3A_341 = arith.constant 1 : i32
    %dma_start3A_342 = arith.constant 10 : i32
    %dma_start3A_343 = arith.constant 0 : i32
    %dma_start3A_344 = arith.constant 0 : i32
    %dma_start3A_345 = tpu.memref_slice %arg6[%dma_start3A_341, %dma_start3A_342, %dma_start3A_343, %dma_start3A_344] : memref<2x16x50x32xf32, #tpu.memory_space<vmem>> -> memref<1x1x50x32xf32, #tpu.memory_space<vmem>>
    %dma_start3A_346 = tpu.memref_squeeze %dma_start3A_345 : memref<1x1x50x32xf32, #tpu.memory_space<vmem>> -> memref<50x32xf32, #tpu.memory_space<vmem>>
    %dma_start3A_347 = arith.constant 0 : i32
    %dma_start3A_348 = tpu.memref_slice %arg5[%dma_start3A_340, %dma_start3A_347] : memref<512x50xi32, #tpu.memory_space<vmem>> -> memref<1x50xi32, #tpu.memory_space<vmem>>
    %dma_start3A_349 = tpu.memref_squeeze %dma_start3A_348 : memref<1x50xi32, #tpu.memory_space<vmem>> -> memref<50xi32, #tpu.memory_space<vmem>>
    %dma_start3A_350 = arith.constant 0 : i32
    %dma_start3A_351 = arith.constant 0 : i32
    %dma_start3A_352 = tpu.memref_slice %arg3[%dma_start3A_350, %dma_start3A_351] : memref<1000000x32xf32, #tpu.memory_space<hbm>> -> memref<1000000x32xf32, #tpu.memory_space<hbm>>
    tpu.enqueue_indirect_dma source(%dma_start3A_352 : memref<1000000x32xf32, #tpu.memory_space<hbm>>) target(%dma_start3A_346 : memref<50x32xf32, #tpu.memory_space<vmem>>) offsets(%dma_start3A_349 : memref<50xi32, #tpu.memory_space<vmem>>) semaphore(%arg8 : memref<!tpu.dma_semaphore, #tpu.memory_space<semaphore_mem>>)
    %dma_start3A_353 = arith.constant 27 : i32
    %dma_start3A_354 = arith.constant 1 : i32
    %dma_start3A_355 = arith.constant 11 : i32
    %dma_start3A_356 = arith.constant 0 : i32
    %dma_start3A_357 = arith.constant 0 : i32
    %dma_start3A_358 = tpu.memref_slice %arg6[%dma_start3A_354, %dma_start3A_355, %dma_start3A_356, %dma_start3A_357] : memref<2x16x50x32xf32, #tpu.memory_space<vmem>> -> memref<1x1x50x32xf32, #tpu.memory_space<vmem>>
    %dma_start3A_359 = tpu.memref_squeeze %dma_start3A_358 : memref<1x1x50x32xf32, #tpu.memory_space<vmem>> -> memref<50x32xf32, #tpu.memory_space<vmem>>
    %dma_start3A_360 = arith.constant 0 : i32
    %dma_start3A_361 = tpu.memref_slice %arg5[%dma_start3A_353, %dma_start3A_360] : memref<512x50xi32, #tpu.memory_space<vmem>> -> memref<1x50xi32, #tpu.memory_space<vmem>>
    %dma_start3A_362 = tpu.memref_squeeze %dma_start3A_361 : memref<1x50xi32, #tpu.memory_space<vmem>> -> memref<50xi32, #tpu.memory_space<vmem>>
    %dma_start3A_363 = arith.constant 0 : i32
    %dma_start3A_364 = arith.constant 0 : i32
    %dma_start3A_365 = tpu.memref_slice %arg3[%dma_start3A_363, %dma_start3A_364] : memref<1000000x32xf32, #tpu.memory_space<hbm>> -> memref<1000000x32xf32, #tpu.memory_space<hbm>>
    tpu.enqueue_indirect_dma source(%dma_start3A_365 : memref<1000000x32xf32, #tpu.memory_space<hbm>>) target(%dma_start3A_359 : memref<50x32xf32, #tpu.memory_space<vmem>>) offsets(%dma_start3A_362 : memref<50xi32, #tpu.memory_space<vmem>>) semaphore(%arg8 : memref<!tpu.dma_semaphore, #tpu.memory_space<semaphore_mem>>)
    %dma_start3A_366 = arith.constant 28 : i32
    %dma_start3A_367 = arith.constant 1 : i32
    %dma_start3A_368 = arith.constant 12 : i32
    %dma_start3A_369 = arith.constant 0 : i32
    %dma_start3A_370 = arith.constant 0 : i32
    %dma_start3A_371 = tpu.memref_slice %arg6[%dma_start3A_367, %dma_start3A_368, %dma_start3A_369, %dma_start3A_370] : memref<2x16x50x32xf32, #tpu.memory_space<vmem>> -> memref<1x1x50x32xf32, #tpu.memory_space<vmem>>
    %dma_start3A_372 = tpu.memref_squeeze %dma_start3A_371 : memref<1x1x50x32xf32, #tpu.memory_space<vmem>> -> memref<50x32xf32, #tpu.memory_space<vmem>>
    %dma_start3A_373 = arith.constant 0 : i32
    %dma_start3A_374 = tpu.memref_slice %arg5[%dma_start3A_366, %dma_start3A_373] : memref<512x50xi32, #tpu.memory_space<vmem>> -> memref<1x50xi32, #tpu.memory_space<vmem>>
    %dma_start3A_375 = tpu.memref_squeeze %dma_start3A_374 : memref<1x50xi32, #tpu.memory_space<vmem>> -> memref<50xi32, #tpu.memory_space<vmem>>
    %dma_start3A_376 = arith.constant 0 : i32
    %dma_start3A_377 = arith.constant 0 : i32
    %dma_start3A_378 = tpu.memref_slice %arg3[%dma_start3A_376, %dma_start3A_377] : memref<1000000x32xf32, #tpu.memory_space<hbm>> -> memref<1000000x32xf32, #tpu.memory_space<hbm>>
    tpu.enqueue_indirect_dma source(%dma_start3A_378 : memref<1000000x32xf32, #tpu.memory_space<hbm>>) target(%dma_start3A_372 : memref<50x32xf32, #tpu.memory_space<vmem>>) offsets(%dma_start3A_375 : memref<50xi32, #tpu.memory_space<vmem>>) semaphore(%arg8 : memref<!tpu.dma_semaphore, #tpu.memory_space<semaphore_mem>>)
    %dma_start3A_379 = arith.constant 29 : i32
    %dma_start3A_380 = arith.constant 1 : i32
    %dma_start3A_381 = arith.constant 13 : i32
    %dma_start3A_382 = arith.constant 0 : i32
    %dma_start3A_383 = arith.constant 0 : i32
    %dma_start3A_384 = tpu.memref_slice %arg6[%dma_start3A_380, %dma_start3A_381, %dma_start3A_382, %dma_start3A_383] : memref<2x16x50x32xf32, #tpu.memory_space<vmem>> -> memref<1x1x50x32xf32, #tpu.memory_space<vmem>>
    %dma_start3A_385 = tpu.memref_squeeze %dma_start3A_384 : memref<1x1x50x32xf32, #tpu.memory_space<vmem>> -> memref<50x32xf32, #tpu.memory_space<vmem>>
    %dma_start3A_386 = arith.constant 0 : i32
    %dma_start3A_387 = tpu.memref_slice %arg5[%dma_start3A_379, %dma_start3A_386] : memref<512x50xi32, #tpu.memory_space<vmem>> -> memref<1x50xi32, #tpu.memory_space<vmem>>
    %dma_start3A_388 = tpu.memref_squeeze %dma_start3A_387 : memref<1x50xi32, #tpu.memory_space<vmem>> -> memref<50xi32, #tpu.memory_space<vmem>>
    %dma_start3A_389 = arith.constant 0 : i32
    %dma_start3A_390 = arith.constant 0 : i32
    %dma_start3A_391 = tpu.memref_slice %arg3[%dma_start3A_389, %dma_start3A_390] : memref<1000000x32xf32, #tpu.memory_space<hbm>> -> memref<1000000x32xf32, #tpu.memory_space<hbm>>
    tpu.enqueue_indirect_dma source(%dma_start3A_391 : memref<1000000x32xf32, #tpu.memory_space<hbm>>) target(%dma_start3A_385 : memref<50x32xf32, #tpu.memory_space<vmem>>) offsets(%dma_start3A_388 : memref<50xi32, #tpu.memory_space<vmem>>) semaphore(%arg8 : memref<!tpu.dma_semaphore, #tpu.memory_space<semaphore_mem>>)
    %dma_start3A_392 = arith.constant 30 : i32
    %dma_start3A_393 = arith.constant 1 : i32
    %dma_start3A_394 = arith.constant 14 : i32
    %dma_start3A_395 = arith.constant 0 : i32
    %dma_start3A_396 = arith.constant 0 : i32
    %dma_start3A_397 = tpu.memref_slice %arg6[%dma_start3A_393, %dma_start3A_394, %dma_start3A_395, %dma_start3A_396] : memref<2x16x50x32xf32, #tpu.memory_space<vmem>> -> memref<1x1x50x32xf32, #tpu.memory_space<vmem>>
    %dma_start3A_398 = tpu.memref_squeeze %dma_start3A_397 : memref<1x1x50x32xf32, #tpu.memory_space<vmem>> -> memref<50x32xf32, #tpu.memory_space<vmem>>
    %dma_start3A_399 = arith.constant 0 : i32
    %dma_start3A_400 = tpu.memref_slice %arg5[%dma_start3A_392, %dma_start3A_399] : memref<512x50xi32, #tpu.memory_space<vmem>> -> memref<1x50xi32, #tpu.memory_space<vmem>>
    %dma_start3A_401 = tpu.memref_squeeze %dma_start3A_400 : memref<1x50xi32, #tpu.memory_space<vmem>> -> memref<50xi32, #tpu.memory_space<vmem>>
    %dma_start3A_402 = arith.constant 0 : i32
    %dma_start3A_403 = arith.constant 0 : i32
    %dma_start3A_404 = tpu.memref_slice %arg3[%dma_start3A_402, %dma_start3A_403] : memref<1000000x32xf32, #tpu.memory_space<hbm>> -> memref<1000000x32xf32, #tpu.memory_space<hbm>>
    tpu.enqueue_indirect_dma source(%dma_start3A_404 : memref<1000000x32xf32, #tpu.memory_space<hbm>>) target(%dma_start3A_398 : memref<50x32xf32, #tpu.memory_space<vmem>>) offsets(%dma_start3A_401 : memref<50xi32, #tpu.memory_space<vmem>>) semaphore(%arg8 : memref<!tpu.dma_semaphore, #tpu.memory_space<semaphore_mem>>)
    %dma_start3A_405 = arith.constant 31 : i32
    %dma_start3A_406 = arith.constant 1 : i32
    %dma_start3A_407 = arith.constant 15 : i32
    %dma_start3A_408 = arith.constant 0 : i32
    %dma_start3A_409 = arith.constant 0 : i32
    %dma_start3A_410 = tpu.memref_slice %arg6[%dma_start3A_406, %dma_start3A_407, %dma_start3A_408, %dma_start3A_409] : memref<2x16x50x32xf32, #tpu.memory_space<vmem>> -> memref<1x1x50x32xf32, #tpu.memory_space<vmem>>
    %dma_start3A_411 = tpu.memref_squeeze %dma_start3A_410 : memref<1x1x50x32xf32, #tpu.memory_space<vmem>> -> memref<50x32xf32, #tpu.memory_space<vmem>>
    %dma_start3A_412 = arith.constant 0 : i32
    %dma_start3A_413 = tpu.memref_slice %arg5[%dma_start3A_405, %dma_start3A_412] : memref<512x50xi32, #tpu.memory_space<vmem>> -> memref<1x50xi32, #tpu.memory_space<vmem>>
    %dma_start3A_414 = tpu.memref_squeeze %dma_start3A_413 : memref<1x50xi32, #tpu.memory_space<vmem>> -> memref<50xi32, #tpu.memory_space<vmem>>
    %dma_start3A_415 = arith.constant 0 : i32
    %dma_start3A_416 = arith.constant 0 : i32
    %dma_start3A_417 = tpu.memref_slice %arg3[%dma_start3A_415, %dma_start3A_416] : memref<1000000x32xf32, #tpu.memory_space<hbm>> -> memref<1000000x32xf32, #tpu.memory_space<hbm>>
    tpu.enqueue_indirect_dma source(%dma_start3A_417 : memref<1000000x32xf32, #tpu.memory_space<hbm>>) target(%dma_start3A_411 : memref<50x32xf32, #tpu.memory_space<vmem>>) offsets(%dma_start3A_414 : memref<50xi32, #tpu.memory_space<vmem>>) semaphore(%arg8 : memref<!tpu.dma_semaphore, #tpu.memory_space<semaphore_mem>>)
    %dma_wait3A = arith.constant 0 : i32
    %dma_wait3A_418 = arith.constant 0 : i32
    %dma_wait3A_419 = arith.constant 0 : i32
    %dma_wait3A_420 = arith.constant 0 : i32
    %dma_wait3A_421 = tpu.memref_slice %arg6[%dma_wait3A, %dma_wait3A_418, %dma_wait3A_419, %dma_wait3A_420] : memref<2x16x50x32xf32, #tpu.memory_space<vmem>> -> memref<1x16x50x32xf32, #tpu.memory_space<vmem>>
    %dma_wait3A_422 = tpu.memref_squeeze %dma_wait3A_421 : memref<1x16x50x32xf32, #tpu.memory_space<vmem>> -> memref<16x50x32xf32, #tpu.memory_space<vmem>>
    %dma_wait3A_423 = arith.constant 0 : i32
    %dma_wait3A_424 = arith.constant 0 : i32
    %dma_wait3A_425 = arith.constant 0 : i32
    %dma_wait3A_426 = tpu.memref_slice %arg4[%dma_wait3A_423, %dma_wait3A_424, %dma_wait3A_425] : memref<16384x50x32xf32, #tpu.memory_space<hbm>> -> memref<16x50x32xf32, #tpu.memory_space<hbm>>
    %dma_wait3A_427 = arith.constant 0 : i32
    %dma_wait3A_428 = arith.constant 0 : i32
    %dma_wait3A_429 = arith.constant 0 : i32
    %dma_wait3A_430 = tpu.memref_slice %arg6[%dma_wait3A, %dma_wait3A_427, %dma_wait3A_428, %dma_wait3A_429] : memref<2x16x50x32xf32, #tpu.memory_space<vmem>> -> memref<1x16x50x32xf32, #tpu.memory_space<vmem>>
    %dma_wait3A_431 = tpu.memref_squeeze %dma_wait3A_430 : memref<1x16x50x32xf32, #tpu.memory_space<vmem>> -> memref<16x50x32xf32, #tpu.memory_space<vmem>>
    %dma_wait3A_432 = arith.constant 0 : i32
    %dma_wait3A_433 = arith.constant 0 : i32
    %dma_wait3A_434 = arith.constant 0 : i32
    %dma_wait3A_435 = tpu.memref_slice %arg4[%dma_wait3A_432, %dma_wait3A_433, %dma_wait3A_434] : memref<16384x50x32xf32, #tpu.memory_space<hbm>> -> memref<16x50x32xf32, #tpu.memory_space<hbm>>
    tpu.wait_dma2 semaphore(%arg7 : memref<!tpu.dma_semaphore, #tpu.memory_space<semaphore_mem>>) src(%dma_wait3A_435 : memref<16x50x32xf32, #tpu.memory_space<hbm>>) dst(%dma_wait3A_431 : memref<16x50x32xf32, #tpu.memory_space<vmem>>)
    %add3A_436 = arith.constant 0 : i32
    %add3A_437 = arith.addi %mul3A_2, %add3A_436 : i32
    %dma_start3A_438 = arith.constant 0 : i32
    %dma_start3A_439 = arith.constant 0 : i32
    %dma_start3A_440 = arith.constant 0 : i32
    %dma_start3A_441 = arith.constant 0 : i32
    %dma_start3A_442 = tpu.memref_slice %arg6[%dma_start3A_438, %dma_start3A_439, %dma_start3A_440, %dma_start3A_441] : memref<2x16x50x32xf32, #tpu.memory_space<vmem>> -> memref<1x16x50x32xf32, #tpu.memory_space<vmem>>
    %dma_start3A_443 = tpu.memref_squeeze %dma_start3A_442 : memref<1x16x50x32xf32, #tpu.memory_space<vmem>> -> memref<16x50x32xf32, #tpu.memory_space<vmem>>
    %dma_start3A_444 = arith.constant 0 : i32
    %dma_start3A_445 = arith.constant 0 : i32
    %dma_start3A_446 = tpu.memref_slice %arg4[%add3A_437, %dma_start3A_444, %dma_start3A_445] : memref<16384x50x32xf32, #tpu.memory_space<hbm>> -> memref<16x50x32xf32, #tpu.memory_space<hbm>>
    %dma_start3A_447 = arith.constant 0 : i32
    %dma_start3A_448 = arith.constant 0 : i32
    %dma_start3A_449 = tpu.memref_slice %arg4[%add3A_437, %dma_start3A_447, %dma_start3A_448] : memref<16384x50x32xf32, #tpu.memory_space<hbm>> -> memref<16x50x32xf32, #tpu.memory_space<hbm>>
    %dma_start3A_450 = arith.constant 0 : i32
    %dma_start3A_451 = arith.constant 0 : i32
    %dma_start3A_452 = arith.constant 0 : i32
    %dma_start3A_453 = tpu.memref_slice %arg6[%dma_start3A_438, %dma_start3A_450, %dma_start3A_451, %dma_start3A_452] : memref<2x16x50x32xf32, #tpu.memory_space<vmem>> -> memref<1x16x50x32xf32, #tpu.memory_space<vmem>>
    %dma_start3A_454 = tpu.memref_squeeze %dma_start3A_453 : memref<1x16x50x32xf32, #tpu.memory_space<vmem>> -> memref<16x50x32xf32, #tpu.memory_space<vmem>>
    tpu.enqueue_dma source(%dma_start3A_454 : memref<16x50x32xf32, #tpu.memory_space<vmem>>) target(%dma_start3A_449 : memref<16x50x32xf32, #tpu.memory_space<hbm>>) target_semaphore(%arg9 : memref<!tpu.dma_semaphore, #tpu.memory_space<semaphore_mem>>)
    %dma_wait3A_455 = arith.constant 0 : i32
    %dma_wait3A_456 = arith.constant 0 : i32
    %dma_wait3A_457 = arith.constant 0 : i32
    %dma_wait3A_458 = arith.constant 0 : i32
    %dma_wait3A_459 = tpu.memref_slice %arg6[%dma_wait3A_455, %dma_wait3A_456, %dma_wait3A_457, %dma_wait3A_458] : memref<2x16x50x32xf32, #tpu.memory_space<vmem>> -> memref<1x16x50x32xf32, #tpu.memory_space<vmem>>
    %dma_wait3A_460 = tpu.memref_squeeze %dma_wait3A_459 : memref<1x16x50x32xf32, #tpu.memory_space<vmem>> -> memref<16x50x32xf32, #tpu.memory_space<vmem>>
    %dma_wait3A_461 = arith.constant 0 : i32
    %dma_wait3A_462 = arith.constant 0 : i32
    %dma_wait3A_463 = arith.constant 0 : i32
    %dma_wait3A_464 = tpu.memref_slice %arg4[%dma_wait3A_461, %dma_wait3A_462, %dma_wait3A_463] : memref<16384x50x32xf32, #tpu.memory_space<hbm>> -> memref<16x50x32xf32, #tpu.memory_space<hbm>>
    %dma_wait3A_465 = arith.constant 0 : i32
    %dma_wait3A_466 = arith.constant 0 : i32
    %dma_wait3A_467 = arith.constant 0 : i32
    %dma_wait3A_468 = tpu.memref_slice %arg4[%dma_wait3A_465, %dma_wait3A_466, %dma_wait3A_467] : memref<16384x50x32xf32, #tpu.memory_space<hbm>> -> memref<16x50x32xf32, #tpu.memory_space<hbm>>
    %dma_wait3A_469 = arith.constant 0 : i32
    %dma_wait3A_470 = arith.constant 0 : i32
    %dma_wait3A_471 = arith.constant 0 : i32
    %dma_wait3A_472 = tpu.memref_slice %arg6[%dma_wait3A_455, %dma_wait3A_469, %dma_wait3A_470, %dma_wait3A_471] : memref<2x16x50x32xf32, #tpu.memory_space<vmem>> -> memref<1x16x50x32xf32, #tpu.memory_space<vmem>>
    %dma_wait3A_473 = tpu.memref_squeeze %dma_wait3A_472 : memref<1x16x50x32xf32, #tpu.memory_space<vmem>> -> memref<16x50x32xf32, #tpu.memory_space<vmem>>
    tpu.wait_dma2 semaphore(%arg9 : memref<!tpu.dma_semaphore, #tpu.memory_space<semaphore_mem>>) src(%dma_wait3A_473 : memref<16x50x32xf32, #tpu.memory_space<vmem>>) dst(%dma_wait3A_468 : memref<16x50x32xf32, #tpu.memory_space<hbm>>)
    %dma_start3A_474 = arith.constant 32 : i32
    %dma_start3A_475 = arith.constant 0 : i32
    %dma_start3A_476 = arith.constant 0 : i32
    %dma_start3A_477 = arith.constant 0 : i32
    %dma_start3A_478 = arith.constant 0 : i32
    %dma_start3A_479 = tpu.memref_slice %arg6[%dma_start3A_475, %dma_start3A_476, %dma_start3A_477, %dma_start3A_478] : memref<2x16x50x32xf32, #tpu.memory_space<vmem>> -> memref<1x1x50x32xf32, #tpu.memory_space<vmem>>
    %dma_start3A_480 = tpu.memref_squeeze %dma_start3A_479 : memref<1x1x50x32xf32, #tpu.memory_space<vmem>> -> memref<50x32xf32, #tpu.memory_space<vmem>>
    %dma_start3A_481 = arith.constant 0 : i32
    %dma_start3A_482 = tpu.memref_slice %arg5[%dma_start3A_474, %dma_start3A_481] : memref<512x50xi32, #tpu.memory_space<vmem>> -> memref<1x50xi32, #tpu.memory_space<vmem>>
    %dma_start3A_483 = tpu.memref_squeeze %dma_start3A_482 : memref<1x50xi32, #tpu.memory_space<vmem>> -> memref<50xi32, #tpu.memory_space<vmem>>
    %dma_start3A_484 = arith.constant 0 : i32
    %dma_start3A_485 = arith.constant 0 : i32
    %dma_start3A_486 = tpu.memref_slice %arg3[%dma_start3A_484, %dma_start3A_485] : memref<1000000x32xf32, #tpu.memory_space<hbm>> -> memref<1000000x32xf32, #tpu.memory_space<hbm>>
    tpu.enqueue_indirect_dma source(%dma_start3A_486 : memref<1000000x32xf32, #tpu.memory_space<hbm>>) target(%dma_start3A_480 : memref<50x32xf32, #tpu.memory_space<vmem>>) offsets(%dma_start3A_483 : memref<50xi32, #tpu.memory_space<vmem>>) semaphore(%arg7 : memref<!tpu.dma_semaphore, #tpu.memory_space<semaphore_mem>>)
    %dma_start3A_487 = arith.constant 33 : i32
    %dma_start3A_488 = arith.constant 0 : i32
    %dma_start3A_489 = arith.constant 1 : i32
    %dma_start3A_490 = arith.constant 0 : i32
    %dma_start3A_491 = arith.constant 0 : i32
    %dma_start3A_492 = tpu.memref_slice %arg6[%dma_start3A_488, %dma_start3A_489, %dma_start3A_490, %dma_start3A_491] : memref<2x16x50x32xf32, #tpu.memory_space<vmem>> -> memref<1x1x50x32xf32, #tpu.memory_space<vmem>>
    %dma_start3A_493 = tpu.memref_squeeze %dma_start3A_492 : memref<1x1x50x32xf32, #tpu.memory_space<vmem>> -> memref<50x32xf32, #tpu.memory_space<vmem>>
    %dma_start3A_494 = arith.constant 0 : i32
    %dma_start3A_495 = tpu.memref_slice %arg5[%dma_start3A_487, %dma_start3A_494] : memref<512x50xi32, #tpu.memory_space<vmem>> -> memref<1x50xi32, #tpu.memory_space<vmem>>
    %dma_start3A_496 = tpu.memref_squeeze %dma_start3A_495 : memref<1x50xi32, #tpu.memory_space<vmem>> -> memref<50xi32, #tpu.memory_space<vmem>>
    %dma_start3A_497 = arith.constant 0 : i32
    %dma_start3A_498 = arith.constant 0 : i32
    %dma_start3A_499 = tpu.memref_slice %arg3[%dma_start3A_497, %dma_start3A_498] : memref<1000000x32xf32, #tpu.memory_space<hbm>> -> memref<1000000x32xf32, #tpu.memory_space<hbm>>
    tpu.enqueue_indirect_dma source(%dma_start3A_499 : memref<1000000x32xf32, #tpu.memory_space<hbm>>) target(%dma_start3A_493 : memref<50x32xf32, #tpu.memory_space<vmem>>) offsets(%dma_start3A_496 : memref<50xi32, #tpu.memory_space<vmem>>) semaphore(%arg7 : memref<!tpu.dma_semaphore, #tpu.memory_space<semaphore_mem>>)
    %dma_start3A_500 = arith.constant 34 : i32
    %dma_start3A_501 = arith.constant 0 : i32
    %dma_start3A_502 = arith.constant 2 : i32
    %dma_start3A_503 = arith.constant 0 : i32
    %dma_start3A_504 = arith.constant 0 : i32
    %dma_start3A_505 = tpu.memref_slice %arg6[%dma_start3A_501, %dma_start3A_502, %dma_start3A_503, %dma_start3A_504] : memref<2x16x50x32xf32, #tpu.memory_space<vmem>> -> memref<1x1x50x32xf32, #tpu.memory_space<vmem>>
    %dma_start3A_506 = tpu.memref_squeeze %dma_start3A_505 : memref<1x1x50x32xf32, #tpu.memory_space<vmem>> -> memref<50x32xf32, #tpu.memory_space<vmem>>
    %dma_start3A_507 = arith.constant 0 : i32
    %dma_start3A_508 = tpu.memref_slice %arg5[%dma_start3A_500, %dma_start3A_507] : memref<512x50xi32, #tpu.memory_space<vmem>> -> memref<1x50xi32, #tpu.memory_space<vmem>>
    %dma_start3A_509 = tpu.memref_squeeze %dma_start3A_508 : memref<1x50xi32, #tpu.memory_space<vmem>> -> memref<50xi32, #tpu.memory_space<vmem>>
    %dma_start3A_510 = arith.constant 0 : i32
    %dma_start3A_511 = arith.constant 0 : i32
    %dma_start3A_512 = tpu.memref_slice %arg3[%dma_start3A_510, %dma_start3A_511] : memref<1000000x32xf32, #tpu.memory_space<hbm>> -> memref<1000000x32xf32, #tpu.memory_space<hbm>>
    tpu.enqueue_indirect_dma source(%dma_start3A_512 : memref<1000000x32xf32, #tpu.memory_space<hbm>>) target(%dma_start3A_506 : memref<50x32xf32, #tpu.memory_space<vmem>>) offsets(%dma_start3A_509 : memref<50xi32, #tpu.memory_space<vmem>>) semaphore(%arg7 : memref<!tpu.dma_semaphore, #tpu.memory_space<semaphore_mem>>)
    %dma_start3A_513 = arith.constant 35 : i32
    %dma_start3A_514 = arith.constant 0 : i32
    %dma_start3A_515 = arith.constant 3 : i32
    %dma_start3A_516 = arith.constant 0 : i32
    %dma_start3A_517 = arith.constant 0 : i32
    %dma_start3A_518 = tpu.memref_slice %arg6[%dma_start3A_514, %dma_start3A_515, %dma_start3A_516, %dma_start3A_517] : memref<2x16x50x32xf32, #tpu.memory_space<vmem>> -> memref<1x1x50x32xf32, #tpu.memory_space<vmem>>
    %dma_start3A_519 = tpu.memref_squeeze %dma_start3A_518 : memref<1x1x50x32xf32, #tpu.memory_space<vmem>> -> memref<50x32xf32, #tpu.memory_space<vmem>>
    %dma_start3A_520 = arith.constant 0 : i32
    %dma_start3A_521 = tpu.memref_slice %arg5[%dma_start3A_513, %dma_start3A_520] : memref<512x50xi32, #tpu.memory_space<vmem>> -> memref<1x50xi32, #tpu.memory_space<vmem>>
    %dma_start3A_522 = tpu.memref_squeeze %dma_start3A_521 : memref<1x50xi32, #tpu.memory_space<vmem>> -> memref<50xi32, #tpu.memory_space<vmem>>
    %dma_start3A_523 = arith.constant 0 : i32
    %dma_start3A_524 = arith.constant 0 : i32
    %dma_start3A_525 = tpu.memref_slice %arg3[%dma_start3A_523, %dma_start3A_524] : memref<1000000x32xf32, #tpu.memory_space<hbm>> -> memref<1000000x32xf32, #tpu.memory_space<hbm>>
    tpu.enqueue_indirect_dma source(%dma_start3A_525 : memref<1000000x32xf32, #tpu.memory_space<hbm>>) target(%dma_start3A_519 : memref<50x32xf32, #tpu.memory_space<vmem>>) offsets(%dma_start3A_522 : memref<50xi32, #tpu.memory_space<vmem>>) semaphore(%arg7 : memref<!tpu.dma_semaphore, #tpu.memory_space<semaphore_mem>>)
    %dma_start3A_526 = arith.constant 36 : i32
    %dma_start3A_527 = arith.constant 0 : i32
    %dma_start3A_528 = arith.constant 4 : i32
    %dma_start3A_529 = arith.constant 0 : i32
    %dma_start3A_530 = arith.constant 0 : i32
    %dma_start3A_531 = tpu.memref_slice %arg6[%dma_start3A_527, %dma_start3A_528, %dma_start3A_529, %dma_start3A_530] : memref<2x16x50x32xf32, #tpu.memory_space<vmem>> -> memref<1x1x50x32xf32, #tpu.memory_space<vmem>>
    %dma_start3A_532 = tpu.memref_squeeze %dma_start3A_531 : memref<1x1x50x32xf32, #tpu.memory_space<vmem>> -> memref<50x32xf32, #tpu.memory_space<vmem>>
    %dma_start3A_533 = arith.constant 0 : i32
    %dma_start3A_534 = tpu.memref_slice %arg5[%dma_start3A_526, %dma_start3A_533] : memref<512x50xi32, #tpu.memory_space<vmem>> -> memref<1x50xi32, #tpu.memory_space<vmem>>
    %dma_start3A_535 = tpu.memref_squeeze %dma_start3A_534 : memref<1x50xi32, #tpu.memory_space<vmem>> -> memref<50xi32, #tpu.memory_space<vmem>>
    %dma_start3A_536 = arith.constant 0 : i32
    %dma_start3A_537 = arith.constant 0 : i32
    %dma_start3A_538 = tpu.memref_slice %arg3[%dma_start3A_536, %dma_start3A_537] : memref<1000000x32xf32, #tpu.memory_space<hbm>> -> memref<1000000x32xf32, #tpu.memory_space<hbm>>
    tpu.enqueue_indirect_dma source(%dma_start3A_538 : memref<1000000x32xf32, #tpu.memory_space<hbm>>) target(%dma_start3A_532 : memref<50x32xf32, #tpu.memory_space<vmem>>) offsets(%dma_start3A_535 : memref<50xi32, #tpu.memory_space<vmem>>) semaphore(%arg7 : memref<!tpu.dma_semaphore, #tpu.memory_space<semaphore_mem>>)
    %dma_start3A_539 = arith.constant 37 : i32
    %dma_start3A_540 = arith.constant 0 : i32
    %dma_start3A_541 = arith.constant 5 : i32
    %dma_start3A_542 = arith.constant 0 : i32
    %dma_start3A_543 = arith.constant 0 : i32
    %dma_start3A_544 = tpu.memref_slice %arg6[%dma_start3A_540, %dma_start3A_541, %dma_start3A_542, %dma_start3A_543] : memref<2x16x50x32xf32, #tpu.memory_space<vmem>> -> memref<1x1x50x32xf32, #tpu.memory_space<vmem>>
    %dma_start3A_545 = tpu.memref_squeeze %dma_start3A_544 : memref<1x1x50x32xf32, #tpu.memory_space<vmem>> -> memref<50x32xf32, #tpu.memory_space<vmem>>
    %dma_start3A_546 = arith.constant 0 : i32
    %dma_start3A_547 = tpu.memref_slice %arg5[%dma_start3A_539, %dma_start3A_546] : memref<512x50xi32, #tpu.memory_space<vmem>> -> memref<1x50xi32, #tpu.memory_space<vmem>>
    %dma_start3A_548 = tpu.memref_squeeze %dma_start3A_547 : memref<1x50xi32, #tpu.memory_space<vmem>> -> memref<50xi32, #tpu.memory_space<vmem>>
    %dma_start3A_549 = arith.constant 0 : i32
    %dma_start3A_550 = arith.constant 0 : i32
    %dma_start3A_551 = tpu.memref_slice %arg3[%dma_start3A_549, %dma_start3A_550] : memref<1000000x32xf32, #tpu.memory_space<hbm>> -> memref<1000000x32xf32, #tpu.memory_space<hbm>>
    tpu.enqueue_indirect_dma source(%dma_start3A_551 : memref<1000000x32xf32, #tpu.memory_space<hbm>>) target(%dma_start3A_545 : memref<50x32xf32, #tpu.memory_space<vmem>>) offsets(%dma_start3A_548 : memref<50xi32, #tpu.memory_space<vmem>>) semaphore(%arg7 : memref<!tpu.dma_semaphore, #tpu.memory_space<semaphore_mem>>)
    %dma_start3A_552 = arith.constant 38 : i32
    %dma_start3A_553 = arith.constant 0 : i32
    %dma_start3A_554 = arith.constant 6 : i32
    %dma_start3A_555 = arith.constant 0 : i32
    %dma_start3A_556 = arith.constant 0 : i32
    %dma_start3A_557 = tpu.memref_slice %arg6[%dma_start3A_553, %dma_start3A_554, %dma_start3A_555, %dma_start3A_556] : memref<2x16x50x32xf32, #tpu.memory_space<vmem>> -> memref<1x1x50x32xf32, #tpu.memory_space<vmem>>
    %dma_start3A_558 = tpu.memref_squeeze %dma_start3A_557 : memref<1x1x50x32xf32, #tpu.memory_space<vmem>> -> memref<50x32xf32, #tpu.memory_space<vmem>>
    %dma_start3A_559 = arith.constant 0 : i32
    %dma_start3A_560 = tpu.memref_slice %arg5[%dma_start3A_552, %dma_start3A_559] : memref<512x50xi32, #tpu.memory_space<vmem>> -> memref<1x50xi32, #tpu.memory_space<vmem>>
    %dma_start3A_561 = tpu.memref_squeeze %dma_start3A_560 : memref<1x50xi32, #tpu.memory_space<vmem>> -> memref<50xi32, #tpu.memory_space<vmem>>
    %dma_start3A_562 = arith.constant 0 : i32
    %dma_start3A_563 = arith.constant 0 : i32
    %dma_start3A_564 = tpu.memref_slice %arg3[%dma_start3A_562, %dma_start3A_563] : memref<1000000x32xf32, #tpu.memory_space<hbm>> -> memref<1000000x32xf32, #tpu.memory_space<hbm>>
    tpu.enqueue_indirect_dma source(%dma_start3A_564 : memref<1000000x32xf32, #tpu.memory_space<hbm>>) target(%dma_start3A_558 : memref<50x32xf32, #tpu.memory_space<vmem>>) offsets(%dma_start3A_561 : memref<50xi32, #tpu.memory_space<vmem>>) semaphore(%arg7 : memref<!tpu.dma_semaphore, #tpu.memory_space<semaphore_mem>>)
    %dma_start3A_565 = arith.constant 39 : i32
    %dma_start3A_566 = arith.constant 0 : i32
    %dma_start3A_567 = arith.constant 7 : i32
    %dma_start3A_568 = arith.constant 0 : i32
    %dma_start3A_569 = arith.constant 0 : i32
    %dma_start3A_570 = tpu.memref_slice %arg6[%dma_start3A_566, %dma_start3A_567, %dma_start3A_568, %dma_start3A_569] : memref<2x16x50x32xf32, #tpu.memory_space<vmem>> -> memref<1x1x50x32xf32, #tpu.memory_space<vmem>>
    %dma_start3A_571 = tpu.memref_squeeze %dma_start3A_570 : memref<1x1x50x32xf32, #tpu.memory_space<vmem>> -> memref<50x32xf32, #tpu.memory_space<vmem>>
    %dma_start3A_572 = arith.constant 0 : i32
    %dma_start3A_573 = tpu.memref_slice %arg5[%dma_start3A_565, %dma_start3A_572] : memref<512x50xi32, #tpu.memory_space<vmem>> -> memref<1x50xi32, #tpu.memory_space<vmem>>
    %dma_start3A_574 = tpu.memref_squeeze %dma_start3A_573 : memref<1x50xi32, #tpu.memory_space<vmem>> -> memref<50xi32, #tpu.memory_space<vmem>>
    %dma_start3A_575 = arith.constant 0 : i32
    %dma_start3A_576 = arith.constant 0 : i32
    %dma_start3A_577 = tpu.memref_slice %arg3[%dma_start3A_575, %dma_start3A_576] : memref<1000000x32xf32, #tpu.memory_space<hbm>> -> memref<1000000x32xf32, #tpu.memory_space<hbm>>
    tpu.enqueue_indirect_dma source(%dma_start3A_577 : memref<1000000x32xf32, #tpu.memory_space<hbm>>) target(%dma_start3A_571 : memref<50x32xf32, #tpu.memory_space<vmem>>) offsets(%dma_start3A_574 : memref<50xi32, #tpu.memory_space<vmem>>) semaphore(%arg7 : memref<!tpu.dma_semaphore, #tpu.memory_space<semaphore_mem>>)
    %dma_start3A_578 = arith.constant 40 : i32
    %dma_start3A_579 = arith.constant 0 : i32
    %dma_start3A_580 = arith.constant 8 : i32
    %dma_start3A_581 = arith.constant 0 : i32
    %dma_start3A_582 = arith.constant 0 : i32
    %dma_start3A_583 = tpu.memref_slice %arg6[%dma_start3A_579, %dma_start3A_580, %dma_start3A_581, %dma_start3A_582] : memref<2x16x50x32xf32, #tpu.memory_space<vmem>> -> memref<1x1x50x32xf32, #tpu.memory_space<vmem>>
    %dma_start3A_584 = tpu.memref_squeeze %dma_start3A_583 : memref<1x1x50x32xf32, #tpu.memory_space<vmem>> -> memref<50x32xf32, #tpu.memory_space<vmem>>
    %dma_start3A_585 = arith.constant 0 : i32
    %dma_start3A_586 = tpu.memref_slice %arg5[%dma_start3A_578, %dma_start3A_585] : memref<512x50xi32, #tpu.memory_space<vmem>> -> memref<1x50xi32, #tpu.memory_space<vmem>>
    %dma_start3A_587 = tpu.memref_squeeze %dma_start3A_586 : memref<1x50xi32, #tpu.memory_space<vmem>> -> memref<50xi32, #tpu.memory_space<vmem>>
    %dma_start3A_588 = arith.constant 0 : i32
    %dma_start3A_589 = arith.constant 0 : i32
    %dma_start3A_590 = tpu.memref_slice %arg3[%dma_start3A_588, %dma_start3A_589] : memref<1000000x32xf32, #tpu.memory_space<hbm>> -> memref<1000000x32xf32, #tpu.memory_space<hbm>>
    tpu.enqueue_indirect_dma source(%dma_start3A_590 : memref<1000000x32xf32, #tpu.memory_space<hbm>>) target(%dma_start3A_584 : memref<50x32xf32, #tpu.memory_space<vmem>>) offsets(%dma_start3A_587 : memref<50xi32, #tpu.memory_space<vmem>>) semaphore(%arg7 : memref<!tpu.dma_semaphore, #tpu.memory_space<semaphore_mem>>)
    %dma_start3A_591 = arith.constant 41 : i32
    %dma_start3A_592 = arith.constant 0 : i32
    %dma_start3A_593 = arith.constant 9 : i32
    %dma_start3A_594 = arith.constant 0 : i32
    %dma_start3A_595 = arith.constant 0 : i32
    %dma_start3A_596 = tpu.memref_slice %arg6[%dma_start3A_592, %dma_start3A_593, %dma_start3A_594, %dma_start3A_595] : memref<2x16x50x32xf32, #tpu.memory_space<vmem>> -> memref<1x1x50x32xf32, #tpu.memory_space<vmem>>
    %dma_start3A_597 = tpu.memref_squeeze %dma_start3A_596 : memref<1x1x50x32xf32, #tpu.memory_space<vmem>> -> memref<50x32xf32, #tpu.memory_space<vmem>>
    %dma_start3A_598 = arith.constant 0 : i32
    %dma_start3A_599 = tpu.memref_slice %arg5[%dma_start3A_591, %dma_start3A_598] : memref<512x50xi32, #tpu.memory_space<vmem>> -> memref<1x50xi32, #tpu.memory_space<vmem>>
    %dma_start3A_600 = tpu.memref_squeeze %dma_start3A_599 : memref<1x50xi32, #tpu.memory_space<vmem>> -> memref<50xi32, #tpu.memory_space<vmem>>
    %dma_start3A_601 = arith.constant 0 : i32
    %dma_start3A_602 = arith.constant 0 : i32
    %dma_start3A_603 = tpu.memref_slice %arg3[%dma_start3A_601, %dma_start3A_602] : memref<1000000x32xf32, #tpu.memory_space<hbm>> -> memref<1000000x32xf32, #tpu.memory_space<hbm>>
    tpu.enqueue_indirect_dma source(%dma_start3A_603 : memref<1000000x32xf32, #tpu.memory_space<hbm>>) target(%dma_start3A_597 : memref<50x32xf32, #tpu.memory_space<vmem>>) offsets(%dma_start3A_600 : memref<50xi32, #tpu.memory_space<vmem>>) semaphore(%arg7 : memref<!tpu.dma_semaphore, #tpu.memory_space<semaphore_mem>>)
    %dma_start3A_604 = arith.constant 42 : i32
    %dma_start3A_605 = arith.constant 0 : i32
    %dma_start3A_606 = arith.constant 10 : i32
    %dma_start3A_607 = arith.constant 0 : i32
    %dma_start3A_608 = arith.constant 0 : i32
    %dma_start3A_609 = tpu.memref_slice %arg6[%dma_start3A_605, %dma_start3A_606, %dma_start3A_607, %dma_start3A_608] : memref<2x16x50x32xf32, #tpu.memory_space<vmem>> -> memref<1x1x50x32xf32, #tpu.memory_space<vmem>>
    %dma_start3A_610 = tpu.memref_squeeze %dma_start3A_609 : memref<1x1x50x32xf32, #tpu.memory_space<vmem>> -> memref<50x32xf32, #tpu.memory_space<vmem>>
    %dma_start3A_611 = arith.constant 0 : i32
    %dma_start3A_612 = tpu.memref_slice %arg5[%dma_start3A_604, %dma_start3A_611] : memref<512x50xi32, #tpu.memory_space<vmem>> -> memref<1x50xi32, #tpu.memory_space<vmem>>
    %dma_start3A_613 = tpu.memref_squeeze %dma_start3A_612 : memref<1x50xi32, #tpu.memory_space<vmem>> -> memref<50xi32, #tpu.memory_space<vmem>>
    %dma_start3A_614 = arith.constant 0 : i32
    %dma_start3A_615 = arith.constant 0 : i32
    %dma_start3A_616 = tpu.memref_slice %arg3[%dma_start3A_614, %dma_start3A_615] : memref<1000000x32xf32, #tpu.memory_space<hbm>> -> memref<1000000x32xf32, #tpu.memory_space<hbm>>
    tpu.enqueue_indirect_dma source(%dma_start3A_616 : memref<1000000x32xf32, #tpu.memory_space<hbm>>) target(%dma_start3A_610 : memref<50x32xf32, #tpu.memory_space<vmem>>) offsets(%dma_start3A_613 : memref<50xi32, #tpu.memory_space<vmem>>) semaphore(%arg7 : memref<!tpu.dma_semaphore, #tpu.memory_space<semaphore_mem>>)
    %dma_start3A_617 = arith.constant 43 : i32
    %dma_start3A_618 = arith.constant 0 : i32
    %dma_start3A_619 = arith.constant 11 : i32
    %dma_start3A_620 = arith.constant 0 : i32
    %dma_start3A_621 = arith.constant 0 : i32
    %dma_start3A_622 = tpu.memref_slice %arg6[%dma_start3A_618, %dma_start3A_619, %dma_start3A_620, %dma_start3A_621] : memref<2x16x50x32xf32, #tpu.memory_space<vmem>> -> memref<1x1x50x32xf32, #tpu.memory_space<vmem>>
    %dma_start3A_623 = tpu.memref_squeeze %dma_start3A_622 : memref<1x1x50x32xf32, #tpu.memory_space<vmem>> -> memref<50x32xf32, #tpu.memory_space<vmem>>
    %dma_start3A_624 = arith.constant 0 : i32
    %dma_start3A_625 = tpu.memref_slice %arg5[%dma_start3A_617, %dma_start3A_624] : memref<512x50xi32, #tpu.memory_space<vmem>> -> memref<1x50xi32, #tpu.memory_space<vmem>>
    %dma_start3A_626 = tpu.memref_squeeze %dma_start3A_625 : memref<1x50xi32, #tpu.memory_space<vmem>> -> memref<50xi32, #tpu.memory_space<vmem>>
    %dma_start3A_627 = arith.constant 0 : i32
    %dma_start3A_628 = arith.constant 0 : i32
    %dma_start3A_629 = tpu.memref_slice %arg3[%dma_start3A_627, %dma_start3A_628] : memref<1000000x32xf32, #tpu.memory_space<hbm>> -> memref<1000000x32xf32, #tpu.memory_space<hbm>>
    tpu.enqueue_indirect_dma source(%dma_start3A_629 : memref<1000000x32xf32, #tpu.memory_space<hbm>>) target(%dma_start3A_623 : memref<50x32xf32, #tpu.memory_space<vmem>>) offsets(%dma_start3A_626 : memref<50xi32, #tpu.memory_space<vmem>>) semaphore(%arg7 : memref<!tpu.dma_semaphore, #tpu.memory_space<semaphore_mem>>)
    %dma_start3A_630 = arith.constant 44 : i32
    %dma_start3A_631 = arith.constant 0 : i32
    %dma_start3A_632 = arith.constant 12 : i32
    %dma_start3A_633 = arith.constant 0 : i32
    %dma_start3A_634 = arith.constant 0 : i32
    %dma_start3A_635 = tpu.memref_slice %arg6[%dma_start3A_631, %dma_start3A_632, %dma_start3A_633, %dma_start3A_634] : memref<2x16x50x32xf32, #tpu.memory_space<vmem>> -> memref<1x1x50x32xf32, #tpu.memory_space<vmem>>
    %dma_start3A_636 = tpu.memref_squeeze %dma_start3A_635 : memref<1x1x50x32xf32, #tpu.memory_space<vmem>> -> memref<50x32xf32, #tpu.memory_space<vmem>>
    %dma_start3A_637 = arith.constant 0 : i32
    %dma_start3A_638 = tpu.memref_slice %arg5[%dma_start3A_630, %dma_start3A_637] : memref<512x50xi32, #tpu.memory_space<vmem>> -> memref<1x50xi32, #tpu.memory_space<vmem>>
    %dma_start3A_639 = tpu.memref_squeeze %dma_start3A_638 : memref<1x50xi32, #tpu.memory_space<vmem>> -> memref<50xi32, #tpu.memory_space<vmem>>
    %dma_start3A_640 = arith.constant 0 : i32
    %dma_start3A_641 = arith.constant 0 : i32
    %dma_start3A_642 = tpu.memref_slice %arg3[%dma_start3A_640, %dma_start3A_641] : memref<1000000x32xf32, #tpu.memory_space<hbm>> -> memref<1000000x32xf32, #tpu.memory_space<hbm>>
    tpu.enqueue_indirect_dma source(%dma_start3A_642 : memref<1000000x32xf32, #tpu.memory_space<hbm>>) target(%dma_start3A_636 : memref<50x32xf32, #tpu.memory_space<vmem>>) offsets(%dma_start3A_639 : memref<50xi32, #tpu.memory_space<vmem>>) semaphore(%arg7 : memref<!tpu.dma_semaphore, #tpu.memory_space<semaphore_mem>>)
    %dma_start3A_643 = arith.constant 45 : i32
    %dma_start3A_644 = arith.constant 0 : i32
    %dma_start3A_645 = arith.constant 13 : i32
    %dma_start3A_646 = arith.constant 0 : i32
    %dma_start3A_647 = arith.constant 0 : i32
    %dma_start3A_648 = tpu.memref_slice %arg6[%dma_start3A_644, %dma_start3A_645, %dma_start3A_646, %dma_start3A_647] : memref<2x16x50x32xf32, #tpu.memory_space<vmem>> -> memref<1x1x50x32xf32, #tpu.memory_space<vmem>>
    %dma_start3A_649 = tpu.memref_squeeze %dma_start3A_648 : memref<1x1x50x32xf32, #tpu.memory_space<vmem>> -> memref<50x32xf32, #tpu.memory_space<vmem>>
    %dma_start3A_650 = arith.constant 0 : i32
    %dma_start3A_651 = tpu.memref_slice %arg5[%dma_start3A_643, %dma_start3A_650] : memref<512x50xi32, #tpu.memory_space<vmem>> -> memref<1x50xi32, #tpu.memory_space<vmem>>
    %dma_start3A_652 = tpu.memref_squeeze %dma_start3A_651 : memref<1x50xi32, #tpu.memory_space<vmem>> -> memref<50xi32, #tpu.memory_space<vmem>>
    %dma_start3A_653 = arith.constant 0 : i32
    %dma_start3A_654 = arith.constant 0 : i32
    %dma_start3A_655 = tpu.memref_slice %arg3[%dma_start3A_653, %dma_start3A_654] : memref<1000000x32xf32, #tpu.memory_space<hbm>> -> memref<1000000x32xf32, #tpu.memory_space<hbm>>
    tpu.enqueue_indirect_dma source(%dma_start3A_655 : memref<1000000x32xf32, #tpu.memory_space<hbm>>) target(%dma_start3A_649 : memref<50x32xf32, #tpu.memory_space<vmem>>) offsets(%dma_start3A_652 : memref<50xi32, #tpu.memory_space<vmem>>) semaphore(%arg7 : memref<!tpu.dma_semaphore, #tpu.memory_space<semaphore_mem>>)
    %dma_start3A_656 = arith.constant 46 : i32
    %dma_start3A_657 = arith.constant 0 : i32
    %dma_start3A_658 = arith.constant 14 : i32
    %dma_start3A_659 = arith.constant 0 : i32
    %dma_start3A_660 = arith.constant 0 : i32
    %dma_start3A_661 = tpu.memref_slice %arg6[%dma_start3A_657, %dma_start3A_658, %dma_start3A_659, %dma_start3A_660] : memref<2x16x50x32xf32, #tpu.memory_space<vmem>> -> memref<1x1x50x32xf32, #tpu.memory_space<vmem>>
    %dma_start3A_662 = tpu.memref_squeeze %dma_start3A_661 : memref<1x1x50x32xf32, #tpu.memory_space<vmem>> -> memref<50x32xf32, #tpu.memory_space<vmem>>
    %dma_start3A_663 = arith.constant 0 : i32
    %dma_start3A_664 = tpu.memref_slice %arg5[%dma_start3A_656, %dma_start3A_663] : memref<512x50xi32, #tpu.memory_space<vmem>> -> memref<1x50xi32, #tpu.memory_space<vmem>>
    %dma_start3A_665 = tpu.memref_squeeze %dma_start3A_664 : memref<1x50xi32, #tpu.memory_space<vmem>> -> memref<50xi32, #tpu.memory_space<vmem>>
    %dma_start3A_666 = arith.constant 0 : i32
    %dma_start3A_667 = arith.constant 0 : i32
    %dma_start3A_668 = tpu.memref_slice %arg3[%dma_start3A_666, %dma_start3A_667] : memref<1000000x32xf32, #tpu.memory_space<hbm>> -> memref<1000000x32xf32, #tpu.memory_space<hbm>>
    tpu.enqueue_indirect_dma source(%dma_start3A_668 : memref<1000000x32xf32, #tpu.memory_space<hbm>>) target(%dma_start3A_662 : memref<50x32xf32, #tpu.memory_space<vmem>>) offsets(%dma_start3A_665 : memref<50xi32, #tpu.memory_space<vmem>>) semaphore(%arg7 : memref<!tpu.dma_semaphore, #tpu.memory_space<semaphore_mem>>)
    %dma_start3A_669 = arith.constant 47 : i32
    %dma_start3A_670 = arith.constant 0 : i32
    %dma_start3A_671 = arith.constant 15 : i32
    %dma_start3A_672 = arith.constant 0 : i32
    %dma_start3A_673 = arith.constant 0 : i32
    %dma_start3A_674 = tpu.memref_slice %arg6[%dma_start3A_670, %dma_start3A_671, %dma_start3A_672, %dma_start3A_673] : memref<2x16x50x32xf32, #tpu.memory_space<vmem>> -> memref<1x1x50x32xf32, #tpu.memory_space<vmem>>
    %dma_start3A_675 = tpu.memref_squeeze %dma_start3A_674 : memref<1x1x50x32xf32, #tpu.memory_space<vmem>> -> memref<50x32xf32, #tpu.memory_space<vmem>>
    %dma_start3A_676 = arith.constant 0 : i32
    %dma_start3A_677 = tpu.memref_slice %arg5[%dma_start3A_669, %dma_start3A_676] : memref<512x50xi32, #tpu.memory_space<vmem>> -> memref<1x50xi32, #tpu.memory_space<vmem>>
    %dma_start3A_678 = tpu.memref_squeeze %dma_start3A_677 : memref<1x50xi32, #tpu.memory_space<vmem>> -> memref<50xi32, #tpu.memory_space<vmem>>
    %dma_start3A_679 = arith.constant 0 : i32
    %dma_start3A_680 = arith.constant 0 : i32
    %dma_start3A_681 = tpu.memref_slice %arg3[%dma_start3A_679, %dma_start3A_680] : memref<1000000x32xf32, #tpu.memory_space<hbm>> -> memref<1000000x32xf32, #tpu.memory_space<hbm>>
    tpu.enqueue_indirect_dma source(%dma_start3A_681 : memref<1000000x32xf32, #tpu.memory_space<hbm>>) target(%dma_start3A_675 : memref<50x32xf32, #tpu.memory_space<vmem>>) offsets(%dma_start3A_678 : memref<50xi32, #tpu.memory_space<vmem>>) semaphore(%arg7 : memref<!tpu.dma_semaphore, #tpu.memory_space<semaphore_mem>>)
    %dma_wait3A_682 = arith.constant 1 : i32
    %dma_wait3A_683 = arith.constant 0 : i32
    %dma_wait3A_684 = arith.constant 0 : i32
    %dma_wait3A_685 = arith.constant 0 : i32
    %dma_wait3A_686 = tpu.memref_slice %arg6[%dma_wait3A_682, %dma_wait3A_683, %dma_wait3A_684, %dma_wait3A_685] : memref<2x16x50x32xf32, #tpu.memory_space<vmem>> -> memref<1x16x50x32xf32, #tpu.memory_space<vmem>>
    %dma_wait3A_687 = tpu.memref_squeeze %dma_wait3A_686 : memref<1x16x50x32xf32, #tpu.memory_space<vmem>> -> memref<16x50x32xf32, #tpu.memory_space<vmem>>
    %dma_wait3A_688 = arith.constant 0 : i32
    %dma_wait3A_689 = arith.constant 0 : i32
    %dma_wait3A_690 = arith.constant 0 : i32
    %dma_wait3A_691 = tpu.memref_slice %arg4[%dma_wait3A_688, %dma_wait3A_689, %dma_wait3A_690] : memref<16384x50x32xf32, #tpu.memory_space<hbm>> -> memref<16x50x32xf32, #tpu.memory_space<hbm>>
    %dma_wait3A_692 = arith.constant 0 : i32
    %dma_wait3A_693 = arith.constant 0 : i32
    %dma_wait3A_694 = arith.constant 0 : i32
    %dma_wait3A_695 = tpu.memref_slice %arg6[%dma_wait3A_682, %dma_wait3A_692, %dma_wait3A_693, %dma_wait3A_694] : memref<2x16x50x32xf32, #tpu.memory_space<vmem>> -> memref<1x16x50x32xf32, #tpu.memory_space<vmem>>
    %dma_wait3A_696 = tpu.memref_squeeze %dma_wait3A_695 : memref<1x16x50x32xf32, #tpu.memory_space<vmem>> -> memref<16x50x32xf32, #tpu.memory_space<vmem>>
    %dma_wait3A_697 = arith.constant 0 : i32
    %dma_wait3A_698 = arith.constant 0 : i32
    %dma_wait3A_699 = arith.constant 0 : i32
    %dma_wait3A_700 = tpu.memref_slice %arg4[%dma_wait3A_697, %dma_wait3A_698, %dma_wait3A_699] : memref<16384x50x32xf32, #tpu.memory_space<hbm>> -> memref<16x50x32xf32, #tpu.memory_space<hbm>>
    tpu.wait_dma2 semaphore(%arg8 : memref<!tpu.dma_semaphore, #tpu.memory_space<semaphore_mem>>) src(%dma_wait3A_700 : memref<16x50x32xf32, #tpu.memory_space<hbm>>) dst(%dma_wait3A_696 : memref<16x50x32xf32, #tpu.memory_space<vmem>>)
    %add3A_701 = arith.constant 16 : i32
    %add3A_702 = arith.addi %mul3A_2, %add3A_701 : i32
    %dma_start3A_703 = arith.constant 1 : i32
    %dma_start3A_704 = arith.constant 0 : i32
    %dma_start3A_705 = arith.constant 0 : i32
    %dma_start3A_706 = arith.constant 0 : i32
    %dma_start3A_707 = tpu.memref_slice %arg6[%dma_start3A_703, %dma_start3A_704, %dma_start3A_705, %dma_start3A_706] : memref<2x16x50x32xf32, #tpu.memory_space<vmem>> -> memref<1x16x50x32xf32, #tpu.memory_space<vmem>>
    %dma_start3A_708 = tpu.memref_squeeze %dma_start3A_707 : memref<1x16x50x32xf32, #tpu.memory_space<vmem>> -> memref<16x50x32xf32, #tpu.memory_space<vmem>>
    %dma_start3A_709 = arith.constant 0 : i32
    %dma_start3A_710 = arith.constant 0 : i32
    %dma_start3A_711 = tpu.memref_slice %arg4[%add3A_702, %dma_start3A_709, %dma_start3A_710] : memref<16384x50x32xf32, #tpu.memory_space<hbm>> -> memref<16x50x32xf32, #tpu.memory_space<hbm>>
    %dma_start3A_712 = arith.constant 0 : i32
    %dma_start3A_713 = arith.constant 0 : i32
    %dma_start3A_714 = tpu.memref_slice %arg4[%add3A_702, %dma_start3A_712, %dma_start3A_713] : memref<16384x50x32xf32, #tpu.memory_space<hbm>> -> memref<16x50x32xf32, #tpu.memory_space<hbm>>
    %dma_start3A_715 = arith.constant 0 : i32
    %dma_start3A_716 = arith.constant 0 : i32
    %dma_start3A_717 = arith.constant 0 : i32
    %dma_start3A_718 = tpu.memref_slice %arg6[%dma_start3A_703, %dma_start3A_715, %dma_start3A_716, %dma_start3A_717] : memref<2x16x50x32xf32, #tpu.memory_space<vmem>> -> memref<1x16x50x32xf32, #tpu.memory_space<vmem>>
    %dma_start3A_719 = tpu.memref_squeeze %dma_start3A_718 : memref<1x16x50x32xf32, #tpu.memory_space<vmem>> -> memref<16x50x32xf32, #tpu.memory_space<vmem>>
    tpu.enqueue_dma source(%dma_start3A_719 : memref<16x50x32xf32, #tpu.memory_space<vmem>>) target(%dma_start3A_714 : memref<16x50x32xf32, #tpu.memory_space<hbm>>) target_semaphore(%arg10 : memref<!tpu.dma_semaphore, #tpu.memory_space<semaphore_mem>>)
    %scan3A = arith.constant 0 : i32
    %scan3A_720 = arith.constant 14 : i32
    %scan3A_721 = arith.addi %scan3A, %scan3A_720 : i32
    %scan3A_722 = arith.constant 1 : i32
    scf.for %scan3A_1065 = %scan3A to %scan3A_721 step %scan3A_722  : i32 {
      %mul3A_1066 = arith.constant 2 : i32
      %mul3A_1067 = arith.muli %scan3A_1065, %mul3A_1066 : i32
      %add3A_1068 = arith.constant 3 : i32
      %add3A_1069 = arith.addi %add3A_1068, %mul3A_1067 : i32
      %dma_wait3A_1070 = arith.constant 1 : i32
      %dma_wait3A_1071 = arith.constant 0 : i32
      %dma_wait3A_1072 = arith.constant 0 : i32
      %dma_wait3A_1073 = arith.constant 0 : i32
      %dma_wait3A_1074 = tpu.memref_slice %arg6[%dma_wait3A_1070, %dma_wait3A_1071, %dma_wait3A_1072, %dma_wait3A_1073] : memref<2x16x50x32xf32, #tpu.memory_space<vmem>> -> memref<1x16x50x32xf32, #tpu.memory_space<vmem>>
      %dma_wait3A_1075 = tpu.memref_squeeze %dma_wait3A_1074 : memref<1x16x50x32xf32, #tpu.memory_space<vmem>> -> memref<16x50x32xf32, #tpu.memory_space<vmem>>
      %dma_wait3A_1076 = arith.constant 0 : i32
      %dma_wait3A_1077 = arith.constant 0 : i32
      %dma_wait3A_1078 = arith.constant 0 : i32
      %dma_wait3A_1079 = tpu.memref_slice %arg4[%dma_wait3A_1076, %dma_wait3A_1077, %dma_wait3A_1078] : memref<16384x50x32xf32, #tpu.memory_space<hbm>> -> memref<16x50x32xf32, #tpu.memory_space<hbm>>
      %dma_wait3A_1080 = arith.constant 0 : i32
      %dma_wait3A_1081 = arith.constant 0 : i32
      %dma_wait3A_1082 = arith.constant 0 : i32
      %dma_wait3A_1083 = tpu.memref_slice %arg4[%dma_wait3A_1080, %dma_wait3A_1081, %dma_wait3A_1082] : memref<16384x50x32xf32, #tpu.memory_space<hbm>> -> memref<16x50x32xf32, #tpu.memory_space<hbm>>
      %dma_wait3A_1084 = arith.constant 0 : i32
      %dma_wait3A_1085 = arith.constant 0 : i32
      %dma_wait3A_1086 = arith.constant 0 : i32
      %dma_wait3A_1087 = tpu.memref_slice %arg6[%dma_wait3A_1070, %dma_wait3A_1084, %dma_wait3A_1085, %dma_wait3A_1086] : memref<2x16x50x32xf32, #tpu.memory_space<vmem>> -> memref<1x16x50x32xf32, #tpu.memory_space<vmem>>
      %dma_wait3A_1088 = tpu.memref_squeeze %dma_wait3A_1087 : memref<1x16x50x32xf32, #tpu.memory_space<vmem>> -> memref<16x50x32xf32, #tpu.memory_space<vmem>>
      tpu.wait_dma2 semaphore(%arg10 : memref<!tpu.dma_semaphore, #tpu.memory_space<semaphore_mem>>) src(%dma_wait3A_1088 : memref<16x50x32xf32, #tpu.memory_space<vmem>>) dst(%dma_wait3A_1083 : memref<16x50x32xf32, #tpu.memory_space<hbm>>)
      %mul3A_1089 = arith.constant 16 : i32
      %mul3A_1090 = arith.muli %add3A_1069, %mul3A_1089 : i32
      %add3A_1091 = arith.constant 0 : i32
      %add3A_1092 = arith.addi %mul3A_1090, %add3A_1091 : i32
      %dma_start3A_1093 = arith.constant 1 : i32
      %dma_start3A_1094 = arith.constant 0 : i32
      %dma_start3A_1095 = arith.constant 0 : i32
      %dma_start3A_1096 = arith.constant 0 : i32
      %dma_start3A_1097 = tpu.memref_slice %arg6[%dma_start3A_1093, %dma_start3A_1094, %dma_start3A_1095, %dma_start3A_1096] : memref<2x16x50x32xf32, #tpu.memory_space<vmem>> -> memref<1x1x50x32xf32, #tpu.memory_space<vmem>>
      %dma_start3A_1098 = tpu.memref_squeeze %dma_start3A_1097 : memref<1x1x50x32xf32, #tpu.memory_space<vmem>> -> memref<50x32xf32, #tpu.memory_space<vmem>>
      %dma_start3A_1099 = arith.constant 0 : i32
      %dma_start3A_1100 = tpu.memref_slice %arg5[%add3A_1092, %dma_start3A_1099] : memref<512x50xi32, #tpu.memory_space<vmem>> -> memref<1x50xi32, #tpu.memory_space<vmem>>
      %dma_start3A_1101 = tpu.memref_squeeze %dma_start3A_1100 : memref<1x50xi32, #tpu.memory_space<vmem>> -> memref<50xi32, #tpu.memory_space<vmem>>
      %dma_start3A_1102 = arith.constant 0 : i32
      %dma_start3A_1103 = arith.constant 0 : i32
      %dma_start3A_1104 = tpu.memref_slice %arg3[%dma_start3A_1102, %dma_start3A_1103] : memref<1000000x32xf32, #tpu.memory_space<hbm>> -> memref<1000000x32xf32, #tpu.memory_space<hbm>>
      tpu.enqueue_indirect_dma source(%dma_start3A_1104 : memref<1000000x32xf32, #tpu.memory_space<hbm>>) target(%dma_start3A_1098 : memref<50x32xf32, #tpu.memory_space<vmem>>) offsets(%dma_start3A_1101 : memref<50xi32, #tpu.memory_space<vmem>>) semaphore(%arg8 : memref<!tpu.dma_semaphore, #tpu.memory_space<semaphore_mem>>)
      %mul3A_1105 = arith.constant 16 : i32
      %mul3A_1106 = arith.muli %add3A_1069, %mul3A_1105 : i32
      %add3A_1107 = arith.constant 1 : i32
      %add3A_1108 = arith.addi %mul3A_1106, %add3A_1107 : i32
      %dma_start3A_1109 = arith.constant 1 : i32
      %dma_start3A_1110 = arith.constant 1 : i32
      %dma_start3A_1111 = arith.constant 0 : i32
      %dma_start3A_1112 = arith.constant 0 : i32
      %dma_start3A_1113 = tpu.memref_slice %arg6[%dma_start3A_1109, %dma_start3A_1110, %dma_start3A_1111, %dma_start3A_1112] : memref<2x16x50x32xf32, #tpu.memory_space<vmem>> -> memref<1x1x50x32xf32, #tpu.memory_space<vmem>>
      %dma_start3A_1114 = tpu.memref_squeeze %dma_start3A_1113 : memref<1x1x50x32xf32, #tpu.memory_space<vmem>> -> memref<50x32xf32, #tpu.memory_space<vmem>>
      %dma_start3A_1115 = arith.constant 0 : i32
      %dma_start3A_1116 = tpu.memref_slice %arg5[%add3A_1108, %dma_start3A_1115] : memref<512x50xi32, #tpu.memory_space<vmem>> -> memref<1x50xi32, #tpu.memory_space<vmem>>
      %dma_start3A_1117 = tpu.memref_squeeze %dma_start3A_1116 : memref<1x50xi32, #tpu.memory_space<vmem>> -> memref<50xi32, #tpu.memory_space<vmem>>
      %dma_start3A_1118 = arith.constant 0 : i32
      %dma_start3A_1119 = arith.constant 0 : i32
      %dma_start3A_1120 = tpu.memref_slice %arg3[%dma_start3A_1118, %dma_start3A_1119] : memref<1000000x32xf32, #tpu.memory_space<hbm>> -> memref<1000000x32xf32, #tpu.memory_space<hbm>>
      tpu.enqueue_indirect_dma source(%dma_start3A_1120 : memref<1000000x32xf32, #tpu.memory_space<hbm>>) target(%dma_start3A_1114 : memref<50x32xf32, #tpu.memory_space<vmem>>) offsets(%dma_start3A_1117 : memref<50xi32, #tpu.memory_space<vmem>>) semaphore(%arg8 : memref<!tpu.dma_semaphore, #tpu.memory_space<semaphore_mem>>)
      %mul3A_1121 = arith.constant 16 : i32
      %mul3A_1122 = arith.muli %add3A_1069, %mul3A_1121 : i32
      %add3A_1123 = arith.constant 2 : i32
      %add3A_1124 = arith.addi %mul3A_1122, %add3A_1123 : i32
      %dma_start3A_1125 = arith.constant 1 : i32
      %dma_start3A_1126 = arith.constant 2 : i32
      %dma_start3A_1127 = arith.constant 0 : i32
      %dma_start3A_1128 = arith.constant 0 : i32
      %dma_start3A_1129 = tpu.memref_slice %arg6[%dma_start3A_1125, %dma_start3A_1126, %dma_start3A_1127, %dma_start3A_1128] : memref<2x16x50x32xf32, #tpu.memory_space<vmem>> -> memref<1x1x50x32xf32, #tpu.memory_space<vmem>>
      %dma_start3A_1130 = tpu.memref_squeeze %dma_start3A_1129 : memref<1x1x50x32xf32, #tpu.memory_space<vmem>> -> memref<50x32xf32, #tpu.memory_space<vmem>>
      %dma_start3A_1131 = arith.constant 0 : i32
      %dma_start3A_1132 = tpu.memref_slice %arg5[%add3A_1124, %dma_start3A_1131] : memref<512x50xi32, #tpu.memory_space<vmem>> -> memref<1x50xi32, #tpu.memory_space<vmem>>
      %dma_start3A_1133 = tpu.memref_squeeze %dma_start3A_1132 : memref<1x50xi32, #tpu.memory_space<vmem>> -> memref<50xi32, #tpu.memory_space<vmem>>
      %dma_start3A_1134 = arith.constant 0 : i32
      %dma_start3A_1135 = arith.constant 0 : i32
      %dma_start3A_1136 = tpu.memref_slice %arg3[%dma_start3A_1134, %dma_start3A_1135] : memref<1000000x32xf32, #tpu.memory_space<hbm>> -> memref<1000000x32xf32, #tpu.memory_space<hbm>>
      tpu.enqueue_indirect_dma source(%dma_start3A_1136 : memref<1000000x32xf32, #tpu.memory_space<hbm>>) target(%dma_start3A_1130 : memref<50x32xf32, #tpu.memory_space<vmem>>) offsets(%dma_start3A_1133 : memref<50xi32, #tpu.memory_space<vmem>>) semaphore(%arg8 : memref<!tpu.dma_semaphore, #tpu.memory_space<semaphore_mem>>)
      %mul3A_1137 = arith.constant 16 : i32
      %mul3A_1138 = arith.muli %add3A_1069, %mul3A_1137 : i32
      %add3A_1139 = arith.constant 3 : i32
      %add3A_1140 = arith.addi %mul3A_1138, %add3A_1139 : i32
      %dma_start3A_1141 = arith.constant 1 : i32
      %dma_start3A_1142 = arith.constant 3 : i32
      %dma_start3A_1143 = arith.constant 0 : i32
      %dma_start3A_1144 = arith.constant 0 : i32
      %dma_start3A_1145 = tpu.memref_slice %arg6[%dma_start3A_1141, %dma_start3A_1142, %dma_start3A_1143, %dma_start3A_1144] : memref<2x16x50x32xf32, #tpu.memory_space<vmem>> -> memref<1x1x50x32xf32, #tpu.memory_space<vmem>>
      %dma_start3A_1146 = tpu.memref_squeeze %dma_start3A_1145 : memref<1x1x50x32xf32, #tpu.memory_space<vmem>> -> memref<50x32xf32, #tpu.memory_space<vmem>>
      %dma_start3A_1147 = arith.constant 0 : i32
      %dma_start3A_1148 = tpu.memref_slice %arg5[%add3A_1140, %dma_start3A_1147] : memref<512x50xi32, #tpu.memory_space<vmem>> -> memref<1x50xi32, #tpu.memory_space<vmem>>
      %dma_start3A_1149 = tpu.memref_squeeze %dma_start3A_1148 : memref<1x50xi32, #tpu.memory_space<vmem>> -> memref<50xi32, #tpu.memory_space<vmem>>
      %dma_start3A_1150 = arith.constant 0 : i32
      %dma_start3A_1151 = arith.constant 0 : i32
      %dma_start3A_1152 = tpu.memref_slice %arg3[%dma_start3A_1150, %dma_start3A_1151] : memref<1000000x32xf32, #tpu.memory_space<hbm>> -> memref<1000000x32xf32, #tpu.memory_space<hbm>>
      tpu.enqueue_indirect_dma source(%dma_start3A_1152 : memref<1000000x32xf32, #tpu.memory_space<hbm>>) target(%dma_start3A_1146 : memref<50x32xf32, #tpu.memory_space<vmem>>) offsets(%dma_start3A_1149 : memref<50xi32, #tpu.memory_space<vmem>>) semaphore(%arg8 : memref<!tpu.dma_semaphore, #tpu.memory_space<semaphore_mem>>)
      %mul3A_1153 = arith.constant 16 : i32
      %mul3A_1154 = arith.muli %add3A_1069, %mul3A_1153 : i32
      %add3A_1155 = arith.constant 4 : i32
      %add3A_1156 = arith.addi %mul3A_1154, %add3A_1155 : i32
      %dma_start3A_1157 = arith.constant 1 : i32
      %dma_start3A_1158 = arith.constant 4 : i32
      %dma_start3A_1159 = arith.constant 0 : i32
      %dma_start3A_1160 = arith.constant 0 : i32
      %dma_start3A_1161 = tpu.memref_slice %arg6[%dma_start3A_1157, %dma_start3A_1158, %dma_start3A_1159, %dma_start3A_1160] : memref<2x16x50x32xf32, #tpu.memory_space<vmem>> -> memref<1x1x50x32xf32, #tpu.memory_space<vmem>>
      %dma_start3A_1162 = tpu.memref_squeeze %dma_start3A_1161 : memref<1x1x50x32xf32, #tpu.memory_space<vmem>> -> memref<50x32xf32, #tpu.memory_space<vmem>>
      %dma_start3A_1163 = arith.constant 0 : i32
      %dma_start3A_1164 = tpu.memref_slice %arg5[%add3A_1156, %dma_start3A_1163] : memref<512x50xi32, #tpu.memory_space<vmem>> -> memref<1x50xi32, #tpu.memory_space<vmem>>
      %dma_start3A_1165 = tpu.memref_squeeze %dma_start3A_1164 : memref<1x50xi32, #tpu.memory_space<vmem>> -> memref<50xi32, #tpu.memory_space<vmem>>
      %dma_start3A_1166 = arith.constant 0 : i32
      %dma_start3A_1167 = arith.constant 0 : i32
      %dma_start3A_1168 = tpu.memref_slice %arg3[%dma_start3A_1166, %dma_start3A_1167] : memref<1000000x32xf32, #tpu.memory_space<hbm>> -> memref<1000000x32xf32, #tpu.memory_space<hbm>>
      tpu.enqueue_indirect_dma source(%dma_start3A_1168 : memref<1000000x32xf32, #tpu.memory_space<hbm>>) target(%dma_start3A_1162 : memref<50x32xf32, #tpu.memory_space<vmem>>) offsets(%dma_start3A_1165 : memref<50xi32, #tpu.memory_space<vmem>>) semaphore(%arg8 : memref<!tpu.dma_semaphore, #tpu.memory_space<semaphore_mem>>)
      %mul3A_1169 = arith.constant 16 : i32
      %mul3A_1170 = arith.muli %add3A_1069, %mul3A_1169 : i32
      %add3A_1171 = arith.constant 5 : i32
      %add3A_1172 = arith.addi %mul3A_1170, %add3A_1171 : i32
      %dma_start3A_1173 = arith.constant 1 : i32
      %dma_start3A_1174 = arith.constant 5 : i32
      %dma_start3A_1175 = arith.constant 0 : i32
      %dma_start3A_1176 = arith.constant 0 : i32
      %dma_start3A_1177 = tpu.memref_slice %arg6[%dma_start3A_1173, %dma_start3A_1174, %dma_start3A_1175, %dma_start3A_1176] : memref<2x16x50x32xf32, #tpu.memory_space<vmem>> -> memref<1x1x50x32xf32, #tpu.memory_space<vmem>>
      %dma_start3A_1178 = tpu.memref_squeeze %dma_start3A_1177 : memref<1x1x50x32xf32, #tpu.memory_space<vmem>> -> memref<50x32xf32, #tpu.memory_space<vmem>>
      %dma_start3A_1179 = arith.constant 0 : i32
      %dma_start3A_1180 = tpu.memref_slice %arg5[%add3A_1172, %dma_start3A_1179] : memref<512x50xi32, #tpu.memory_space<vmem>> -> memref<1x50xi32, #tpu.memory_space<vmem>>
      %dma_start3A_1181 = tpu.memref_squeeze %dma_start3A_1180 : memref<1x50xi32, #tpu.memory_space<vmem>> -> memref<50xi32, #tpu.memory_space<vmem>>
      %dma_start3A_1182 = arith.constant 0 : i32
      %dma_start3A_1183 = arith.constant 0 : i32
      %dma_start3A_1184 = tpu.memref_slice %arg3[%dma_start3A_1182, %dma_start3A_1183] : memref<1000000x32xf32, #tpu.memory_space<hbm>> -> memref<1000000x32xf32, #tpu.memory_space<hbm>>
      tpu.enqueue_indirect_dma source(%dma_start3A_1184 : memref<1000000x32xf32, #tpu.memory_space<hbm>>) target(%dma_start3A_1178 : memref<50x32xf32, #tpu.memory_space<vmem>>) offsets(%dma_start3A_1181 : memref<50xi32, #tpu.memory_space<vmem>>) semaphore(%arg8 : memref<!tpu.dma_semaphore, #tpu.memory_space<semaphore_mem>>)
      %mul3A_1185 = arith.constant 16 : i32
      %mul3A_1186 = arith.muli %add3A_1069, %mul3A_1185 : i32
      %add3A_1187 = arith.constant 6 : i32
      %add3A_1188 = arith.addi %mul3A_1186, %add3A_1187 : i32
      %dma_start3A_1189 = arith.constant 1 : i32
      %dma_start3A_1190 = arith.constant 6 : i32
      %dma_start3A_1191 = arith.constant 0 : i32
      %dma_start3A_1192 = arith.constant 0 : i32
      %dma_start3A_1193 = tpu.memref_slice %arg6[%dma_start3A_1189, %dma_start3A_1190, %dma_start3A_1191, %dma_start3A_1192] : memref<2x16x50x32xf32, #tpu.memory_space<vmem>> -> memref<1x1x50x32xf32, #tpu.memory_space<vmem>>
      %dma_start3A_1194 = tpu.memref_squeeze %dma_start3A_1193 : memref<1x1x50x32xf32, #tpu.memory_space<vmem>> -> memref<50x32xf32, #tpu.memory_space<vmem>>
      %dma_start3A_1195 = arith.constant 0 : i32
      %dma_start3A_1196 = tpu.memref_slice %arg5[%add3A_1188, %dma_start3A_1195] : memref<512x50xi32, #tpu.memory_space<vmem>> -> memref<1x50xi32, #tpu.memory_space<vmem>>
      %dma_start3A_1197 = tpu.memref_squeeze %dma_start3A_1196 : memref<1x50xi32, #tpu.memory_space<vmem>> -> memref<50xi32, #tpu.memory_space<vmem>>
      %dma_start3A_1198 = arith.constant 0 : i32
      %dma_start3A_1199 = arith.constant 0 : i32
      %dma_start3A_1200 = tpu.memref_slice %arg3[%dma_start3A_1198, %dma_start3A_1199] : memref<1000000x32xf32, #tpu.memory_space<hbm>> -> memref<1000000x32xf32, #tpu.memory_space<hbm>>
      tpu.enqueue_indirect_dma source(%dma_start3A_1200 : memref<1000000x32xf32, #tpu.memory_space<hbm>>) target(%dma_start3A_1194 : memref<50x32xf32, #tpu.memory_space<vmem>>) offsets(%dma_start3A_1197 : memref<50xi32, #tpu.memory_space<vmem>>) semaphore(%arg8 : memref<!tpu.dma_semaphore, #tpu.memory_space<semaphore_mem>>)
      %mul3A_1201 = arith.constant 16 : i32
      %mul3A_1202 = arith.muli %add3A_1069, %mul3A_1201 : i32
      %add3A_1203 = arith.constant 7 : i32
      %add3A_1204 = arith.addi %mul3A_1202, %add3A_1203 : i32
      %dma_start3A_1205 = arith.constant 1 : i32
      %dma_start3A_1206 = arith.constant 7 : i32
      %dma_start3A_1207 = arith.constant 0 : i32
      %dma_start3A_1208 = arith.constant 0 : i32
      %dma_start3A_1209 = tpu.memref_slice %arg6[%dma_start3A_1205, %dma_start3A_1206, %dma_start3A_1207, %dma_start3A_1208] : memref<2x16x50x32xf32, #tpu.memory_space<vmem>> -> memref<1x1x50x32xf32, #tpu.memory_space<vmem>>
      %dma_start3A_1210 = tpu.memref_squeeze %dma_start3A_1209 : memref<1x1x50x32xf32, #tpu.memory_space<vmem>> -> memref<50x32xf32, #tpu.memory_space<vmem>>
      %dma_start3A_1211 = arith.constant 0 : i32
      %dma_start3A_1212 = tpu.memref_slice %arg5[%add3A_1204, %dma_start3A_1211] : memref<512x50xi32, #tpu.memory_space<vmem>> -> memref<1x50xi32, #tpu.memory_space<vmem>>
      %dma_start3A_1213 = tpu.memref_squeeze %dma_start3A_1212 : memref<1x50xi32, #tpu.memory_space<vmem>> -> memref<50xi32, #tpu.memory_space<vmem>>
      %dma_start3A_1214 = arith.constant 0 : i32
      %dma_start3A_1215 = arith.constant 0 : i32
      %dma_start3A_1216 = tpu.memref_slice %arg3[%dma_start3A_1214, %dma_start3A_1215] : memref<1000000x32xf32, #tpu.memory_space<hbm>> -> memref<1000000x32xf32, #tpu.memory_space<hbm>>
      tpu.enqueue_indirect_dma source(%dma_start3A_1216 : memref<1000000x32xf32, #tpu.memory_space<hbm>>) target(%dma_start3A_1210 : memref<50x32xf32, #tpu.memory_space<vmem>>) offsets(%dma_start3A_1213 : memref<50xi32, #tpu.memory_space<vmem>>) semaphore(%arg8 : memref<!tpu.dma_semaphore, #tpu.memory_space<semaphore_mem>>)
      %mul3A_1217 = arith.constant 16 : i32
      %mul3A_1218 = arith.muli %add3A_1069, %mul3A_1217 : i32
      %add3A_1219 = arith.constant 8 : i32
      %add3A_1220 = arith.addi %mul3A_1218, %add3A_1219 : i32
      %dma_start3A_1221 = arith.constant 1 : i32
      %dma_start3A_1222 = arith.constant 8 : i32
      %dma_start3A_1223 = arith.constant 0 : i32
      %dma_start3A_1224 = arith.constant 0 : i32
      %dma_start3A_1225 = tpu.memref_slice %arg6[%dma_start3A_1221, %dma_start3A_1222, %dma_start3A_1223, %dma_start3A_1224] : memref<2x16x50x32xf32, #tpu.memory_space<vmem>> -> memref<1x1x50x32xf32, #tpu.memory_space<vmem>>
      %dma_start3A_1226 = tpu.memref_squeeze %dma_start3A_1225 : memref<1x1x50x32xf32, #tpu.memory_space<vmem>> -> memref<50x32xf32, #tpu.memory_space<vmem>>
      %dma_start3A_1227 = arith.constant 0 : i32
      %dma_start3A_1228 = tpu.memref_slice %arg5[%add3A_1220, %dma_start3A_1227] : memref<512x50xi32, #tpu.memory_space<vmem>> -> memref<1x50xi32, #tpu.memory_space<vmem>>
      %dma_start3A_1229 = tpu.memref_squeeze %dma_start3A_1228 : memref<1x50xi32, #tpu.memory_space<vmem>> -> memref<50xi32, #tpu.memory_space<vmem>>
      %dma_start3A_1230 = arith.constant 0 : i32
      %dma_start3A_1231 = arith.constant 0 : i32
      %dma_start3A_1232 = tpu.memref_slice %arg3[%dma_start3A_1230, %dma_start3A_1231] : memref<1000000x32xf32, #tpu.memory_space<hbm>> -> memref<1000000x32xf32, #tpu.memory_space<hbm>>
      tpu.enqueue_indirect_dma source(%dma_start3A_1232 : memref<1000000x32xf32, #tpu.memory_space<hbm>>) target(%dma_start3A_1226 : memref<50x32xf32, #tpu.memory_space<vmem>>) offsets(%dma_start3A_1229 : memref<50xi32, #tpu.memory_space<vmem>>) semaphore(%arg8 : memref<!tpu.dma_semaphore, #tpu.memory_space<semaphore_mem>>)
      %mul3A_1233 = arith.constant 16 : i32
      %mul3A_1234 = arith.muli %add3A_1069, %mul3A_1233 : i32
      %add3A_1235 = arith.constant 9 : i32
      %add3A_1236 = arith.addi %mul3A_1234, %add3A_1235 : i32
      %dma_start3A_1237 = arith.constant 1 : i32
      %dma_start3A_1238 = arith.constant 9 : i32
      %dma_start3A_1239 = arith.constant 0 : i32
      %dma_start3A_1240 = arith.constant 0 : i32
      %dma_start3A_1241 = tpu.memref_slice %arg6[%dma_start3A_1237, %dma_start3A_1238, %dma_start3A_1239, %dma_start3A_1240] : memref<2x16x50x32xf32, #tpu.memory_space<vmem>> -> memref<1x1x50x32xf32, #tpu.memory_space<vmem>>
      %dma_start3A_1242 = tpu.memref_squeeze %dma_start3A_1241 : memref<1x1x50x32xf32, #tpu.memory_space<vmem>> -> memref<50x32xf32, #tpu.memory_space<vmem>>
      %dma_start3A_1243 = arith.constant 0 : i32
      %dma_start3A_1244 = tpu.memref_slice %arg5[%add3A_1236, %dma_start3A_1243] : memref<512x50xi32, #tpu.memory_space<vmem>> -> memref<1x50xi32, #tpu.memory_space<vmem>>
      %dma_start3A_1245 = tpu.memref_squeeze %dma_start3A_1244 : memref<1x50xi32, #tpu.memory_space<vmem>> -> memref<50xi32, #tpu.memory_space<vmem>>
      %dma_start3A_1246 = arith.constant 0 : i32
      %dma_start3A_1247 = arith.constant 0 : i32
      %dma_start3A_1248 = tpu.memref_slice %arg3[%dma_start3A_1246, %dma_start3A_1247] : memref<1000000x32xf32, #tpu.memory_space<hbm>> -> memref<1000000x32xf32, #tpu.memory_space<hbm>>
      tpu.enqueue_indirect_dma source(%dma_start3A_1248 : memref<1000000x32xf32, #tpu.memory_space<hbm>>) target(%dma_start3A_1242 : memref<50x32xf32, #tpu.memory_space<vmem>>) offsets(%dma_start3A_1245 : memref<50xi32, #tpu.memory_space<vmem>>) semaphore(%arg8 : memref<!tpu.dma_semaphore, #tpu.memory_space<semaphore_mem>>)
      %mul3A_1249 = arith.constant 16 : i32
      %mul3A_1250 = arith.muli %add3A_1069, %mul3A_1249 : i32
      %add3A_1251 = arith.constant 10 : i32
      %add3A_1252 = arith.addi %mul3A_1250, %add3A_1251 : i32
      %dma_start3A_1253 = arith.constant 1 : i32
      %dma_start3A_1254 = arith.constant 10 : i32
      %dma_start3A_1255 = arith.constant 0 : i32
      %dma_start3A_1256 = arith.constant 0 : i32
      %dma_start3A_1257 = tpu.memref_slice %arg6[%dma_start3A_1253, %dma_start3A_1254, %dma_start3A_1255, %dma_start3A_1256] : memref<2x16x50x32xf32, #tpu.memory_space<vmem>> -> memref<1x1x50x32xf32, #tpu.memory_space<vmem>>
      %dma_start3A_1258 = tpu.memref_squeeze %dma_start3A_1257 : memref<1x1x50x32xf32, #tpu.memory_space<vmem>> -> memref<50x32xf32, #tpu.memory_space<vmem>>
      %dma_start3A_1259 = arith.constant 0 : i32
      %dma_start3A_1260 = tpu.memref_slice %arg5[%add3A_1252, %dma_start3A_1259] : memref<512x50xi32, #tpu.memory_space<vmem>> -> memref<1x50xi32, #tpu.memory_space<vmem>>
      %dma_start3A_1261 = tpu.memref_squeeze %dma_start3A_1260 : memref<1x50xi32, #tpu.memory_space<vmem>> -> memref<50xi32, #tpu.memory_space<vmem>>
      %dma_start3A_1262 = arith.constant 0 : i32
      %dma_start3A_1263 = arith.constant 0 : i32
      %dma_start3A_1264 = tpu.memref_slice %arg3[%dma_start3A_1262, %dma_start3A_1263] : memref<1000000x32xf32, #tpu.memory_space<hbm>> -> memref<1000000x32xf32, #tpu.memory_space<hbm>>
      tpu.enqueue_indirect_dma source(%dma_start3A_1264 : memref<1000000x32xf32, #tpu.memory_space<hbm>>) target(%dma_start3A_1258 : memref<50x32xf32, #tpu.memory_space<vmem>>) offsets(%dma_start3A_1261 : memref<50xi32, #tpu.memory_space<vmem>>) semaphore(%arg8 : memref<!tpu.dma_semaphore, #tpu.memory_space<semaphore_mem>>)
      %mul3A_1265 = arith.constant 16 : i32
      %mul3A_1266 = arith.muli %add3A_1069, %mul3A_1265 : i32
      %add3A_1267 = arith.constant 11 : i32
      %add3A_1268 = arith.addi %mul3A_1266, %add3A_1267 : i32
      %dma_start3A_1269 = arith.constant 1 : i32
      %dma_start3A_1270 = arith.constant 11 : i32
      %dma_start3A_1271 = arith.constant 0 : i32
      %dma_start3A_1272 = arith.constant 0 : i32
      %dma_start3A_1273 = tpu.memref_slice %arg6[%dma_start3A_1269, %dma_start3A_1270, %dma_start3A_1271, %dma_start3A_1272] : memref<2x16x50x32xf32, #tpu.memory_space<vmem>> -> memref<1x1x50x32xf32, #tpu.memory_space<vmem>>
      %dma_start3A_1274 = tpu.memref_squeeze %dma_start3A_1273 : memref<1x1x50x32xf32, #tpu.memory_space<vmem>> -> memref<50x32xf32, #tpu.memory_space<vmem>>
      %dma_start3A_1275 = arith.constant 0 : i32
      %dma_start3A_1276 = tpu.memref_slice %arg5[%add3A_1268, %dma_start3A_1275] : memref<512x50xi32, #tpu.memory_space<vmem>> -> memref<1x50xi32, #tpu.memory_space<vmem>>
      %dma_start3A_1277 = tpu.memref_squeeze %dma_start3A_1276 : memref<1x50xi32, #tpu.memory_space<vmem>> -> memref<50xi32, #tpu.memory_space<vmem>>
      %dma_start3A_1278 = arith.constant 0 : i32
      %dma_start3A_1279 = arith.constant 0 : i32
      %dma_start3A_1280 = tpu.memref_slice %arg3[%dma_start3A_1278, %dma_start3A_1279] : memref<1000000x32xf32, #tpu.memory_space<hbm>> -> memref<1000000x32xf32, #tpu.memory_space<hbm>>
      tpu.enqueue_indirect_dma source(%dma_start3A_1280 : memref<1000000x32xf32, #tpu.memory_space<hbm>>) target(%dma_start3A_1274 : memref<50x32xf32, #tpu.memory_space<vmem>>) offsets(%dma_start3A_1277 : memref<50xi32, #tpu.memory_space<vmem>>) semaphore(%arg8 : memref<!tpu.dma_semaphore, #tpu.memory_space<semaphore_mem>>)
      %mul3A_1281 = arith.constant 16 : i32
      %mul3A_1282 = arith.muli %add3A_1069, %mul3A_1281 : i32
      %add3A_1283 = arith.constant 12 : i32
      %add3A_1284 = arith.addi %mul3A_1282, %add3A_1283 : i32
      %dma_start3A_1285 = arith.constant 1 : i32
      %dma_start3A_1286 = arith.constant 12 : i32
      %dma_start3A_1287 = arith.constant 0 : i32
      %dma_start3A_1288 = arith.constant 0 : i32
      %dma_start3A_1289 = tpu.memref_slice %arg6[%dma_start3A_1285, %dma_start3A_1286, %dma_start3A_1287, %dma_start3A_1288] : memref<2x16x50x32xf32, #tpu.memory_space<vmem>> -> memref<1x1x50x32xf32, #tpu.memory_space<vmem>>
      %dma_start3A_1290 = tpu.memref_squeeze %dma_start3A_1289 : memref<1x1x50x32xf32, #tpu.memory_space<vmem>> -> memref<50x32xf32, #tpu.memory_space<vmem>>
      %dma_start3A_1291 = arith.constant 0 : i32
      %dma_start3A_1292 = tpu.memref_slice %arg5[%add3A_1284, %dma_start3A_1291] : memref<512x50xi32, #tpu.memory_space<vmem>> -> memref<1x50xi32, #tpu.memory_space<vmem>>
      %dma_start3A_1293 = tpu.memref_squeeze %dma_start3A_1292 : memref<1x50xi32, #tpu.memory_space<vmem>> -> memref<50xi32, #tpu.memory_space<vmem>>
      %dma_start3A_1294 = arith.constant 0 : i32
      %dma_start3A_1295 = arith.constant 0 : i32
      %dma_start3A_1296 = tpu.memref_slice %arg3[%dma_start3A_1294, %dma_start3A_1295] : memref<1000000x32xf32, #tpu.memory_space<hbm>> -> memref<1000000x32xf32, #tpu.memory_space<hbm>>
      tpu.enqueue_indirect_dma source(%dma_start3A_1296 : memref<1000000x32xf32, #tpu.memory_space<hbm>>) target(%dma_start3A_1290 : memref<50x32xf32, #tpu.memory_space<vmem>>) offsets(%dma_start3A_1293 : memref<50xi32, #tpu.memory_space<vmem>>) semaphore(%arg8 : memref<!tpu.dma_semaphore, #tpu.memory_space<semaphore_mem>>)
      %mul3A_1297 = arith.constant 16 : i32
      %mul3A_1298 = arith.muli %add3A_1069, %mul3A_1297 : i32
      %add3A_1299 = arith.constant 13 : i32
      %add3A_1300 = arith.addi %mul3A_1298, %add3A_1299 : i32
      %dma_start3A_1301 = arith.constant 1 : i32
      %dma_start3A_1302 = arith.constant 13 : i32
      %dma_start3A_1303 = arith.constant 0 : i32
      %dma_start3A_1304 = arith.constant 0 : i32
      %dma_start3A_1305 = tpu.memref_slice %arg6[%dma_start3A_1301, %dma_start3A_1302, %dma_start3A_1303, %dma_start3A_1304] : memref<2x16x50x32xf32, #tpu.memory_space<vmem>> -> memref<1x1x50x32xf32, #tpu.memory_space<vmem>>
      %dma_start3A_1306 = tpu.memref_squeeze %dma_start3A_1305 : memref<1x1x50x32xf32, #tpu.memory_space<vmem>> -> memref<50x32xf32, #tpu.memory_space<vmem>>
      %dma_start3A_1307 = arith.constant 0 : i32
      %dma_start3A_1308 = tpu.memref_slice %arg5[%add3A_1300, %dma_start3A_1307] : memref<512x50xi32, #tpu.memory_space<vmem>> -> memref<1x50xi32, #tpu.memory_space<vmem>>
      %dma_start3A_1309 = tpu.memref_squeeze %dma_start3A_1308 : memref<1x50xi32, #tpu.memory_space<vmem>> -> memref<50xi32, #tpu.memory_space<vmem>>
      %dma_start3A_1310 = arith.constant 0 : i32
      %dma_start3A_1311 = arith.constant 0 : i32
      %dma_start3A_1312 = tpu.memref_slice %arg3[%dma_start3A_1310, %dma_start3A_1311] : memref<1000000x32xf32, #tpu.memory_space<hbm>> -> memref<1000000x32xf32, #tpu.memory_space<hbm>>
      tpu.enqueue_indirect_dma source(%dma_start3A_1312 : memref<1000000x32xf32, #tpu.memory_space<hbm>>) target(%dma_start3A_1306 : memref<50x32xf32, #tpu.memory_space<vmem>>) offsets(%dma_start3A_1309 : memref<50xi32, #tpu.memory_space<vmem>>) semaphore(%arg8 : memref<!tpu.dma_semaphore, #tpu.memory_space<semaphore_mem>>)
      %mul3A_1313 = arith.constant 16 : i32
      %mul3A_1314 = arith.muli %add3A_1069, %mul3A_1313 : i32
      %add3A_1315 = arith.constant 14 : i32
      %add3A_1316 = arith.addi %mul3A_1314, %add3A_1315 : i32
      %dma_start3A_1317 = arith.constant 1 : i32
      %dma_start3A_1318 = arith.constant 14 : i32
      %dma_start3A_1319 = arith.constant 0 : i32
      %dma_start3A_1320 = arith.constant 0 : i32
      %dma_start3A_1321 = tpu.memref_slice %arg6[%dma_start3A_1317, %dma_start3A_1318, %dma_start3A_1319, %dma_start3A_1320] : memref<2x16x50x32xf32, #tpu.memory_space<vmem>> -> memref<1x1x50x32xf32, #tpu.memory_space<vmem>>
      %dma_start3A_1322 = tpu.memref_squeeze %dma_start3A_1321 : memref<1x1x50x32xf32, #tpu.memory_space<vmem>> -> memref<50x32xf32, #tpu.memory_space<vmem>>
      %dma_start3A_1323 = arith.constant 0 : i32
      %dma_start3A_1324 = tpu.memref_slice %arg5[%add3A_1316, %dma_start3A_1323] : memref<512x50xi32, #tpu.memory_space<vmem>> -> memref<1x50xi32, #tpu.memory_space<vmem>>
      %dma_start3A_1325 = tpu.memref_squeeze %dma_start3A_1324 : memref<1x50xi32, #tpu.memory_space<vmem>> -> memref<50xi32, #tpu.memory_space<vmem>>
      %dma_start3A_1326 = arith.constant 0 : i32
      %dma_start3A_1327 = arith.constant 0 : i32
      %dma_start3A_1328 = tpu.memref_slice %arg3[%dma_start3A_1326, %dma_start3A_1327] : memref<1000000x32xf32, #tpu.memory_space<hbm>> -> memref<1000000x32xf32, #tpu.memory_space<hbm>>
      tpu.enqueue_indirect_dma source(%dma_start3A_1328 : memref<1000000x32xf32, #tpu.memory_space<hbm>>) target(%dma_start3A_1322 : memref<50x32xf32, #tpu.memory_space<vmem>>) offsets(%dma_start3A_1325 : memref<50xi32, #tpu.memory_space<vmem>>) semaphore(%arg8 : memref<!tpu.dma_semaphore, #tpu.memory_space<semaphore_mem>>)
      %mul3A_1329 = arith.constant 16 : i32
      %mul3A_1330 = arith.muli %add3A_1069, %mul3A_1329 : i32
      %add3A_1331 = arith.constant 15 : i32
      %add3A_1332 = arith.addi %mul3A_1330, %add3A_1331 : i32
      %dma_start3A_1333 = arith.constant 1 : i32
      %dma_start3A_1334 = arith.constant 15 : i32
      %dma_start3A_1335 = arith.constant 0 : i32
      %dma_start3A_1336 = arith.constant 0 : i32
      %dma_start3A_1337 = tpu.memref_slice %arg6[%dma_start3A_1333, %dma_start3A_1334, %dma_start3A_1335, %dma_start3A_1336] : memref<2x16x50x32xf32, #tpu.memory_space<vmem>> -> memref<1x1x50x32xf32, #tpu.memory_space<vmem>>
      %dma_start3A_1338 = tpu.memref_squeeze %dma_start3A_1337 : memref<1x1x50x32xf32, #tpu.memory_space<vmem>> -> memref<50x32xf32, #tpu.memory_space<vmem>>
      %dma_start3A_1339 = arith.constant 0 : i32
      %dma_start3A_1340 = tpu.memref_slice %arg5[%add3A_1332, %dma_start3A_1339] : memref<512x50xi32, #tpu.memory_space<vmem>> -> memref<1x50xi32, #tpu.memory_space<vmem>>
      %dma_start3A_1341 = tpu.memref_squeeze %dma_start3A_1340 : memref<1x50xi32, #tpu.memory_space<vmem>> -> memref<50xi32, #tpu.memory_space<vmem>>
      %dma_start3A_1342 = arith.constant 0 : i32
      %dma_start3A_1343 = arith.constant 0 : i32
      %dma_start3A_1344 = tpu.memref_slice %arg3[%dma_start3A_1342, %dma_start3A_1343] : memref<1000000x32xf32, #tpu.memory_space<hbm>> -> memref<1000000x32xf32, #tpu.memory_space<hbm>>
      tpu.enqueue_indirect_dma source(%dma_start3A_1344 : memref<1000000x32xf32, #tpu.memory_space<hbm>>) target(%dma_start3A_1338 : memref<50x32xf32, #tpu.memory_space<vmem>>) offsets(%dma_start3A_1341 : memref<50xi32, #tpu.memory_space<vmem>>) semaphore(%arg8 : memref<!tpu.dma_semaphore, #tpu.memory_space<semaphore_mem>>)
      %dma_wait3A_1345 = arith.constant 0 : i32
      %dma_wait3A_1346 = arith.constant 0 : i32
      %dma_wait3A_1347 = arith.constant 0 : i32
      %dma_wait3A_1348 = arith.constant 0 : i32
      %dma_wait3A_1349 = tpu.memref_slice %arg6[%dma_wait3A_1345, %dma_wait3A_1346, %dma_wait3A_1347, %dma_wait3A_1348] : memref<2x16x50x32xf32, #tpu.memory_space<vmem>> -> memref<1x16x50x32xf32, #tpu.memory_space<vmem>>
      %dma_wait3A_1350 = tpu.memref_squeeze %dma_wait3A_1349 : memref<1x16x50x32xf32, #tpu.memory_space<vmem>> -> memref<16x50x32xf32, #tpu.memory_space<vmem>>
      %dma_wait3A_1351 = arith.constant 0 : i32
      %dma_wait3A_1352 = arith.constant 0 : i32
      %dma_wait3A_1353 = arith.constant 0 : i32
      %dma_wait3A_1354 = tpu.memref_slice %arg4[%dma_wait3A_1351, %dma_wait3A_1352, %dma_wait3A_1353] : memref<16384x50x32xf32, #tpu.memory_space<hbm>> -> memref<16x50x32xf32, #tpu.memory_space<hbm>>
      %dma_wait3A_1355 = arith.constant 0 : i32
      %dma_wait3A_1356 = arith.constant 0 : i32
      %dma_wait3A_1357 = arith.constant 0 : i32
      %dma_wait3A_1358 = tpu.memref_slice %arg6[%dma_wait3A_1345, %dma_wait3A_1355, %dma_wait3A_1356, %dma_wait3A_1357] : memref<2x16x50x32xf32, #tpu.memory_space<vmem>> -> memref<1x16x50x32xf32, #tpu.memory_space<vmem>>
      %dma_wait3A_1359 = tpu.memref_squeeze %dma_wait3A_1358 : memref<1x16x50x32xf32, #tpu.memory_space<vmem>> -> memref<16x50x32xf32, #tpu.memory_space<vmem>>
      %dma_wait3A_1360 = arith.constant 0 : i32
      %dma_wait3A_1361 = arith.constant 0 : i32
      %dma_wait3A_1362 = arith.constant 0 : i32
      %dma_wait3A_1363 = tpu.memref_slice %arg4[%dma_wait3A_1360, %dma_wait3A_1361, %dma_wait3A_1362] : memref<16384x50x32xf32, #tpu.memory_space<hbm>> -> memref<16x50x32xf32, #tpu.memory_space<hbm>>
      tpu.wait_dma2 semaphore(%arg7 : memref<!tpu.dma_semaphore, #tpu.memory_space<semaphore_mem>>) src(%dma_wait3A_1363 : memref<16x50x32xf32, #tpu.memory_space<hbm>>) dst(%dma_wait3A_1359 : memref<16x50x32xf32, #tpu.memory_space<vmem>>)
      %sub3A = arith.constant 1 : i32
      %sub3A_1364 = arith.subi %add3A_1069, %sub3A : i32
      %mul3A_1365 = arith.constant 16 : i32
      %mul3A_1366 = arith.muli %sub3A_1364, %mul3A_1365 : i32
      %add3A_1367 = arith.addi %mul3A_2, %mul3A_1366 : i32
      %dma_start3A_1368 = arith.constant 0 : i32
      %dma_start3A_1369 = arith.constant 0 : i32
      %dma_start3A_1370 = arith.constant 0 : i32
      %dma_start3A_1371 = arith.constant 0 : i32
      %dma_start3A_1372 = tpu.memref_slice %arg6[%dma_start3A_1368, %dma_start3A_1369, %dma_start3A_1370, %dma_start3A_1371] : memref<2x16x50x32xf32, #tpu.memory_space<vmem>> -> memref<1x16x50x32xf32, #tpu.memory_space<vmem>>
      %dma_start3A_1373 = tpu.memref_squeeze %dma_start3A_1372 : memref<1x16x50x32xf32, #tpu.memory_space<vmem>> -> memref<16x50x32xf32, #tpu.memory_space<vmem>>
      %dma_start3A_1374 = arith.constant 0 : i32
      %dma_start3A_1375 = arith.constant 0 : i32
      %dma_start3A_1376 = tpu.memref_slice %arg4[%add3A_1367, %dma_start3A_1374, %dma_start3A_1375] : memref<16384x50x32xf32, #tpu.memory_space<hbm>> -> memref<16x50x32xf32, #tpu.memory_space<hbm>>
      %dma_start3A_1377 = arith.constant 0 : i32
      %dma_start3A_1378 = arith.constant 0 : i32
      %dma_start3A_1379 = tpu.memref_slice %arg4[%add3A_1367, %dma_start3A_1377, %dma_start3A_1378] : memref<16384x50x32xf32, #tpu.memory_space<hbm>> -> memref<16x50x32xf32, #tpu.memory_space<hbm>>
      %dma_start3A_1380 = arith.constant 0 : i32
      %dma_start3A_1381 = arith.constant 0 : i32
      %dma_start3A_1382 = arith.constant 0 : i32
      %dma_start3A_1383 = tpu.memref_slice %arg6[%dma_start3A_1368, %dma_start3A_1380, %dma_start3A_1381, %dma_start3A_1382] : memref<2x16x50x32xf32, #tpu.memory_space<vmem>> -> memref<1x16x50x32xf32, #tpu.memory_space<vmem>>
      %dma_start3A_1384 = tpu.memref_squeeze %dma_start3A_1383 : memref<1x16x50x32xf32, #tpu.memory_space<vmem>> -> memref<16x50x32xf32, #tpu.memory_space<vmem>>
      tpu.enqueue_dma source(%dma_start3A_1384 : memref<16x50x32xf32, #tpu.memory_space<vmem>>) target(%dma_start3A_1379 : memref<16x50x32xf32, #tpu.memory_space<hbm>>) target_semaphore(%arg9 : memref<!tpu.dma_semaphore, #tpu.memory_space<semaphore_mem>>)
      %dma_wait3A_1385 = arith.constant 0 : i32
      %dma_wait3A_1386 = arith.constant 0 : i32
      %dma_wait3A_1387 = arith.constant 0 : i32
      %dma_wait3A_1388 = arith.constant 0 : i32
      %dma_wait3A_1389 = tpu.memref_slice %arg6[%dma_wait3A_1385, %dma_wait3A_1386, %dma_wait3A_1387, %dma_wait3A_1388] : memref<2x16x50x32xf32, #tpu.memory_space<vmem>> -> memref<1x16x50x32xf32, #tpu.memory_space<vmem>>
      %dma_wait3A_1390 = tpu.memref_squeeze %dma_wait3A_1389 : memref<1x16x50x32xf32, #tpu.memory_space<vmem>> -> memref<16x50x32xf32, #tpu.memory_space<vmem>>
      %dma_wait3A_1391 = arith.constant 0 : i32
      %dma_wait3A_1392 = arith.constant 0 : i32
      %dma_wait3A_1393 = arith.constant 0 : i32
      %dma_wait3A_1394 = tpu.memref_slice %arg4[%dma_wait3A_1391, %dma_wait3A_1392, %dma_wait3A_1393] : memref<16384x50x32xf32, #tpu.memory_space<hbm>> -> memref<16x50x32xf32, #tpu.memory_space<hbm>>
      %dma_wait3A_1395 = arith.constant 0 : i32
      %dma_wait3A_1396 = arith.constant 0 : i32
      %dma_wait3A_1397 = arith.constant 0 : i32
      %dma_wait3A_1398 = tpu.memref_slice %arg4[%dma_wait3A_1395, %dma_wait3A_1396, %dma_wait3A_1397] : memref<16384x50x32xf32, #tpu.memory_space<hbm>> -> memref<16x50x32xf32, #tpu.memory_space<hbm>>
      %dma_wait3A_1399 = arith.constant 0 : i32
      %dma_wait3A_1400 = arith.constant 0 : i32
      %dma_wait3A_1401 = arith.constant 0 : i32
      %dma_wait3A_1402 = tpu.memref_slice %arg6[%dma_wait3A_1385, %dma_wait3A_1399, %dma_wait3A_1400, %dma_wait3A_1401] : memref<2x16x50x32xf32, #tpu.memory_space<vmem>> -> memref<1x16x50x32xf32, #tpu.memory_space<vmem>>
      %dma_wait3A_1403 = tpu.memref_squeeze %dma_wait3A_1402 : memref<1x16x50x32xf32, #tpu.memory_space<vmem>> -> memref<16x50x32xf32, #tpu.memory_space<vmem>>
      tpu.wait_dma2 semaphore(%arg9 : memref<!tpu.dma_semaphore, #tpu.memory_space<semaphore_mem>>) src(%dma_wait3A_1403 : memref<16x50x32xf32, #tpu.memory_space<vmem>>) dst(%dma_wait3A_1398 : memref<16x50x32xf32, #tpu.memory_space<hbm>>)
      %add3A_1404 = arith.constant 1 : i32
      %add3A_1405 = arith.addi %add3A_1069, %add3A_1404 : i32
      %mul3A_1406 = arith.constant 16 : i32
      %mul3A_1407 = arith.muli %add3A_1405, %mul3A_1406 : i32
      %add3A_1408 = arith.constant 0 : i32
      %add3A_1409 = arith.addi %mul3A_1407, %add3A_1408 : i32
      %dma_start3A_1410 = arith.constant 0 : i32
      %dma_start3A_1411 = arith.constant 0 : i32
      %dma_start3A_1412 = arith.constant 0 : i32
      %dma_start3A_1413 = arith.constant 0 : i32
      %dma_start3A_1414 = tpu.memref_slice %arg6[%dma_start3A_1410, %dma_start3A_1411, %dma_start3A_1412, %dma_start3A_1413] : memref<2x16x50x32xf32, #tpu.memory_space<vmem>> -> memref<1x1x50x32xf32, #tpu.memory_space<vmem>>
      %dma_start3A_1415 = tpu.memref_squeeze %dma_start3A_1414 : memref<1x1x50x32xf32, #tpu.memory_space<vmem>> -> memref<50x32xf32, #tpu.memory_space<vmem>>
      %dma_start3A_1416 = arith.constant 0 : i32
      %dma_start3A_1417 = tpu.memref_slice %arg5[%add3A_1409, %dma_start3A_1416] : memref<512x50xi32, #tpu.memory_space<vmem>> -> memref<1x50xi32, #tpu.memory_space<vmem>>
      %dma_start3A_1418 = tpu.memref_squeeze %dma_start3A_1417 : memref<1x50xi32, #tpu.memory_space<vmem>> -> memref<50xi32, #tpu.memory_space<vmem>>
      %dma_start3A_1419 = arith.constant 0 : i32
      %dma_start3A_1420 = arith.constant 0 : i32
      %dma_start3A_1421 = tpu.memref_slice %arg3[%dma_start3A_1419, %dma_start3A_1420] : memref<1000000x32xf32, #tpu.memory_space<hbm>> -> memref<1000000x32xf32, #tpu.memory_space<hbm>>
      tpu.enqueue_indirect_dma source(%dma_start3A_1421 : memref<1000000x32xf32, #tpu.memory_space<hbm>>) target(%dma_start3A_1415 : memref<50x32xf32, #tpu.memory_space<vmem>>) offsets(%dma_start3A_1418 : memref<50xi32, #tpu.memory_space<vmem>>) semaphore(%arg7 : memref<!tpu.dma_semaphore, #tpu.memory_space<semaphore_mem>>)
      %mul3A_1422 = arith.constant 16 : i32
      %mul3A_1423 = arith.muli %add3A_1405, %mul3A_1422 : i32
      %add3A_1424 = arith.constant 1 : i32
      %add3A_1425 = arith.addi %mul3A_1423, %add3A_1424 : i32
      %dma_start3A_1426 = arith.constant 0 : i32
      %dma_start3A_1427 = arith.constant 1 : i32
      %dma_start3A_1428 = arith.constant 0 : i32
      %dma_start3A_1429 = arith.constant 0 : i32
      %dma_start3A_1430 = tpu.memref_slice %arg6[%dma_start3A_1426, %dma_start3A_1427, %dma_start3A_1428, %dma_start3A_1429] : memref<2x16x50x32xf32, #tpu.memory_space<vmem>> -> memref<1x1x50x32xf32, #tpu.memory_space<vmem>>
      %dma_start3A_1431 = tpu.memref_squeeze %dma_start3A_1430 : memref<1x1x50x32xf32, #tpu.memory_space<vmem>> -> memref<50x32xf32, #tpu.memory_space<vmem>>
      %dma_start3A_1432 = arith.constant 0 : i32
      %dma_start3A_1433 = tpu.memref_slice %arg5[%add3A_1425, %dma_start3A_1432] : memref<512x50xi32, #tpu.memory_space<vmem>> -> memref<1x50xi32, #tpu.memory_space<vmem>>
      %dma_start3A_1434 = tpu.memref_squeeze %dma_start3A_1433 : memref<1x50xi32, #tpu.memory_space<vmem>> -> memref<50xi32, #tpu.memory_space<vmem>>
      %dma_start3A_1435 = arith.constant 0 : i32
      %dma_start3A_1436 = arith.constant 0 : i32
      %dma_start3A_1437 = tpu.memref_slice %arg3[%dma_start3A_1435, %dma_start3A_1436] : memref<1000000x32xf32, #tpu.memory_space<hbm>> -> memref<1000000x32xf32, #tpu.memory_space<hbm>>
      tpu.enqueue_indirect_dma source(%dma_start3A_1437 : memref<1000000x32xf32, #tpu.memory_space<hbm>>) target(%dma_start3A_1431 : memref<50x32xf32, #tpu.memory_space<vmem>>) offsets(%dma_start3A_1434 : memref<50xi32, #tpu.memory_space<vmem>>) semaphore(%arg7 : memref<!tpu.dma_semaphore, #tpu.memory_space<semaphore_mem>>)
      %mul3A_1438 = arith.constant 16 : i32
      %mul3A_1439 = arith.muli %add3A_1405, %mul3A_1438 : i32
      %add3A_1440 = arith.constant 2 : i32
      %add3A_1441 = arith.addi %mul3A_1439, %add3A_1440 : i32
      %dma_start3A_1442 = arith.constant 0 : i32
      %dma_start3A_1443 = arith.constant 2 : i32
      %dma_start3A_1444 = arith.constant 0 : i32
      %dma_start3A_1445 = arith.constant 0 : i32
      %dma_start3A_1446 = tpu.memref_slice %arg6[%dma_start3A_1442, %dma_start3A_1443, %dma_start3A_1444, %dma_start3A_1445] : memref<2x16x50x32xf32, #tpu.memory_space<vmem>> -> memref<1x1x50x32xf32, #tpu.memory_space<vmem>>
      %dma_start3A_1447 = tpu.memref_squeeze %dma_start3A_1446 : memref<1x1x50x32xf32, #tpu.memory_space<vmem>> -> memref<50x32xf32, #tpu.memory_space<vmem>>
      %dma_start3A_1448 = arith.constant 0 : i32
      %dma_start3A_1449 = tpu.memref_slice %arg5[%add3A_1441, %dma_start3A_1448] : memref<512x50xi32, #tpu.memory_space<vmem>> -> memref<1x50xi32, #tpu.memory_space<vmem>>
      %dma_start3A_1450 = tpu.memref_squeeze %dma_start3A_1449 : memref<1x50xi32, #tpu.memory_space<vmem>> -> memref<50xi32, #tpu.memory_space<vmem>>
      %dma_start3A_1451 = arith.constant 0 : i32
      %dma_start3A_1452 = arith.constant 0 : i32
      %dma_start3A_1453 = tpu.memref_slice %arg3[%dma_start3A_1451, %dma_start3A_1452] : memref<1000000x32xf32, #tpu.memory_space<hbm>> -> memref<1000000x32xf32, #tpu.memory_space<hbm>>
      tpu.enqueue_indirect_dma source(%dma_start3A_1453 : memref<1000000x32xf32, #tpu.memory_space<hbm>>) target(%dma_start3A_1447 : memref<50x32xf32, #tpu.memory_space<vmem>>) offsets(%dma_start3A_1450 : memref<50xi32, #tpu.memory_space<vmem>>) semaphore(%arg7 : memref<!tpu.dma_semaphore, #tpu.memory_space<semaphore_mem>>)
      %mul3A_1454 = arith.constant 16 : i32
      %mul3A_1455 = arith.muli %add3A_1405, %mul3A_1454 : i32
      %add3A_1456 = arith.constant 3 : i32
      %add3A_1457 = arith.addi %mul3A_1455, %add3A_1456 : i32
      %dma_start3A_1458 = arith.constant 0 : i32
      %dma_start3A_1459 = arith.constant 3 : i32
      %dma_start3A_1460 = arith.constant 0 : i32
      %dma_start3A_1461 = arith.constant 0 : i32
      %dma_start3A_1462 = tpu.memref_slice %arg6[%dma_start3A_1458, %dma_start3A_1459, %dma_start3A_1460, %dma_start3A_1461] : memref<2x16x50x32xf32, #tpu.memory_space<vmem>> -> memref<1x1x50x32xf32, #tpu.memory_space<vmem>>
      %dma_start3A_1463 = tpu.memref_squeeze %dma_start3A_1462 : memref<1x1x50x32xf32, #tpu.memory_space<vmem>> -> memref<50x32xf32, #tpu.memory_space<vmem>>
      %dma_start3A_1464 = arith.constant 0 : i32
      %dma_start3A_1465 = tpu.memref_slice %arg5[%add3A_1457, %dma_start3A_1464] : memref<512x50xi32, #tpu.memory_space<vmem>> -> memref<1x50xi32, #tpu.memory_space<vmem>>
      %dma_start3A_1466 = tpu.memref_squeeze %dma_start3A_1465 : memref<1x50xi32, #tpu.memory_space<vmem>> -> memref<50xi32, #tpu.memory_space<vmem>>
      %dma_start3A_1467 = arith.constant 0 : i32
      %dma_start3A_1468 = arith.constant 0 : i32
      %dma_start3A_1469 = tpu.memref_slice %arg3[%dma_start3A_1467, %dma_start3A_1468] : memref<1000000x32xf32, #tpu.memory_space<hbm>> -> memref<1000000x32xf32, #tpu.memory_space<hbm>>
      tpu.enqueue_indirect_dma source(%dma_start3A_1469 : memref<1000000x32xf32, #tpu.memory_space<hbm>>) target(%dma_start3A_1463 : memref<50x32xf32, #tpu.memory_space<vmem>>) offsets(%dma_start3A_1466 : memref<50xi32, #tpu.memory_space<vmem>>) semaphore(%arg7 : memref<!tpu.dma_semaphore, #tpu.memory_space<semaphore_mem>>)
      %mul3A_1470 = arith.constant 16 : i32
      %mul3A_1471 = arith.muli %add3A_1405, %mul3A_1470 : i32
      %add3A_1472 = arith.constant 4 : i32
      %add3A_1473 = arith.addi %mul3A_1471, %add3A_1472 : i32
      %dma_start3A_1474 = arith.constant 0 : i32
      %dma_start3A_1475 = arith.constant 4 : i32
      %dma_start3A_1476 = arith.constant 0 : i32
      %dma_start3A_1477 = arith.constant 0 : i32
      %dma_start3A_1478 = tpu.memref_slice %arg6[%dma_start3A_1474, %dma_start3A_1475, %dma_start3A_1476, %dma_start3A_1477] : memref<2x16x50x32xf32, #tpu.memory_space<vmem>> -> memref<1x1x50x32xf32, #tpu.memory_space<vmem>>
      %dma_start3A_1479 = tpu.memref_squeeze %dma_start3A_1478 : memref<1x1x50x32xf32, #tpu.memory_space<vmem>> -> memref<50x32xf32, #tpu.memory_space<vmem>>
      %dma_start3A_1480 = arith.constant 0 : i32
      %dma_start3A_1481 = tpu.memref_slice %arg5[%add3A_1473, %dma_start3A_1480] : memref<512x50xi32, #tpu.memory_space<vmem>> -> memref<1x50xi32, #tpu.memory_space<vmem>>
      %dma_start3A_1482 = tpu.memref_squeeze %dma_start3A_1481 : memref<1x50xi32, #tpu.memory_space<vmem>> -> memref<50xi32, #tpu.memory_space<vmem>>
      %dma_start3A_1483 = arith.constant 0 : i32
      %dma_start3A_1484 = arith.constant 0 : i32
      %dma_start3A_1485 = tpu.memref_slice %arg3[%dma_start3A_1483, %dma_start3A_1484] : memref<1000000x32xf32, #tpu.memory_space<hbm>> -> memref<1000000x32xf32, #tpu.memory_space<hbm>>
      tpu.enqueue_indirect_dma source(%dma_start3A_1485 : memref<1000000x32xf32, #tpu.memory_space<hbm>>) target(%dma_start3A_1479 : memref<50x32xf32, #tpu.memory_space<vmem>>) offsets(%dma_start3A_1482 : memref<50xi32, #tpu.memory_space<vmem>>) semaphore(%arg7 : memref<!tpu.dma_semaphore, #tpu.memory_space<semaphore_mem>>)
      %mul3A_1486 = arith.constant 16 : i32
      %mul3A_1487 = arith.muli %add3A_1405, %mul3A_1486 : i32
      %add3A_1488 = arith.constant 5 : i32
      %add3A_1489 = arith.addi %mul3A_1487, %add3A_1488 : i32
      %dma_start3A_1490 = arith.constant 0 : i32
      %dma_start3A_1491 = arith.constant 5 : i32
      %dma_start3A_1492 = arith.constant 0 : i32
      %dma_start3A_1493 = arith.constant 0 : i32
      %dma_start3A_1494 = tpu.memref_slice %arg6[%dma_start3A_1490, %dma_start3A_1491, %dma_start3A_1492, %dma_start3A_1493] : memref<2x16x50x32xf32, #tpu.memory_space<vmem>> -> memref<1x1x50x32xf32, #tpu.memory_space<vmem>>
      %dma_start3A_1495 = tpu.memref_squeeze %dma_start3A_1494 : memref<1x1x50x32xf32, #tpu.memory_space<vmem>> -> memref<50x32xf32, #tpu.memory_space<vmem>>
      %dma_start3A_1496 = arith.constant 0 : i32
      %dma_start3A_1497 = tpu.memref_slice %arg5[%add3A_1489, %dma_start3A_1496] : memref<512x50xi32, #tpu.memory_space<vmem>> -> memref<1x50xi32, #tpu.memory_space<vmem>>
      %dma_start3A_1498 = tpu.memref_squeeze %dma_start3A_1497 : memref<1x50xi32, #tpu.memory_space<vmem>> -> memref<50xi32, #tpu.memory_space<vmem>>
      %dma_start3A_1499 = arith.constant 0 : i32
      %dma_start3A_1500 = arith.constant 0 : i32
      %dma_start3A_1501 = tpu.memref_slice %arg3[%dma_start3A_1499, %dma_start3A_1500] : memref<1000000x32xf32, #tpu.memory_space<hbm>> -> memref<1000000x32xf32, #tpu.memory_space<hbm>>
      tpu.enqueue_indirect_dma source(%dma_start3A_1501 : memref<1000000x32xf32, #tpu.memory_space<hbm>>) target(%dma_start3A_1495 : memref<50x32xf32, #tpu.memory_space<vmem>>) offsets(%dma_start3A_1498 : memref<50xi32, #tpu.memory_space<vmem>>) semaphore(%arg7 : memref<!tpu.dma_semaphore, #tpu.memory_space<semaphore_mem>>)
      %mul3A_1502 = arith.constant 16 : i32
      %mul3A_1503 = arith.muli %add3A_1405, %mul3A_1502 : i32
      %add3A_1504 = arith.constant 6 : i32
      %add3A_1505 = arith.addi %mul3A_1503, %add3A_1504 : i32
      %dma_start3A_1506 = arith.constant 0 : i32
      %dma_start3A_1507 = arith.constant 6 : i32
      %dma_start3A_1508 = arith.constant 0 : i32
      %dma_start3A_1509 = arith.constant 0 : i32
      %dma_start3A_1510 = tpu.memref_slice %arg6[%dma_start3A_1506, %dma_start3A_1507, %dma_start3A_1508, %dma_start3A_1509] : memref<2x16x50x32xf32, #tpu.memory_space<vmem>> -> memref<1x1x50x32xf32, #tpu.memory_space<vmem>>
      %dma_start3A_1511 = tpu.memref_squeeze %dma_start3A_1510 : memref<1x1x50x32xf32, #tpu.memory_space<vmem>> -> memref<50x32xf32, #tpu.memory_space<vmem>>
      %dma_start3A_1512 = arith.constant 0 : i32
      %dma_start3A_1513 = tpu.memref_slice %arg5[%add3A_1505, %dma_start3A_1512] : memref<512x50xi32, #tpu.memory_space<vmem>> -> memref<1x50xi32, #tpu.memory_space<vmem>>
      %dma_start3A_1514 = tpu.memref_squeeze %dma_start3A_1513 : memref<1x50xi32, #tpu.memory_space<vmem>> -> memref<50xi32, #tpu.memory_space<vmem>>
      %dma_start3A_1515 = arith.constant 0 : i32
      %dma_start3A_1516 = arith.constant 0 : i32
      %dma_start3A_1517 = tpu.memref_slice %arg3[%dma_start3A_1515, %dma_start3A_1516] : memref<1000000x32xf32, #tpu.memory_space<hbm>> -> memref<1000000x32xf32, #tpu.memory_space<hbm>>
      tpu.enqueue_indirect_dma source(%dma_start3A_1517 : memref<1000000x32xf32, #tpu.memory_space<hbm>>) target(%dma_start3A_1511 : memref<50x32xf32, #tpu.memory_space<vmem>>) offsets(%dma_start3A_1514 : memref<50xi32, #tpu.memory_space<vmem>>) semaphore(%arg7 : memref<!tpu.dma_semaphore, #tpu.memory_space<semaphore_mem>>)
      %mul3A_1518 = arith.constant 16 : i32
      %mul3A_1519 = arith.muli %add3A_1405, %mul3A_1518 : i32
      %add3A_1520 = arith.constant 7 : i32
      %add3A_1521 = arith.addi %mul3A_1519, %add3A_1520 : i32
      %dma_start3A_1522 = arith.constant 0 : i32
      %dma_start3A_1523 = arith.constant 7 : i32
      %dma_start3A_1524 = arith.constant 0 : i32
      %dma_start3A_1525 = arith.constant 0 : i32
      %dma_start3A_1526 = tpu.memref_slice %arg6[%dma_start3A_1522, %dma_start3A_1523, %dma_start3A_1524, %dma_start3A_1525] : memref<2x16x50x32xf32, #tpu.memory_space<vmem>> -> memref<1x1x50x32xf32, #tpu.memory_space<vmem>>
      %dma_start3A_1527 = tpu.memref_squeeze %dma_start3A_1526 : memref<1x1x50x32xf32, #tpu.memory_space<vmem>> -> memref<50x32xf32, #tpu.memory_space<vmem>>
      %dma_start3A_1528 = arith.constant 0 : i32
      %dma_start3A_1529 = tpu.memref_slice %arg5[%add3A_1521, %dma_start3A_1528] : memref<512x50xi32, #tpu.memory_space<vmem>> -> memref<1x50xi32, #tpu.memory_space<vmem>>
      %dma_start3A_1530 = tpu.memref_squeeze %dma_start3A_1529 : memref<1x50xi32, #tpu.memory_space<vmem>> -> memref<50xi32, #tpu.memory_space<vmem>>
      %dma_start3A_1531 = arith.constant 0 : i32
      %dma_start3A_1532 = arith.constant 0 : i32
      %dma_start3A_1533 = tpu.memref_slice %arg3[%dma_start3A_1531, %dma_start3A_1532] : memref<1000000x32xf32, #tpu.memory_space<hbm>> -> memref<1000000x32xf32, #tpu.memory_space<hbm>>
      tpu.enqueue_indirect_dma source(%dma_start3A_1533 : memref<1000000x32xf32, #tpu.memory_space<hbm>>) target(%dma_start3A_1527 : memref<50x32xf32, #tpu.memory_space<vmem>>) offsets(%dma_start3A_1530 : memref<50xi32, #tpu.memory_space<vmem>>) semaphore(%arg7 : memref<!tpu.dma_semaphore, #tpu.memory_space<semaphore_mem>>)
      %mul3A_1534 = arith.constant 16 : i32
      %mul3A_1535 = arith.muli %add3A_1405, %mul3A_1534 : i32
      %add3A_1536 = arith.constant 8 : i32
      %add3A_1537 = arith.addi %mul3A_1535, %add3A_1536 : i32
      %dma_start3A_1538 = arith.constant 0 : i32
      %dma_start3A_1539 = arith.constant 8 : i32
      %dma_start3A_1540 = arith.constant 0 : i32
      %dma_start3A_1541 = arith.constant 0 : i32
      %dma_start3A_1542 = tpu.memref_slice %arg6[%dma_start3A_1538, %dma_start3A_1539, %dma_start3A_1540, %dma_start3A_1541] : memref<2x16x50x32xf32, #tpu.memory_space<vmem>> -> memref<1x1x50x32xf32, #tpu.memory_space<vmem>>
      %dma_start3A_1543 = tpu.memref_squeeze %dma_start3A_1542 : memref<1x1x50x32xf32, #tpu.memory_space<vmem>> -> memref<50x32xf32, #tpu.memory_space<vmem>>
      %dma_start3A_1544 = arith.constant 0 : i32
      %dma_start3A_1545 = tpu.memref_slice %arg5[%add3A_1537, %dma_start3A_1544] : memref<512x50xi32, #tpu.memory_space<vmem>> -> memref<1x50xi32, #tpu.memory_space<vmem>>
      %dma_start3A_1546 = tpu.memref_squeeze %dma_start3A_1545 : memref<1x50xi32, #tpu.memory_space<vmem>> -> memref<50xi32, #tpu.memory_space<vmem>>
      %dma_start3A_1547 = arith.constant 0 : i32
      %dma_start3A_1548 = arith.constant 0 : i32
      %dma_start3A_1549 = tpu.memref_slice %arg3[%dma_start3A_1547, %dma_start3A_1548] : memref<1000000x32xf32, #tpu.memory_space<hbm>> -> memref<1000000x32xf32, #tpu.memory_space<hbm>>
      tpu.enqueue_indirect_dma source(%dma_start3A_1549 : memref<1000000x32xf32, #tpu.memory_space<hbm>>) target(%dma_start3A_1543 : memref<50x32xf32, #tpu.memory_space<vmem>>) offsets(%dma_start3A_1546 : memref<50xi32, #tpu.memory_space<vmem>>) semaphore(%arg7 : memref<!tpu.dma_semaphore, #tpu.memory_space<semaphore_mem>>)
      %mul3A_1550 = arith.constant 16 : i32
      %mul3A_1551 = arith.muli %add3A_1405, %mul3A_1550 : i32
      %add3A_1552 = arith.constant 9 : i32
      %add3A_1553 = arith.addi %mul3A_1551, %add3A_1552 : i32
      %dma_start3A_1554 = arith.constant 0 : i32
      %dma_start3A_1555 = arith.constant 9 : i32
      %dma_start3A_1556 = arith.constant 0 : i32
      %dma_start3A_1557 = arith.constant 0 : i32
      %dma_start3A_1558 = tpu.memref_slice %arg6[%dma_start3A_1554, %dma_start3A_1555, %dma_start3A_1556, %dma_start3A_1557] : memref<2x16x50x32xf32, #tpu.memory_space<vmem>> -> memref<1x1x50x32xf32, #tpu.memory_space<vmem>>
      %dma_start3A_1559 = tpu.memref_squeeze %dma_start3A_1558 : memref<1x1x50x32xf32, #tpu.memory_space<vmem>> -> memref<50x32xf32, #tpu.memory_space<vmem>>
      %dma_start3A_1560 = arith.constant 0 : i32
      %dma_start3A_1561 = tpu.memref_slice %arg5[%add3A_1553, %dma_start3A_1560] : memref<512x50xi32, #tpu.memory_space<vmem>> -> memref<1x50xi32, #tpu.memory_space<vmem>>
      %dma_start3A_1562 = tpu.memref_squeeze %dma_start3A_1561 : memref<1x50xi32, #tpu.memory_space<vmem>> -> memref<50xi32, #tpu.memory_space<vmem>>
      %dma_start3A_1563 = arith.constant 0 : i32
      %dma_start3A_1564 = arith.constant 0 : i32
      %dma_start3A_1565 = tpu.memref_slice %arg3[%dma_start3A_1563, %dma_start3A_1564] : memref<1000000x32xf32, #tpu.memory_space<hbm>> -> memref<1000000x32xf32, #tpu.memory_space<hbm>>
      tpu.enqueue_indirect_dma source(%dma_start3A_1565 : memref<1000000x32xf32, #tpu.memory_space<hbm>>) target(%dma_start3A_1559 : memref<50x32xf32, #tpu.memory_space<vmem>>) offsets(%dma_start3A_1562 : memref<50xi32, #tpu.memory_space<vmem>>) semaphore(%arg7 : memref<!tpu.dma_semaphore, #tpu.memory_space<semaphore_mem>>)
      %mul3A_1566 = arith.constant 16 : i32
      %mul3A_1567 = arith.muli %add3A_1405, %mul3A_1566 : i32
      %add3A_1568 = arith.constant 10 : i32
      %add3A_1569 = arith.addi %mul3A_1567, %add3A_1568 : i32
      %dma_start3A_1570 = arith.constant 0 : i32
      %dma_start3A_1571 = arith.constant 10 : i32
      %dma_start3A_1572 = arith.constant 0 : i32
      %dma_start3A_1573 = arith.constant 0 : i32
      %dma_start3A_1574 = tpu.memref_slice %arg6[%dma_start3A_1570, %dma_start3A_1571, %dma_start3A_1572, %dma_start3A_1573] : memref<2x16x50x32xf32, #tpu.memory_space<vmem>> -> memref<1x1x50x32xf32, #tpu.memory_space<vmem>>
      %dma_start3A_1575 = tpu.memref_squeeze %dma_start3A_1574 : memref<1x1x50x32xf32, #tpu.memory_space<vmem>> -> memref<50x32xf32, #tpu.memory_space<vmem>>
      %dma_start3A_1576 = arith.constant 0 : i32
      %dma_start3A_1577 = tpu.memref_slice %arg5[%add3A_1569, %dma_start3A_1576] : memref<512x50xi32, #tpu.memory_space<vmem>> -> memref<1x50xi32, #tpu.memory_space<vmem>>
      %dma_start3A_1578 = tpu.memref_squeeze %dma_start3A_1577 : memref<1x50xi32, #tpu.memory_space<vmem>> -> memref<50xi32, #tpu.memory_space<vmem>>
      %dma_start3A_1579 = arith.constant 0 : i32
      %dma_start3A_1580 = arith.constant 0 : i32
      %dma_start3A_1581 = tpu.memref_slice %arg3[%dma_start3A_1579, %dma_start3A_1580] : memref<1000000x32xf32, #tpu.memory_space<hbm>> -> memref<1000000x32xf32, #tpu.memory_space<hbm>>
      tpu.enqueue_indirect_dma source(%dma_start3A_1581 : memref<1000000x32xf32, #tpu.memory_space<hbm>>) target(%dma_start3A_1575 : memref<50x32xf32, #tpu.memory_space<vmem>>) offsets(%dma_start3A_1578 : memref<50xi32, #tpu.memory_space<vmem>>) semaphore(%arg7 : memref<!tpu.dma_semaphore, #tpu.memory_space<semaphore_mem>>)
      %mul3A_1582 = arith.constant 16 : i32
      %mul3A_1583 = arith.muli %add3A_1405, %mul3A_1582 : i32
      %add3A_1584 = arith.constant 11 : i32
      %add3A_1585 = arith.addi %mul3A_1583, %add3A_1584 : i32
      %dma_start3A_1586 = arith.constant 0 : i32
      %dma_start3A_1587 = arith.constant 11 : i32
      %dma_start3A_1588 = arith.constant 0 : i32
      %dma_start3A_1589 = arith.constant 0 : i32
      %dma_start3A_1590 = tpu.memref_slice %arg6[%dma_start3A_1586, %dma_start3A_1587, %dma_start3A_1588, %dma_start3A_1589] : memref<2x16x50x32xf32, #tpu.memory_space<vmem>> -> memref<1x1x50x32xf32, #tpu.memory_space<vmem>>
      %dma_start3A_1591 = tpu.memref_squeeze %dma_start3A_1590 : memref<1x1x50x32xf32, #tpu.memory_space<vmem>> -> memref<50x32xf32, #tpu.memory_space<vmem>>
      %dma_start3A_1592 = arith.constant 0 : i32
      %dma_start3A_1593 = tpu.memref_slice %arg5[%add3A_1585, %dma_start3A_1592] : memref<512x50xi32, #tpu.memory_space<vmem>> -> memref<1x50xi32, #tpu.memory_space<vmem>>
      %dma_start3A_1594 = tpu.memref_squeeze %dma_start3A_1593 : memref<1x50xi32, #tpu.memory_space<vmem>> -> memref<50xi32, #tpu.memory_space<vmem>>
      %dma_start3A_1595 = arith.constant 0 : i32
      %dma_start3A_1596 = arith.constant 0 : i32
      %dma_start3A_1597 = tpu.memref_slice %arg3[%dma_start3A_1595, %dma_start3A_1596] : memref<1000000x32xf32, #tpu.memory_space<hbm>> -> memref<1000000x32xf32, #tpu.memory_space<hbm>>
      tpu.enqueue_indirect_dma source(%dma_start3A_1597 : memref<1000000x32xf32, #tpu.memory_space<hbm>>) target(%dma_start3A_1591 : memref<50x32xf32, #tpu.memory_space<vmem>>) offsets(%dma_start3A_1594 : memref<50xi32, #tpu.memory_space<vmem>>) semaphore(%arg7 : memref<!tpu.dma_semaphore, #tpu.memory_space<semaphore_mem>>)
      %mul3A_1598 = arith.constant 16 : i32
      %mul3A_1599 = arith.muli %add3A_1405, %mul3A_1598 : i32
      %add3A_1600 = arith.constant 12 : i32
      %add3A_1601 = arith.addi %mul3A_1599, %add3A_1600 : i32
      %dma_start3A_1602 = arith.constant 0 : i32
      %dma_start3A_1603 = arith.constant 12 : i32
      %dma_start3A_1604 = arith.constant 0 : i32
      %dma_start3A_1605 = arith.constant 0 : i32
      %dma_start3A_1606 = tpu.memref_slice %arg6[%dma_start3A_1602, %dma_start3A_1603, %dma_start3A_1604, %dma_start3A_1605] : memref<2x16x50x32xf32, #tpu.memory_space<vmem>> -> memref<1x1x50x32xf32, #tpu.memory_space<vmem>>
      %dma_start3A_1607 = tpu.memref_squeeze %dma_start3A_1606 : memref<1x1x50x32xf32, #tpu.memory_space<vmem>> -> memref<50x32xf32, #tpu.memory_space<vmem>>
      %dma_start3A_1608 = arith.constant 0 : i32
      %dma_start3A_1609 = tpu.memref_slice %arg5[%add3A_1601, %dma_start3A_1608] : memref<512x50xi32, #tpu.memory_space<vmem>> -> memref<1x50xi32, #tpu.memory_space<vmem>>
      %dma_start3A_1610 = tpu.memref_squeeze %dma_start3A_1609 : memref<1x50xi32, #tpu.memory_space<vmem>> -> memref<50xi32, #tpu.memory_space<vmem>>
      %dma_start3A_1611 = arith.constant 0 : i32
      %dma_start3A_1612 = arith.constant 0 : i32
      %dma_start3A_1613 = tpu.memref_slice %arg3[%dma_start3A_1611, %dma_start3A_1612] : memref<1000000x32xf32, #tpu.memory_space<hbm>> -> memref<1000000x32xf32, #tpu.memory_space<hbm>>
      tpu.enqueue_indirect_dma source(%dma_start3A_1613 : memref<1000000x32xf32, #tpu.memory_space<hbm>>) target(%dma_start3A_1607 : memref<50x32xf32, #tpu.memory_space<vmem>>) offsets(%dma_start3A_1610 : memref<50xi32, #tpu.memory_space<vmem>>) semaphore(%arg7 : memref<!tpu.dma_semaphore, #tpu.memory_space<semaphore_mem>>)
      %mul3A_1614 = arith.constant 16 : i32
      %mul3A_1615 = arith.muli %add3A_1405, %mul3A_1614 : i32
      %add3A_1616 = arith.constant 13 : i32
      %add3A_1617 = arith.addi %mul3A_1615, %add3A_1616 : i32
      %dma_start3A_1618 = arith.constant 0 : i32
      %dma_start3A_1619 = arith.constant 13 : i32
      %dma_start3A_1620 = arith.constant 0 : i32
      %dma_start3A_1621 = arith.constant 0 : i32
      %dma_start3A_1622 = tpu.memref_slice %arg6[%dma_start3A_1618, %dma_start3A_1619, %dma_start3A_1620, %dma_start3A_1621] : memref<2x16x50x32xf32, #tpu.memory_space<vmem>> -> memref<1x1x50x32xf32, #tpu.memory_space<vmem>>
      %dma_start3A_1623 = tpu.memref_squeeze %dma_start3A_1622 : memref<1x1x50x32xf32, #tpu.memory_space<vmem>> -> memref<50x32xf32, #tpu.memory_space<vmem>>
      %dma_start3A_1624 = arith.constant 0 : i32
      %dma_start3A_1625 = tpu.memref_slice %arg5[%add3A_1617, %dma_start3A_1624] : memref<512x50xi32, #tpu.memory_space<vmem>> -> memref<1x50xi32, #tpu.memory_space<vmem>>
      %dma_start3A_1626 = tpu.memref_squeeze %dma_start3A_1625 : memref<1x50xi32, #tpu.memory_space<vmem>> -> memref<50xi32, #tpu.memory_space<vmem>>
      %dma_start3A_1627 = arith.constant 0 : i32
      %dma_start3A_1628 = arith.constant 0 : i32
      %dma_start3A_1629 = tpu.memref_slice %arg3[%dma_start3A_1627, %dma_start3A_1628] : memref<1000000x32xf32, #tpu.memory_space<hbm>> -> memref<1000000x32xf32, #tpu.memory_space<hbm>>
      tpu.enqueue_indirect_dma source(%dma_start3A_1629 : memref<1000000x32xf32, #tpu.memory_space<hbm>>) target(%dma_start3A_1623 : memref<50x32xf32, #tpu.memory_space<vmem>>) offsets(%dma_start3A_1626 : memref<50xi32, #tpu.memory_space<vmem>>) semaphore(%arg7 : memref<!tpu.dma_semaphore, #tpu.memory_space<semaphore_mem>>)
      %mul3A_1630 = arith.constant 16 : i32
      %mul3A_1631 = arith.muli %add3A_1405, %mul3A_1630 : i32
      %add3A_1632 = arith.constant 14 : i32
      %add3A_1633 = arith.addi %mul3A_1631, %add3A_1632 : i32
      %dma_start3A_1634 = arith.constant 0 : i32
      %dma_start3A_1635 = arith.constant 14 : i32
      %dma_start3A_1636 = arith.constant 0 : i32
      %dma_start3A_1637 = arith.constant 0 : i32
      %dma_start3A_1638 = tpu.memref_slice %arg6[%dma_start3A_1634, %dma_start3A_1635, %dma_start3A_1636, %dma_start3A_1637] : memref<2x16x50x32xf32, #tpu.memory_space<vmem>> -> memref<1x1x50x32xf32, #tpu.memory_space<vmem>>
      %dma_start3A_1639 = tpu.memref_squeeze %dma_start3A_1638 : memref<1x1x50x32xf32, #tpu.memory_space<vmem>> -> memref<50x32xf32, #tpu.memory_space<vmem>>
      %dma_start3A_1640 = arith.constant 0 : i32
      %dma_start3A_1641 = tpu.memref_slice %arg5[%add3A_1633, %dma_start3A_1640] : memref<512x50xi32, #tpu.memory_space<vmem>> -> memref<1x50xi32, #tpu.memory_space<vmem>>
      %dma_start3A_1642 = tpu.memref_squeeze %dma_start3A_1641 : memref<1x50xi32, #tpu.memory_space<vmem>> -> memref<50xi32, #tpu.memory_space<vmem>>
      %dma_start3A_1643 = arith.constant 0 : i32
      %dma_start3A_1644 = arith.constant 0 : i32
      %dma_start3A_1645 = tpu.memref_slice %arg3[%dma_start3A_1643, %dma_start3A_1644] : memref<1000000x32xf32, #tpu.memory_space<hbm>> -> memref<1000000x32xf32, #tpu.memory_space<hbm>>
      tpu.enqueue_indirect_dma source(%dma_start3A_1645 : memref<1000000x32xf32, #tpu.memory_space<hbm>>) target(%dma_start3A_1639 : memref<50x32xf32, #tpu.memory_space<vmem>>) offsets(%dma_start3A_1642 : memref<50xi32, #tpu.memory_space<vmem>>) semaphore(%arg7 : memref<!tpu.dma_semaphore, #tpu.memory_space<semaphore_mem>>)
      %mul3A_1646 = arith.constant 16 : i32
      %mul3A_1647 = arith.muli %add3A_1405, %mul3A_1646 : i32
      %add3A_1648 = arith.constant 15 : i32
      %add3A_1649 = arith.addi %mul3A_1647, %add3A_1648 : i32
      %dma_start3A_1650 = arith.constant 0 : i32
      %dma_start3A_1651 = arith.constant 15 : i32
      %dma_start3A_1652 = arith.constant 0 : i32
      %dma_start3A_1653 = arith.constant 0 : i32
      %dma_start3A_1654 = tpu.memref_slice %arg6[%dma_start3A_1650, %dma_start3A_1651, %dma_start3A_1652, %dma_start3A_1653] : memref<2x16x50x32xf32, #tpu.memory_space<vmem>> -> memref<1x1x50x32xf32, #tpu.memory_space<vmem>>
      %dma_start3A_1655 = tpu.memref_squeeze %dma_start3A_1654 : memref<1x1x50x32xf32, #tpu.memory_space<vmem>> -> memref<50x32xf32, #tpu.memory_space<vmem>>
      %dma_start3A_1656 = arith.constant 0 : i32
      %dma_start3A_1657 = tpu.memref_slice %arg5[%add3A_1649, %dma_start3A_1656] : memref<512x50xi32, #tpu.memory_space<vmem>> -> memref<1x50xi32, #tpu.memory_space<vmem>>
      %dma_start3A_1658 = tpu.memref_squeeze %dma_start3A_1657 : memref<1x50xi32, #tpu.memory_space<vmem>> -> memref<50xi32, #tpu.memory_space<vmem>>
      %dma_start3A_1659 = arith.constant 0 : i32
      %dma_start3A_1660 = arith.constant 0 : i32
      %dma_start3A_1661 = tpu.memref_slice %arg3[%dma_start3A_1659, %dma_start3A_1660] : memref<1000000x32xf32, #tpu.memory_space<hbm>> -> memref<1000000x32xf32, #tpu.memory_space<hbm>>
      tpu.enqueue_indirect_dma source(%dma_start3A_1661 : memref<1000000x32xf32, #tpu.memory_space<hbm>>) target(%dma_start3A_1655 : memref<50x32xf32, #tpu.memory_space<vmem>>) offsets(%dma_start3A_1658 : memref<50xi32, #tpu.memory_space<vmem>>) semaphore(%arg7 : memref<!tpu.dma_semaphore, #tpu.memory_space<semaphore_mem>>)
      %dma_wait3A_1662 = arith.constant 1 : i32
      %dma_wait3A_1663 = arith.constant 0 : i32
      %dma_wait3A_1664 = arith.constant 0 : i32
      %dma_wait3A_1665 = arith.constant 0 : i32
      %dma_wait3A_1666 = tpu.memref_slice %arg6[%dma_wait3A_1662, %dma_wait3A_1663, %dma_wait3A_1664, %dma_wait3A_1665] : memref<2x16x50x32xf32, #tpu.memory_space<vmem>> -> memref<1x16x50x32xf32, #tpu.memory_space<vmem>>
      %dma_wait3A_1667 = tpu.memref_squeeze %dma_wait3A_1666 : memref<1x16x50x32xf32, #tpu.memory_space<vmem>> -> memref<16x50x32xf32, #tpu.memory_space<vmem>>
      %dma_wait3A_1668 = arith.constant 0 : i32
      %dma_wait3A_1669 = arith.constant 0 : i32
      %dma_wait3A_1670 = arith.constant 0 : i32
      %dma_wait3A_1671 = tpu.memref_slice %arg4[%dma_wait3A_1668, %dma_wait3A_1669, %dma_wait3A_1670] : memref<16384x50x32xf32, #tpu.memory_space<hbm>> -> memref<16x50x32xf32, #tpu.memory_space<hbm>>
      %dma_wait3A_1672 = arith.constant 0 : i32
      %dma_wait3A_1673 = arith.constant 0 : i32
      %dma_wait3A_1674 = arith.constant 0 : i32
      %dma_wait3A_1675 = tpu.memref_slice %arg6[%dma_wait3A_1662, %dma_wait3A_1672, %dma_wait3A_1673, %dma_wait3A_1674] : memref<2x16x50x32xf32, #tpu.memory_space<vmem>> -> memref<1x16x50x32xf32, #tpu.memory_space<vmem>>
      %dma_wait3A_1676 = tpu.memref_squeeze %dma_wait3A_1675 : memref<1x16x50x32xf32, #tpu.memory_space<vmem>> -> memref<16x50x32xf32, #tpu.memory_space<vmem>>
      %dma_wait3A_1677 = arith.constant 0 : i32
      %dma_wait3A_1678 = arith.constant 0 : i32
      %dma_wait3A_1679 = arith.constant 0 : i32
      %dma_wait3A_1680 = tpu.memref_slice %arg4[%dma_wait3A_1677, %dma_wait3A_1678, %dma_wait3A_1679] : memref<16384x50x32xf32, #tpu.memory_space<hbm>> -> memref<16x50x32xf32, #tpu.memory_space<hbm>>
      tpu.wait_dma2 semaphore(%arg8 : memref<!tpu.dma_semaphore, #tpu.memory_space<semaphore_mem>>) src(%dma_wait3A_1680 : memref<16x50x32xf32, #tpu.memory_space<hbm>>) dst(%dma_wait3A_1676 : memref<16x50x32xf32, #tpu.memory_space<vmem>>)
      %mul3A_1681 = arith.constant 16 : i32
      %mul3A_1682 = arith.muli %add3A_1069, %mul3A_1681 : i32
      %add3A_1683 = arith.addi %mul3A_2, %mul3A_1682 : i32
      %dma_start3A_1684 = arith.constant 1 : i32
      %dma_start3A_1685 = arith.constant 0 : i32
      %dma_start3A_1686 = arith.constant 0 : i32
      %dma_start3A_1687 = arith.constant 0 : i32
      %dma_start3A_1688 = tpu.memref_slice %arg6[%dma_start3A_1684, %dma_start3A_1685, %dma_start3A_1686, %dma_start3A_1687] : memref<2x16x50x32xf32, #tpu.memory_space<vmem>> -> memref<1x16x50x32xf32, #tpu.memory_space<vmem>>
      %dma_start3A_1689 = tpu.memref_squeeze %dma_start3A_1688 : memref<1x16x50x32xf32, #tpu.memory_space<vmem>> -> memref<16x50x32xf32, #tpu.memory_space<vmem>>
      %dma_start3A_1690 = arith.constant 0 : i32
      %dma_start3A_1691 = arith.constant 0 : i32
      %dma_start3A_1692 = tpu.memref_slice %arg4[%add3A_1683, %dma_start3A_1690, %dma_start3A_1691] : memref<16384x50x32xf32, #tpu.memory_space<hbm>> -> memref<16x50x32xf32, #tpu.memory_space<hbm>>
      %dma_start3A_1693 = arith.constant 0 : i32
      %dma_start3A_1694 = arith.constant 0 : i32
      %dma_start3A_1695 = tpu.memref_slice %arg4[%add3A_1683, %dma_start3A_1693, %dma_start3A_1694] : memref<16384x50x32xf32, #tpu.memory_space<hbm>> -> memref<16x50x32xf32, #tpu.memory_space<hbm>>
      %dma_start3A_1696 = arith.constant 0 : i32
      %dma_start3A_1697 = arith.constant 0 : i32
      %dma_start3A_1698 = arith.constant 0 : i32
      %dma_start3A_1699 = tpu.memref_slice %arg6[%dma_start3A_1684, %dma_start3A_1696, %dma_start3A_1697, %dma_start3A_1698] : memref<2x16x50x32xf32, #tpu.memory_space<vmem>> -> memref<1x16x50x32xf32, #tpu.memory_space<vmem>>
      %dma_start3A_1700 = tpu.memref_squeeze %dma_start3A_1699 : memref<1x16x50x32xf32, #tpu.memory_space<vmem>> -> memref<16x50x32xf32, #tpu.memory_space<vmem>>
      tpu.enqueue_dma source(%dma_start3A_1700 : memref<16x50x32xf32, #tpu.memory_space<vmem>>) target(%dma_start3A_1695 : memref<16x50x32xf32, #tpu.memory_space<hbm>>) target_semaphore(%arg10 : memref<!tpu.dma_semaphore, #tpu.memory_space<semaphore_mem>>)
    }
    %scan3A_723 = arith.constant 14 : i32
    %dma_wait3A_724 = arith.constant 1 : i32
    %dma_wait3A_725 = arith.constant 0 : i32
    %dma_wait3A_726 = arith.constant 0 : i32
    %dma_wait3A_727 = arith.constant 0 : i32
    %dma_wait3A_728 = tpu.memref_slice %arg6[%dma_wait3A_724, %dma_wait3A_725, %dma_wait3A_726, %dma_wait3A_727] : memref<2x16x50x32xf32, #tpu.memory_space<vmem>> -> memref<1x16x50x32xf32, #tpu.memory_space<vmem>>
    %dma_wait3A_729 = tpu.memref_squeeze %dma_wait3A_728 : memref<1x16x50x32xf32, #tpu.memory_space<vmem>> -> memref<16x50x32xf32, #tpu.memory_space<vmem>>
    %dma_wait3A_730 = arith.constant 0 : i32
    %dma_wait3A_731 = arith.constant 0 : i32
    %dma_wait3A_732 = arith.constant 0 : i32
    %dma_wait3A_733 = tpu.memref_slice %arg4[%dma_wait3A_730, %dma_wait3A_731, %dma_wait3A_732] : memref<16384x50x32xf32, #tpu.memory_space<hbm>> -> memref<16x50x32xf32, #tpu.memory_space<hbm>>
    %dma_wait3A_734 = arith.constant 0 : i32
    %dma_wait3A_735 = arith.constant 0 : i32
    %dma_wait3A_736 = arith.constant 0 : i32
    %dma_wait3A_737 = tpu.memref_slice %arg4[%dma_wait3A_734, %dma_wait3A_735, %dma_wait3A_736] : memref<16384x50x32xf32, #tpu.memory_space<hbm>> -> memref<16x50x32xf32, #tpu.memory_space<hbm>>
    %dma_wait3A_738 = arith.constant 0 : i32
    %dma_wait3A_739 = arith.constant 0 : i32
    %dma_wait3A_740 = arith.constant 0 : i32
    %dma_wait3A_741 = tpu.memref_slice %arg6[%dma_wait3A_724, %dma_wait3A_738, %dma_wait3A_739, %dma_wait3A_740] : memref<2x16x50x32xf32, #tpu.memory_space<vmem>> -> memref<1x16x50x32xf32, #tpu.memory_space<vmem>>
    %dma_wait3A_742 = tpu.memref_squeeze %dma_wait3A_741 : memref<1x16x50x32xf32, #tpu.memory_space<vmem>> -> memref<16x50x32xf32, #tpu.memory_space<vmem>>
    tpu.wait_dma2 semaphore(%arg10 : memref<!tpu.dma_semaphore, #tpu.memory_space<semaphore_mem>>) src(%dma_wait3A_742 : memref<16x50x32xf32, #tpu.memory_space<vmem>>) dst(%dma_wait3A_737 : memref<16x50x32xf32, #tpu.memory_space<hbm>>)
    %dma_start3A_743 = arith.constant 496 : i32
    %dma_start3A_744 = arith.constant 1 : i32
    %dma_start3A_745 = arith.constant 0 : i32
    %dma_start3A_746 = arith.constant 0 : i32
    %dma_start3A_747 = arith.constant 0 : i32
    %dma_start3A_748 = tpu.memref_slice %arg6[%dma_start3A_744, %dma_start3A_745, %dma_start3A_746, %dma_start3A_747] : memref<2x16x50x32xf32, #tpu.memory_space<vmem>> -> memref<1x1x50x32xf32, #tpu.memory_space<vmem>>
    %dma_start3A_749 = tpu.memref_squeeze %dma_start3A_748 : memref<1x1x50x32xf32, #tpu.memory_space<vmem>> -> memref<50x32xf32, #tpu.memory_space<vmem>>
    %dma_start3A_750 = arith.constant 0 : i32
    %dma_start3A_751 = tpu.memref_slice %arg5[%dma_start3A_743, %dma_start3A_750] : memref<512x50xi32, #tpu.memory_space<vmem>> -> memref<1x50xi32, #tpu.memory_space<vmem>>
    %dma_start3A_752 = tpu.memref_squeeze %dma_start3A_751 : memref<1x50xi32, #tpu.memory_space<vmem>> -> memref<50xi32, #tpu.memory_space<vmem>>
    %dma_start3A_753 = arith.constant 0 : i32
    %dma_start3A_754 = arith.constant 0 : i32
    %dma_start3A_755 = tpu.memref_slice %arg3[%dma_start3A_753, %dma_start3A_754] : memref<1000000x32xf32, #tpu.memory_space<hbm>> -> memref<1000000x32xf32, #tpu.memory_space<hbm>>
    tpu.enqueue_indirect_dma source(%dma_start3A_755 : memref<1000000x32xf32, #tpu.memory_space<hbm>>) target(%dma_start3A_749 : memref<50x32xf32, #tpu.memory_space<vmem>>) offsets(%dma_start3A_752 : memref<50xi32, #tpu.memory_space<vmem>>) semaphore(%arg8 : memref<!tpu.dma_semaphore, #tpu.memory_space<semaphore_mem>>)
    %dma_start3A_756 = arith.constant 497 : i32
    %dma_start3A_757 = arith.constant 1 : i32
    %dma_start3A_758 = arith.constant 1 : i32
    %dma_start3A_759 = arith.constant 0 : i32
    %dma_start3A_760 = arith.constant 0 : i32
    %dma_start3A_761 = tpu.memref_slice %arg6[%dma_start3A_757, %dma_start3A_758, %dma_start3A_759, %dma_start3A_760] : memref<2x16x50x32xf32, #tpu.memory_space<vmem>> -> memref<1x1x50x32xf32, #tpu.memory_space<vmem>>
    %dma_start3A_762 = tpu.memref_squeeze %dma_start3A_761 : memref<1x1x50x32xf32, #tpu.memory_space<vmem>> -> memref<50x32xf32, #tpu.memory_space<vmem>>
    %dma_start3A_763 = arith.constant 0 : i32
    %dma_start3A_764 = tpu.memref_slice %arg5[%dma_start3A_756, %dma_start3A_763] : memref<512x50xi32, #tpu.memory_space<vmem>> -> memref<1x50xi32, #tpu.memory_space<vmem>>
    %dma_start3A_765 = tpu.memref_squeeze %dma_start3A_764 : memref<1x50xi32, #tpu.memory_space<vmem>> -> memref<50xi32, #tpu.memory_space<vmem>>
    %dma_start3A_766 = arith.constant 0 : i32
    %dma_start3A_767 = arith.constant 0 : i32
    %dma_start3A_768 = tpu.memref_slice %arg3[%dma_start3A_766, %dma_start3A_767] : memref<1000000x32xf32, #tpu.memory_space<hbm>> -> memref<1000000x32xf32, #tpu.memory_space<hbm>>
    tpu.enqueue_indirect_dma source(%dma_start3A_768 : memref<1000000x32xf32, #tpu.memory_space<hbm>>) target(%dma_start3A_762 : memref<50x32xf32, #tpu.memory_space<vmem>>) offsets(%dma_start3A_765 : memref<50xi32, #tpu.memory_space<vmem>>) semaphore(%arg8 : memref<!tpu.dma_semaphore, #tpu.memory_space<semaphore_mem>>)
    %dma_start3A_769 = arith.constant 498 : i32
    %dma_start3A_770 = arith.constant 1 : i32
    %dma_start3A_771 = arith.constant 2 : i32
    %dma_start3A_772 = arith.constant 0 : i32
    %dma_start3A_773 = arith.constant 0 : i32
    %dma_start3A_774 = tpu.memref_slice %arg6[%dma_start3A_770, %dma_start3A_771, %dma_start3A_772, %dma_start3A_773] : memref<2x16x50x32xf32, #tpu.memory_space<vmem>> -> memref<1x1x50x32xf32, #tpu.memory_space<vmem>>
    %dma_start3A_775 = tpu.memref_squeeze %dma_start3A_774 : memref<1x1x50x32xf32, #tpu.memory_space<vmem>> -> memref<50x32xf32, #tpu.memory_space<vmem>>
    %dma_start3A_776 = arith.constant 0 : i32
    %dma_start3A_777 = tpu.memref_slice %arg5[%dma_start3A_769, %dma_start3A_776] : memref<512x50xi32, #tpu.memory_space<vmem>> -> memref<1x50xi32, #tpu.memory_space<vmem>>
    %dma_start3A_778 = tpu.memref_squeeze %dma_start3A_777 : memref<1x50xi32, #tpu.memory_space<vmem>> -> memref<50xi32, #tpu.memory_space<vmem>>
    %dma_start3A_779 = arith.constant 0 : i32
    %dma_start3A_780 = arith.constant 0 : i32
    %dma_start3A_781 = tpu.memref_slice %arg3[%dma_start3A_779, %dma_start3A_780] : memref<1000000x32xf32, #tpu.memory_space<hbm>> -> memref<1000000x32xf32, #tpu.memory_space<hbm>>
    tpu.enqueue_indirect_dma source(%dma_start3A_781 : memref<1000000x32xf32, #tpu.memory_space<hbm>>) target(%dma_start3A_775 : memref<50x32xf32, #tpu.memory_space<vmem>>) offsets(%dma_start3A_778 : memref<50xi32, #tpu.memory_space<vmem>>) semaphore(%arg8 : memref<!tpu.dma_semaphore, #tpu.memory_space<semaphore_mem>>)
    %dma_start3A_782 = arith.constant 499 : i32
    %dma_start3A_783 = arith.constant 1 : i32
    %dma_start3A_784 = arith.constant 3 : i32
    %dma_start3A_785 = arith.constant 0 : i32
    %dma_start3A_786 = arith.constant 0 : i32
    %dma_start3A_787 = tpu.memref_slice %arg6[%dma_start3A_783, %dma_start3A_784, %dma_start3A_785, %dma_start3A_786] : memref<2x16x50x32xf32, #tpu.memory_space<vmem>> -> memref<1x1x50x32xf32, #tpu.memory_space<vmem>>
    %dma_start3A_788 = tpu.memref_squeeze %dma_start3A_787 : memref<1x1x50x32xf32, #tpu.memory_space<vmem>> -> memref<50x32xf32, #tpu.memory_space<vmem>>
    %dma_start3A_789 = arith.constant 0 : i32
    %dma_start3A_790 = tpu.memref_slice %arg5[%dma_start3A_782, %dma_start3A_789] : memref<512x50xi32, #tpu.memory_space<vmem>> -> memref<1x50xi32, #tpu.memory_space<vmem>>
    %dma_start3A_791 = tpu.memref_squeeze %dma_start3A_790 : memref<1x50xi32, #tpu.memory_space<vmem>> -> memref<50xi32, #tpu.memory_space<vmem>>
    %dma_start3A_792 = arith.constant 0 : i32
    %dma_start3A_793 = arith.constant 0 : i32
    %dma_start3A_794 = tpu.memref_slice %arg3[%dma_start3A_792, %dma_start3A_793] : memref<1000000x32xf32, #tpu.memory_space<hbm>> -> memref<1000000x32xf32, #tpu.memory_space<hbm>>
    tpu.enqueue_indirect_dma source(%dma_start3A_794 : memref<1000000x32xf32, #tpu.memory_space<hbm>>) target(%dma_start3A_788 : memref<50x32xf32, #tpu.memory_space<vmem>>) offsets(%dma_start3A_791 : memref<50xi32, #tpu.memory_space<vmem>>) semaphore(%arg8 : memref<!tpu.dma_semaphore, #tpu.memory_space<semaphore_mem>>)
    %dma_start3A_795 = arith.constant 500 : i32
    %dma_start3A_796 = arith.constant 1 : i32
    %dma_start3A_797 = arith.constant 4 : i32
    %dma_start3A_798 = arith.constant 0 : i32
    %dma_start3A_799 = arith.constant 0 : i32
    %dma_start3A_800 = tpu.memref_slice %arg6[%dma_start3A_796, %dma_start3A_797, %dma_start3A_798, %dma_start3A_799] : memref<2x16x50x32xf32, #tpu.memory_space<vmem>> -> memref<1x1x50x32xf32, #tpu.memory_space<vmem>>
    %dma_start3A_801 = tpu.memref_squeeze %dma_start3A_800 : memref<1x1x50x32xf32, #tpu.memory_space<vmem>> -> memref<50x32xf32, #tpu.memory_space<vmem>>
    %dma_start3A_802 = arith.constant 0 : i32
    %dma_start3A_803 = tpu.memref_slice %arg5[%dma_start3A_795, %dma_start3A_802] : memref<512x50xi32, #tpu.memory_space<vmem>> -> memref<1x50xi32, #tpu.memory_space<vmem>>
    %dma_start3A_804 = tpu.memref_squeeze %dma_start3A_803 : memref<1x50xi32, #tpu.memory_space<vmem>> -> memref<50xi32, #tpu.memory_space<vmem>>
    %dma_start3A_805 = arith.constant 0 : i32
    %dma_start3A_806 = arith.constant 0 : i32
    %dma_start3A_807 = tpu.memref_slice %arg3[%dma_start3A_805, %dma_start3A_806] : memref<1000000x32xf32, #tpu.memory_space<hbm>> -> memref<1000000x32xf32, #tpu.memory_space<hbm>>
    tpu.enqueue_indirect_dma source(%dma_start3A_807 : memref<1000000x32xf32, #tpu.memory_space<hbm>>) target(%dma_start3A_801 : memref<50x32xf32, #tpu.memory_space<vmem>>) offsets(%dma_start3A_804 : memref<50xi32, #tpu.memory_space<vmem>>) semaphore(%arg8 : memref<!tpu.dma_semaphore, #tpu.memory_space<semaphore_mem>>)
    %dma_start3A_808 = arith.constant 501 : i32
    %dma_start3A_809 = arith.constant 1 : i32
    %dma_start3A_810 = arith.constant 5 : i32
    %dma_start3A_811 = arith.constant 0 : i32
    %dma_start3A_812 = arith.constant 0 : i32
    %dma_start3A_813 = tpu.memref_slice %arg6[%dma_start3A_809, %dma_start3A_810, %dma_start3A_811, %dma_start3A_812] : memref<2x16x50x32xf32, #tpu.memory_space<vmem>> -> memref<1x1x50x32xf32, #tpu.memory_space<vmem>>
    %dma_start3A_814 = tpu.memref_squeeze %dma_start3A_813 : memref<1x1x50x32xf32, #tpu.memory_space<vmem>> -> memref<50x32xf32, #tpu.memory_space<vmem>>
    %dma_start3A_815 = arith.constant 0 : i32
    %dma_start3A_816 = tpu.memref_slice %arg5[%dma_start3A_808, %dma_start3A_815] : memref<512x50xi32, #tpu.memory_space<vmem>> -> memref<1x50xi32, #tpu.memory_space<vmem>>
    %dma_start3A_817 = tpu.memref_squeeze %dma_start3A_816 : memref<1x50xi32, #tpu.memory_space<vmem>> -> memref<50xi32, #tpu.memory_space<vmem>>
    %dma_start3A_818 = arith.constant 0 : i32
    %dma_start3A_819 = arith.constant 0 : i32
    %dma_start3A_820 = tpu.memref_slice %arg3[%dma_start3A_818, %dma_start3A_819] : memref<1000000x32xf32, #tpu.memory_space<hbm>> -> memref<1000000x32xf32, #tpu.memory_space<hbm>>
    tpu.enqueue_indirect_dma source(%dma_start3A_820 : memref<1000000x32xf32, #tpu.memory_space<hbm>>) target(%dma_start3A_814 : memref<50x32xf32, #tpu.memory_space<vmem>>) offsets(%dma_start3A_817 : memref<50xi32, #tpu.memory_space<vmem>>) semaphore(%arg8 : memref<!tpu.dma_semaphore, #tpu.memory_space<semaphore_mem>>)
    %dma_start3A_821 = arith.constant 502 : i32
    %dma_start3A_822 = arith.constant 1 : i32
    %dma_start3A_823 = arith.constant 6 : i32
    %dma_start3A_824 = arith.constant 0 : i32
    %dma_start3A_825 = arith.constant 0 : i32
    %dma_start3A_826 = tpu.memref_slice %arg6[%dma_start3A_822, %dma_start3A_823, %dma_start3A_824, %dma_start3A_825] : memref<2x16x50x32xf32, #tpu.memory_space<vmem>> -> memref<1x1x50x32xf32, #tpu.memory_space<vmem>>
    %dma_start3A_827 = tpu.memref_squeeze %dma_start3A_826 : memref<1x1x50x32xf32, #tpu.memory_space<vmem>> -> memref<50x32xf32, #tpu.memory_space<vmem>>
    %dma_start3A_828 = arith.constant 0 : i32
    %dma_start3A_829 = tpu.memref_slice %arg5[%dma_start3A_821, %dma_start3A_828] : memref<512x50xi32, #tpu.memory_space<vmem>> -> memref<1x50xi32, #tpu.memory_space<vmem>>
    %dma_start3A_830 = tpu.memref_squeeze %dma_start3A_829 : memref<1x50xi32, #tpu.memory_space<vmem>> -> memref<50xi32, #tpu.memory_space<vmem>>
    %dma_start3A_831 = arith.constant 0 : i32
    %dma_start3A_832 = arith.constant 0 : i32
    %dma_start3A_833 = tpu.memref_slice %arg3[%dma_start3A_831, %dma_start3A_832] : memref<1000000x32xf32, #tpu.memory_space<hbm>> -> memref<1000000x32xf32, #tpu.memory_space<hbm>>
    tpu.enqueue_indirect_dma source(%dma_start3A_833 : memref<1000000x32xf32, #tpu.memory_space<hbm>>) target(%dma_start3A_827 : memref<50x32xf32, #tpu.memory_space<vmem>>) offsets(%dma_start3A_830 : memref<50xi32, #tpu.memory_space<vmem>>) semaphore(%arg8 : memref<!tpu.dma_semaphore, #tpu.memory_space<semaphore_mem>>)
    %dma_start3A_834 = arith.constant 503 : i32
    %dma_start3A_835 = arith.constant 1 : i32
    %dma_start3A_836 = arith.constant 7 : i32
    %dma_start3A_837 = arith.constant 0 : i32
    %dma_start3A_838 = arith.constant 0 : i32
    %dma_start3A_839 = tpu.memref_slice %arg6[%dma_start3A_835, %dma_start3A_836, %dma_start3A_837, %dma_start3A_838] : memref<2x16x50x32xf32, #tpu.memory_space<vmem>> -> memref<1x1x50x32xf32, #tpu.memory_space<vmem>>
    %dma_start3A_840 = tpu.memref_squeeze %dma_start3A_839 : memref<1x1x50x32xf32, #tpu.memory_space<vmem>> -> memref<50x32xf32, #tpu.memory_space<vmem>>
    %dma_start3A_841 = arith.constant 0 : i32
    %dma_start3A_842 = tpu.memref_slice %arg5[%dma_start3A_834, %dma_start3A_841] : memref<512x50xi32, #tpu.memory_space<vmem>> -> memref<1x50xi32, #tpu.memory_space<vmem>>
    %dma_start3A_843 = tpu.memref_squeeze %dma_start3A_842 : memref<1x50xi32, #tpu.memory_space<vmem>> -> memref<50xi32, #tpu.memory_space<vmem>>
    %dma_start3A_844 = arith.constant 0 : i32
    %dma_start3A_845 = arith.constant 0 : i32
    %dma_start3A_846 = tpu.memref_slice %arg3[%dma_start3A_844, %dma_start3A_845] : memref<1000000x32xf32, #tpu.memory_space<hbm>> -> memref<1000000x32xf32, #tpu.memory_space<hbm>>
    tpu.enqueue_indirect_dma source(%dma_start3A_846 : memref<1000000x32xf32, #tpu.memory_space<hbm>>) target(%dma_start3A_840 : memref<50x32xf32, #tpu.memory_space<vmem>>) offsets(%dma_start3A_843 : memref<50xi32, #tpu.memory_space<vmem>>) semaphore(%arg8 : memref<!tpu.dma_semaphore, #tpu.memory_space<semaphore_mem>>)
    %dma_start3A_847 = arith.constant 504 : i32
    %dma_start3A_848 = arith.constant 1 : i32
    %dma_start3A_849 = arith.constant 8 : i32
    %dma_start3A_850 = arith.constant 0 : i32
    %dma_start3A_851 = arith.constant 0 : i32
    %dma_start3A_852 = tpu.memref_slice %arg6[%dma_start3A_848, %dma_start3A_849, %dma_start3A_850, %dma_start3A_851] : memref<2x16x50x32xf32, #tpu.memory_space<vmem>> -> memref<1x1x50x32xf32, #tpu.memory_space<vmem>>
    %dma_start3A_853 = tpu.memref_squeeze %dma_start3A_852 : memref<1x1x50x32xf32, #tpu.memory_space<vmem>> -> memref<50x32xf32, #tpu.memory_space<vmem>>
    %dma_start3A_854 = arith.constant 0 : i32
    %dma_start3A_855 = tpu.memref_slice %arg5[%dma_start3A_847, %dma_start3A_854] : memref<512x50xi32, #tpu.memory_space<vmem>> -> memref<1x50xi32, #tpu.memory_space<vmem>>
    %dma_start3A_856 = tpu.memref_squeeze %dma_start3A_855 : memref<1x50xi32, #tpu.memory_space<vmem>> -> memref<50xi32, #tpu.memory_space<vmem>>
    %dma_start3A_857 = arith.constant 0 : i32
    %dma_start3A_858 = arith.constant 0 : i32
    %dma_start3A_859 = tpu.memref_slice %arg3[%dma_start3A_857, %dma_start3A_858] : memref<1000000x32xf32, #tpu.memory_space<hbm>> -> memref<1000000x32xf32, #tpu.memory_space<hbm>>
    tpu.enqueue_indirect_dma source(%dma_start3A_859 : memref<1000000x32xf32, #tpu.memory_space<hbm>>) target(%dma_start3A_853 : memref<50x32xf32, #tpu.memory_space<vmem>>) offsets(%dma_start3A_856 : memref<50xi32, #tpu.memory_space<vmem>>) semaphore(%arg8 : memref<!tpu.dma_semaphore, #tpu.memory_space<semaphore_mem>>)
    %dma_start3A_860 = arith.constant 505 : i32
    %dma_start3A_861 = arith.constant 1 : i32
    %dma_start3A_862 = arith.constant 9 : i32
    %dma_start3A_863 = arith.constant 0 : i32
    %dma_start3A_864 = arith.constant 0 : i32
    %dma_start3A_865 = tpu.memref_slice %arg6[%dma_start3A_861, %dma_start3A_862, %dma_start3A_863, %dma_start3A_864] : memref<2x16x50x32xf32, #tpu.memory_space<vmem>> -> memref<1x1x50x32xf32, #tpu.memory_space<vmem>>
    %dma_start3A_866 = tpu.memref_squeeze %dma_start3A_865 : memref<1x1x50x32xf32, #tpu.memory_space<vmem>> -> memref<50x32xf32, #tpu.memory_space<vmem>>
    %dma_start3A_867 = arith.constant 0 : i32
    %dma_start3A_868 = tpu.memref_slice %arg5[%dma_start3A_860, %dma_start3A_867] : memref<512x50xi32, #tpu.memory_space<vmem>> -> memref<1x50xi32, #tpu.memory_space<vmem>>
    %dma_start3A_869 = tpu.memref_squeeze %dma_start3A_868 : memref<1x50xi32, #tpu.memory_space<vmem>> -> memref<50xi32, #tpu.memory_space<vmem>>
    %dma_start3A_870 = arith.constant 0 : i32
    %dma_start3A_871 = arith.constant 0 : i32
    %dma_start3A_872 = tpu.memref_slice %arg3[%dma_start3A_870, %dma_start3A_871] : memref<1000000x32xf32, #tpu.memory_space<hbm>> -> memref<1000000x32xf32, #tpu.memory_space<hbm>>
    tpu.enqueue_indirect_dma source(%dma_start3A_872 : memref<1000000x32xf32, #tpu.memory_space<hbm>>) target(%dma_start3A_866 : memref<50x32xf32, #tpu.memory_space<vmem>>) offsets(%dma_start3A_869 : memref<50xi32, #tpu.memory_space<vmem>>) semaphore(%arg8 : memref<!tpu.dma_semaphore, #tpu.memory_space<semaphore_mem>>)
    %dma_start3A_873 = arith.constant 506 : i32
    %dma_start3A_874 = arith.constant 1 : i32
    %dma_start3A_875 = arith.constant 10 : i32
    %dma_start3A_876 = arith.constant 0 : i32
    %dma_start3A_877 = arith.constant 0 : i32
    %dma_start3A_878 = tpu.memref_slice %arg6[%dma_start3A_874, %dma_start3A_875, %dma_start3A_876, %dma_start3A_877] : memref<2x16x50x32xf32, #tpu.memory_space<vmem>> -> memref<1x1x50x32xf32, #tpu.memory_space<vmem>>
    %dma_start3A_879 = tpu.memref_squeeze %dma_start3A_878 : memref<1x1x50x32xf32, #tpu.memory_space<vmem>> -> memref<50x32xf32, #tpu.memory_space<vmem>>
    %dma_start3A_880 = arith.constant 0 : i32
    %dma_start3A_881 = tpu.memref_slice %arg5[%dma_start3A_873, %dma_start3A_880] : memref<512x50xi32, #tpu.memory_space<vmem>> -> memref<1x50xi32, #tpu.memory_space<vmem>>
    %dma_start3A_882 = tpu.memref_squeeze %dma_start3A_881 : memref<1x50xi32, #tpu.memory_space<vmem>> -> memref<50xi32, #tpu.memory_space<vmem>>
    %dma_start3A_883 = arith.constant 0 : i32
    %dma_start3A_884 = arith.constant 0 : i32
    %dma_start3A_885 = tpu.memref_slice %arg3[%dma_start3A_883, %dma_start3A_884] : memref<1000000x32xf32, #tpu.memory_space<hbm>> -> memref<1000000x32xf32, #tpu.memory_space<hbm>>
    tpu.enqueue_indirect_dma source(%dma_start3A_885 : memref<1000000x32xf32, #tpu.memory_space<hbm>>) target(%dma_start3A_879 : memref<50x32xf32, #tpu.memory_space<vmem>>) offsets(%dma_start3A_882 : memref<50xi32, #tpu.memory_space<vmem>>) semaphore(%arg8 : memref<!tpu.dma_semaphore, #tpu.memory_space<semaphore_mem>>)
    %dma_start3A_886 = arith.constant 507 : i32
    %dma_start3A_887 = arith.constant 1 : i32
    %dma_start3A_888 = arith.constant 11 : i32
    %dma_start3A_889 = arith.constant 0 : i32
    %dma_start3A_890 = arith.constant 0 : i32
    %dma_start3A_891 = tpu.memref_slice %arg6[%dma_start3A_887, %dma_start3A_888, %dma_start3A_889, %dma_start3A_890] : memref<2x16x50x32xf32, #tpu.memory_space<vmem>> -> memref<1x1x50x32xf32, #tpu.memory_space<vmem>>
    %dma_start3A_892 = tpu.memref_squeeze %dma_start3A_891 : memref<1x1x50x32xf32, #tpu.memory_space<vmem>> -> memref<50x32xf32, #tpu.memory_space<vmem>>
    %dma_start3A_893 = arith.constant 0 : i32
    %dma_start3A_894 = tpu.memref_slice %arg5[%dma_start3A_886, %dma_start3A_893] : memref<512x50xi32, #tpu.memory_space<vmem>> -> memref<1x50xi32, #tpu.memory_space<vmem>>
    %dma_start3A_895 = tpu.memref_squeeze %dma_start3A_894 : memref<1x50xi32, #tpu.memory_space<vmem>> -> memref<50xi32, #tpu.memory_space<vmem>>
    %dma_start3A_896 = arith.constant 0 : i32
    %dma_start3A_897 = arith.constant 0 : i32
    %dma_start3A_898 = tpu.memref_slice %arg3[%dma_start3A_896, %dma_start3A_897] : memref<1000000x32xf32, #tpu.memory_space<hbm>> -> memref<1000000x32xf32, #tpu.memory_space<hbm>>
    tpu.enqueue_indirect_dma source(%dma_start3A_898 : memref<1000000x32xf32, #tpu.memory_space<hbm>>) target(%dma_start3A_892 : memref<50x32xf32, #tpu.memory_space<vmem>>) offsets(%dma_start3A_895 : memref<50xi32, #tpu.memory_space<vmem>>) semaphore(%arg8 : memref<!tpu.dma_semaphore, #tpu.memory_space<semaphore_mem>>)
    %dma_start3A_899 = arith.constant 508 : i32
    %dma_start3A_900 = arith.constant 1 : i32
    %dma_start3A_901 = arith.constant 12 : i32
    %dma_start3A_902 = arith.constant 0 : i32
    %dma_start3A_903 = arith.constant 0 : i32
    %dma_start3A_904 = tpu.memref_slice %arg6[%dma_start3A_900, %dma_start3A_901, %dma_start3A_902, %dma_start3A_903] : memref<2x16x50x32xf32, #tpu.memory_space<vmem>> -> memref<1x1x50x32xf32, #tpu.memory_space<vmem>>
    %dma_start3A_905 = tpu.memref_squeeze %dma_start3A_904 : memref<1x1x50x32xf32, #tpu.memory_space<vmem>> -> memref<50x32xf32, #tpu.memory_space<vmem>>
    %dma_start3A_906 = arith.constant 0 : i32
    %dma_start3A_907 = tpu.memref_slice %arg5[%dma_start3A_899, %dma_start3A_906] : memref<512x50xi32, #tpu.memory_space<vmem>> -> memref<1x50xi32, #tpu.memory_space<vmem>>
    %dma_start3A_908 = tpu.memref_squeeze %dma_start3A_907 : memref<1x50xi32, #tpu.memory_space<vmem>> -> memref<50xi32, #tpu.memory_space<vmem>>
    %dma_start3A_909 = arith.constant 0 : i32
    %dma_start3A_910 = arith.constant 0 : i32
    %dma_start3A_911 = tpu.memref_slice %arg3[%dma_start3A_909, %dma_start3A_910] : memref<1000000x32xf32, #tpu.memory_space<hbm>> -> memref<1000000x32xf32, #tpu.memory_space<hbm>>
    tpu.enqueue_indirect_dma source(%dma_start3A_911 : memref<1000000x32xf32, #tpu.memory_space<hbm>>) target(%dma_start3A_905 : memref<50x32xf32, #tpu.memory_space<vmem>>) offsets(%dma_start3A_908 : memref<50xi32, #tpu.memory_space<vmem>>) semaphore(%arg8 : memref<!tpu.dma_semaphore, #tpu.memory_space<semaphore_mem>>)
    %dma_start3A_912 = arith.constant 509 : i32
    %dma_start3A_913 = arith.constant 1 : i32
    %dma_start3A_914 = arith.constant 13 : i32
    %dma_start3A_915 = arith.constant 0 : i32
    %dma_start3A_916 = arith.constant 0 : i32
    %dma_start3A_917 = tpu.memref_slice %arg6[%dma_start3A_913, %dma_start3A_914, %dma_start3A_915, %dma_start3A_916] : memref<2x16x50x32xf32, #tpu.memory_space<vmem>> -> memref<1x1x50x32xf32, #tpu.memory_space<vmem>>
    %dma_start3A_918 = tpu.memref_squeeze %dma_start3A_917 : memref<1x1x50x32xf32, #tpu.memory_space<vmem>> -> memref<50x32xf32, #tpu.memory_space<vmem>>
    %dma_start3A_919 = arith.constant 0 : i32
    %dma_start3A_920 = tpu.memref_slice %arg5[%dma_start3A_912, %dma_start3A_919] : memref<512x50xi32, #tpu.memory_space<vmem>> -> memref<1x50xi32, #tpu.memory_space<vmem>>
    %dma_start3A_921 = tpu.memref_squeeze %dma_start3A_920 : memref<1x50xi32, #tpu.memory_space<vmem>> -> memref<50xi32, #tpu.memory_space<vmem>>
    %dma_start3A_922 = arith.constant 0 : i32
    %dma_start3A_923 = arith.constant 0 : i32
    %dma_start3A_924 = tpu.memref_slice %arg3[%dma_start3A_922, %dma_start3A_923] : memref<1000000x32xf32, #tpu.memory_space<hbm>> -> memref<1000000x32xf32, #tpu.memory_space<hbm>>
    tpu.enqueue_indirect_dma source(%dma_start3A_924 : memref<1000000x32xf32, #tpu.memory_space<hbm>>) target(%dma_start3A_918 : memref<50x32xf32, #tpu.memory_space<vmem>>) offsets(%dma_start3A_921 : memref<50xi32, #tpu.memory_space<vmem>>) semaphore(%arg8 : memref<!tpu.dma_semaphore, #tpu.memory_space<semaphore_mem>>)
    %dma_start3A_925 = arith.constant 510 : i32
    %dma_start3A_926 = arith.constant 1 : i32
    %dma_start3A_927 = arith.constant 14 : i32
    %dma_start3A_928 = arith.constant 0 : i32
    %dma_start3A_929 = arith.constant 0 : i32
    %dma_start3A_930 = tpu.memref_slice %arg6[%dma_start3A_926, %dma_start3A_927, %dma_start3A_928, %dma_start3A_929] : memref<2x16x50x32xf32, #tpu.memory_space<vmem>> -> memref<1x1x50x32xf32, #tpu.memory_space<vmem>>
    %dma_start3A_931 = tpu.memref_squeeze %dma_start3A_930 : memref<1x1x50x32xf32, #tpu.memory_space<vmem>> -> memref<50x32xf32, #tpu.memory_space<vmem>>
    %dma_start3A_932 = arith.constant 0 : i32
    %dma_start3A_933 = tpu.memref_slice %arg5[%dma_start3A_925, %dma_start3A_932] : memref<512x50xi32, #tpu.memory_space<vmem>> -> memref<1x50xi32, #tpu.memory_space<vmem>>
    %dma_start3A_934 = tpu.memref_squeeze %dma_start3A_933 : memref<1x50xi32, #tpu.memory_space<vmem>> -> memref<50xi32, #tpu.memory_space<vmem>>
    %dma_start3A_935 = arith.constant 0 : i32
    %dma_start3A_936 = arith.constant 0 : i32
    %dma_start3A_937 = tpu.memref_slice %arg3[%dma_start3A_935, %dma_start3A_936] : memref<1000000x32xf32, #tpu.memory_space<hbm>> -> memref<1000000x32xf32, #tpu.memory_space<hbm>>
    tpu.enqueue_indirect_dma source(%dma_start3A_937 : memref<1000000x32xf32, #tpu.memory_space<hbm>>) target(%dma_start3A_931 : memref<50x32xf32, #tpu.memory_space<vmem>>) offsets(%dma_start3A_934 : memref<50xi32, #tpu.memory_space<vmem>>) semaphore(%arg8 : memref<!tpu.dma_semaphore, #tpu.memory_space<semaphore_mem>>)
    %dma_start3A_938 = arith.constant 511 : i32
    %dma_start3A_939 = arith.constant 1 : i32
    %dma_start3A_940 = arith.constant 15 : i32
    %dma_start3A_941 = arith.constant 0 : i32
    %dma_start3A_942 = arith.constant 0 : i32
    %dma_start3A_943 = tpu.memref_slice %arg6[%dma_start3A_939, %dma_start3A_940, %dma_start3A_941, %dma_start3A_942] : memref<2x16x50x32xf32, #tpu.memory_space<vmem>> -> memref<1x1x50x32xf32, #tpu.memory_space<vmem>>
    %dma_start3A_944 = tpu.memref_squeeze %dma_start3A_943 : memref<1x1x50x32xf32, #tpu.memory_space<vmem>> -> memref<50x32xf32, #tpu.memory_space<vmem>>
    %dma_start3A_945 = arith.constant 0 : i32
    %dma_start3A_946 = tpu.memref_slice %arg5[%dma_start3A_938, %dma_start3A_945] : memref<512x50xi32, #tpu.memory_space<vmem>> -> memref<1x50xi32, #tpu.memory_space<vmem>>
    %dma_start3A_947 = tpu.memref_squeeze %dma_start3A_946 : memref<1x50xi32, #tpu.memory_space<vmem>> -> memref<50xi32, #tpu.memory_space<vmem>>
    %dma_start3A_948 = arith.constant 0 : i32
    %dma_start3A_949 = arith.constant 0 : i32
    %dma_start3A_950 = tpu.memref_slice %arg3[%dma_start3A_948, %dma_start3A_949] : memref<1000000x32xf32, #tpu.memory_space<hbm>> -> memref<1000000x32xf32, #tpu.memory_space<hbm>>
    tpu.enqueue_indirect_dma source(%dma_start3A_950 : memref<1000000x32xf32, #tpu.memory_space<hbm>>) target(%dma_start3A_944 : memref<50x32xf32, #tpu.memory_space<vmem>>) offsets(%dma_start3A_947 : memref<50xi32, #tpu.memory_space<vmem>>) semaphore(%arg8 : memref<!tpu.dma_semaphore, #tpu.memory_space<semaphore_mem>>)
    %dma_wait3A_951 = arith.constant 0 : i32
    %dma_wait3A_952 = arith.constant 0 : i32
    %dma_wait3A_953 = arith.constant 0 : i32
    %dma_wait3A_954 = arith.constant 0 : i32
    %dma_wait3A_955 = tpu.memref_slice %arg6[%dma_wait3A_951, %dma_wait3A_952, %dma_wait3A_953, %dma_wait3A_954] : memref<2x16x50x32xf32, #tpu.memory_space<vmem>> -> memref<1x16x50x32xf32, #tpu.memory_space<vmem>>
    %dma_wait3A_956 = tpu.memref_squeeze %dma_wait3A_955 : memref<1x16x50x32xf32, #tpu.memory_space<vmem>> -> memref<16x50x32xf32, #tpu.memory_space<vmem>>
    %dma_wait3A_957 = arith.constant 0 : i32
    %dma_wait3A_958 = arith.constant 0 : i32
    %dma_wait3A_959 = arith.constant 0 : i32
    %dma_wait3A_960 = tpu.memref_slice %arg4[%dma_wait3A_957, %dma_wait3A_958, %dma_wait3A_959] : memref<16384x50x32xf32, #tpu.memory_space<hbm>> -> memref<16x50x32xf32, #tpu.memory_space<hbm>>
    %dma_wait3A_961 = arith.constant 0 : i32
    %dma_wait3A_962 = arith.constant 0 : i32
    %dma_wait3A_963 = arith.constant 0 : i32
    %dma_wait3A_964 = tpu.memref_slice %arg6[%dma_wait3A_951, %dma_wait3A_961, %dma_wait3A_962, %dma_wait3A_963] : memref<2x16x50x32xf32, #tpu.memory_space<vmem>> -> memref<1x16x50x32xf32, #tpu.memory_space<vmem>>
    %dma_wait3A_965 = tpu.memref_squeeze %dma_wait3A_964 : memref<1x16x50x32xf32, #tpu.memory_space<vmem>> -> memref<16x50x32xf32, #tpu.memory_space<vmem>>
    %dma_wait3A_966 = arith.constant 0 : i32
    %dma_wait3A_967 = arith.constant 0 : i32
    %dma_wait3A_968 = arith.constant 0 : i32
    %dma_wait3A_969 = tpu.memref_slice %arg4[%dma_wait3A_966, %dma_wait3A_967, %dma_wait3A_968] : memref<16384x50x32xf32, #tpu.memory_space<hbm>> -> memref<16x50x32xf32, #tpu.memory_space<hbm>>
    tpu.wait_dma2 semaphore(%arg7 : memref<!tpu.dma_semaphore, #tpu.memory_space<semaphore_mem>>) src(%dma_wait3A_969 : memref<16x50x32xf32, #tpu.memory_space<hbm>>) dst(%dma_wait3A_965 : memref<16x50x32xf32, #tpu.memory_space<vmem>>)
    %add3A_970 = arith.constant 480 : i32
    %add3A_971 = arith.addi %mul3A_2, %add3A_970 : i32
    %dma_start3A_972 = arith.constant 0 : i32
    %dma_start3A_973 = arith.constant 0 : i32
    %dma_start3A_974 = arith.constant 0 : i32
    %dma_start3A_975 = arith.constant 0 : i32
    %dma_start3A_976 = tpu.memref_slice %arg6[%dma_start3A_972, %dma_start3A_973, %dma_start3A_974, %dma_start3A_975] : memref<2x16x50x32xf32, #tpu.memory_space<vmem>> -> memref<1x16x50x32xf32, #tpu.memory_space<vmem>>
    %dma_start3A_977 = tpu.memref_squeeze %dma_start3A_976 : memref<1x16x50x32xf32, #tpu.memory_space<vmem>> -> memref<16x50x32xf32, #tpu.memory_space<vmem>>
    %dma_start3A_978 = arith.constant 0 : i32
    %dma_start3A_979 = arith.constant 0 : i32
    %dma_start3A_980 = tpu.memref_slice %arg4[%add3A_971, %dma_start3A_978, %dma_start3A_979] : memref<16384x50x32xf32, #tpu.memory_space<hbm>> -> memref<16x50x32xf32, #tpu.memory_space<hbm>>
    %dma_start3A_981 = arith.constant 0 : i32
    %dma_start3A_982 = arith.constant 0 : i32
    %dma_start3A_983 = tpu.memref_slice %arg4[%add3A_971, %dma_start3A_981, %dma_start3A_982] : memref<16384x50x32xf32, #tpu.memory_space<hbm>> -> memref<16x50x32xf32, #tpu.memory_space<hbm>>
    %dma_start3A_984 = arith.constant 0 : i32
    %dma_start3A_985 = arith.constant 0 : i32
    %dma_start3A_986 = arith.constant 0 : i32
    %dma_start3A_987 = tpu.memref_slice %arg6[%dma_start3A_972, %dma_start3A_984, %dma_start3A_985, %dma_start3A_986] : memref<2x16x50x32xf32, #tpu.memory_space<vmem>> -> memref<1x16x50x32xf32, #tpu.memory_space<vmem>>
    %dma_start3A_988 = tpu.memref_squeeze %dma_start3A_987 : memref<1x16x50x32xf32, #tpu.memory_space<vmem>> -> memref<16x50x32xf32, #tpu.memory_space<vmem>>
    tpu.enqueue_dma source(%dma_start3A_988 : memref<16x50x32xf32, #tpu.memory_space<vmem>>) target(%dma_start3A_983 : memref<16x50x32xf32, #tpu.memory_space<hbm>>) target_semaphore(%arg9 : memref<!tpu.dma_semaphore, #tpu.memory_space<semaphore_mem>>)
    %dma_wait3A_989 = arith.constant 1 : i32
    %dma_wait3A_990 = arith.constant 0 : i32
    %dma_wait3A_991 = arith.constant 0 : i32
    %dma_wait3A_992 = arith.constant 0 : i32
    %dma_wait3A_993 = tpu.memref_slice %arg6[%dma_wait3A_989, %dma_wait3A_990, %dma_wait3A_991, %dma_wait3A_992] : memref<2x16x50x32xf32, #tpu.memory_space<vmem>> -> memref<1x16x50x32xf32, #tpu.memory_space<vmem>>
    %dma_wait3A_994 = tpu.memref_squeeze %dma_wait3A_993 : memref<1x16x50x32xf32, #tpu.memory_space<vmem>> -> memref<16x50x32xf32, #tpu.memory_space<vmem>>
    %dma_wait3A_995 = arith.constant 0 : i32
    %dma_wait3A_996 = arith.constant 0 : i32
    %dma_wait3A_997 = arith.constant 0 : i32
    %dma_wait3A_998 = tpu.memref_slice %arg4[%dma_wait3A_995, %dma_wait3A_996, %dma_wait3A_997] : memref<16384x50x32xf32, #tpu.memory_space<hbm>> -> memref<16x50x32xf32, #tpu.memory_space<hbm>>
    %dma_wait3A_999 = arith.constant 0 : i32
    %dma_wait3A_1000 = arith.constant 0 : i32
    %dma_wait3A_1001 = arith.constant 0 : i32
    %dma_wait3A_1002 = tpu.memref_slice %arg6[%dma_wait3A_989, %dma_wait3A_999, %dma_wait3A_1000, %dma_wait3A_1001] : memref<2x16x50x32xf32, #tpu.memory_space<vmem>> -> memref<1x16x50x32xf32, #tpu.memory_space<vmem>>
    %dma_wait3A_1003 = tpu.memref_squeeze %dma_wait3A_1002 : memref<1x16x50x32xf32, #tpu.memory_space<vmem>> -> memref<16x50x32xf32, #tpu.memory_space<vmem>>
    %dma_wait3A_1004 = arith.constant 0 : i32
    %dma_wait3A_1005 = arith.constant 0 : i32
    %dma_wait3A_1006 = arith.constant 0 : i32
    %dma_wait3A_1007 = tpu.memref_slice %arg4[%dma_wait3A_1004, %dma_wait3A_1005, %dma_wait3A_1006] : memref<16384x50x32xf32, #tpu.memory_space<hbm>> -> memref<16x50x32xf32, #tpu.memory_space<hbm>>
    tpu.wait_dma2 semaphore(%arg8 : memref<!tpu.dma_semaphore, #tpu.memory_space<semaphore_mem>>) src(%dma_wait3A_1007 : memref<16x50x32xf32, #tpu.memory_space<hbm>>) dst(%dma_wait3A_1003 : memref<16x50x32xf32, #tpu.memory_space<vmem>>)
    %add3A_1008 = arith.constant 496 : i32
    %add3A_1009 = arith.addi %mul3A_2, %add3A_1008 : i32
    %dma_start3A_1010 = arith.constant 1 : i32
    %dma_start3A_1011 = arith.constant 0 : i32
    %dma_start3A_1012 = arith.constant 0 : i32
    %dma_start3A_1013 = arith.constant 0 : i32
    %dma_start3A_1014 = tpu.memref_slice %arg6[%dma_start3A_1010, %dma_start3A_1011, %dma_start3A_1012, %dma_start3A_1013] : memref<2x16x50x32xf32, #tpu.memory_space<vmem>> -> memref<1x16x50x32xf32, #tpu.memory_space<vmem>>
    %dma_start3A_1015 = tpu.memref_squeeze %dma_start3A_1014 : memref<1x16x50x32xf32, #tpu.memory_space<vmem>> -> memref<16x50x32xf32, #tpu.memory_space<vmem>>
    %dma_start3A_1016 = arith.constant 0 : i32
    %dma_start3A_1017 = arith.constant 0 : i32
    %dma_start3A_1018 = tpu.memref_slice %arg4[%add3A_1009, %dma_start3A_1016, %dma_start3A_1017] : memref<16384x50x32xf32, #tpu.memory_space<hbm>> -> memref<16x50x32xf32, #tpu.memory_space<hbm>>
    %dma_start3A_1019 = arith.constant 0 : i32
    %dma_start3A_1020 = arith.constant 0 : i32
    %dma_start3A_1021 = tpu.memref_slice %arg4[%add3A_1009, %dma_start3A_1019, %dma_start3A_1020] : memref<16384x50x32xf32, #tpu.memory_space<hbm>> -> memref<16x50x32xf32, #tpu.memory_space<hbm>>
    %dma_start3A_1022 = arith.constant 0 : i32
    %dma_start3A_1023 = arith.constant 0 : i32
    %dma_start3A_1024 = arith.constant 0 : i32
    %dma_start3A_1025 = tpu.memref_slice %arg6[%dma_start3A_1010, %dma_start3A_1022, %dma_start3A_1023, %dma_start3A_1024] : memref<2x16x50x32xf32, #tpu.memory_space<vmem>> -> memref<1x16x50x32xf32, #tpu.memory_space<vmem>>
    %dma_start3A_1026 = tpu.memref_squeeze %dma_start3A_1025 : memref<1x16x50x32xf32, #tpu.memory_space<vmem>> -> memref<16x50x32xf32, #tpu.memory_space<vmem>>
    tpu.enqueue_dma source(%dma_start3A_1026 : memref<16x50x32xf32, #tpu.memory_space<vmem>>) target(%dma_start3A_1021 : memref<16x50x32xf32, #tpu.memory_space<hbm>>) target_semaphore(%arg10 : memref<!tpu.dma_semaphore, #tpu.memory_space<semaphore_mem>>)
    %dma_wait3A_1027 = arith.constant 0 : i32
    %dma_wait3A_1028 = arith.constant 0 : i32
    %dma_wait3A_1029 = arith.constant 0 : i32
    %dma_wait3A_1030 = arith.constant 0 : i32
    %dma_wait3A_1031 = tpu.memref_slice %arg6[%dma_wait3A_1027, %dma_wait3A_1028, %dma_wait3A_1029, %dma_wait3A_1030] : memref<2x16x50x32xf32, #tpu.memory_space<vmem>> -> memref<1x16x50x32xf32, #tpu.memory_space<vmem>>
    %dma_wait3A_1032 = tpu.memref_squeeze %dma_wait3A_1031 : memref<1x16x50x32xf32, #tpu.memory_space<vmem>> -> memref<16x50x32xf32, #tpu.memory_space<vmem>>
    %dma_wait3A_1033 = arith.constant 0 : i32
    %dma_wait3A_1034 = arith.constant 0 : i32
    %dma_wait3A_1035 = arith.constant 0 : i32
    %dma_wait3A_1036 = tpu.memref_slice %arg4[%dma_wait3A_1033, %dma_wait3A_1034, %dma_wait3A_1035] : memref<16384x50x32xf32, #tpu.memory_space<hbm>> -> memref<16x50x32xf32, #tpu.memory_space<hbm>>
    %dma_wait3A_1037 = arith.constant 0 : i32
    %dma_wait3A_1038 = arith.constant 0 : i32
    %dma_wait3A_1039 = arith.constant 0 : i32
    %dma_wait3A_1040 = tpu.memref_slice %arg4[%dma_wait3A_1037, %dma_wait3A_1038, %dma_wait3A_1039] : memref<16384x50x32xf32, #tpu.memory_space<hbm>> -> memref<16x50x32xf32, #tpu.memory_space<hbm>>
    %dma_wait3A_1041 = arith.constant 0 : i32
    %dma_wait3A_1042 = arith.constant 0 : i32
    %dma_wait3A_1043 = arith.constant 0 : i32
    %dma_wait3A_1044 = tpu.memref_slice %arg6[%dma_wait3A_1027, %dma_wait3A_1041, %dma_wait3A_1042, %dma_wait3A_1043] : memref<2x16x50x32xf32, #tpu.memory_space<vmem>> -> memref<1x16x50x32xf32, #tpu.memory_space<vmem>>
    %dma_wait3A_1045 = tpu.memref_squeeze %dma_wait3A_1044 : memref<1x16x50x32xf32, #tpu.memory_space<vmem>> -> memref<16x50x32xf32, #tpu.memory_space<vmem>>
    tpu.wait_dma2 semaphore(%arg9 : memref<!tpu.dma_semaphore, #tpu.memory_space<semaphore_mem>>) src(%dma_wait3A_1045 : memref<16x50x32xf32, #tpu.memory_space<vmem>>) dst(%dma_wait3A_1040 : memref<16x50x32xf32, #tpu.memory_space<hbm>>)
    %dma_wait3A_1046 = arith.constant 1 : i32
    %dma_wait3A_1047 = arith.constant 0 : i32
    %dma_wait3A_1048 = arith.constant 0 : i32
    %dma_wait3A_1049 = arith.constant 0 : i32
    %dma_wait3A_1050 = tpu.memref_slice %arg6[%dma_wait3A_1046, %dma_wait3A_1047, %dma_wait3A_1048, %dma_wait3A_1049] : memref<2x16x50x32xf32, #tpu.memory_space<vmem>> -> memref<1x16x50x32xf32, #tpu.memory_space<vmem>>
    %dma_wait3A_1051 = tpu.memref_squeeze %dma_wait3A_1050 : memref<1x16x50x32xf32, #tpu.memory_space<vmem>> -> memref<16x50x32xf32, #tpu.memory_space<vmem>>
    %dma_wait3A_1052 = arith.constant 0 : i32
    %dma_wait3A_1053 = arith.constant 0 : i32
    %dma_wait3A_1054 = arith.constant 0 : i32
    %dma_wait3A_1055 = tpu.memref_slice %arg4[%dma_wait3A_1052, %dma_wait3A_1053, %dma_wait3A_1054] : memref<16384x50x32xf32, #tpu.memory_space<hbm>> -> memref<16x50x32xf32, #tpu.memory_space<hbm>>
    %dma_wait3A_1056 = arith.constant 0 : i32
    %dma_wait3A_1057 = arith.constant 0 : i32
    %dma_wait3A_1058 = arith.constant 0 : i32
    %dma_wait3A_1059 = tpu.memref_slice %arg4[%dma_wait3A_1056, %dma_wait3A_1057, %dma_wait3A_1058] : memref<16384x50x32xf32, #tpu.memory_space<hbm>> -> memref<16x50x32xf32, #tpu.memory_space<hbm>>
    %dma_wait3A_1060 = arith.constant 0 : i32
    %dma_wait3A_1061 = arith.constant 0 : i32
    %dma_wait3A_1062 = arith.constant 0 : i32
    %dma_wait3A_1063 = tpu.memref_slice %arg6[%dma_wait3A_1046, %dma_wait3A_1060, %dma_wait3A_1061, %dma_wait3A_1062] : memref<2x16x50x32xf32, #tpu.memory_space<vmem>> -> memref<1x16x50x32xf32, #tpu.memory_space<vmem>>
    %dma_wait3A_1064 = tpu.memref_squeeze %dma_wait3A_1063 : memref<1x16x50x32xf32, #tpu.memory_space<vmem>> -> memref<16x50x32xf32, #tpu.memory_space<vmem>>
    tpu.wait_dma2 semaphore(%arg10 : memref<!tpu.dma_semaphore, #tpu.memory_space<semaphore_mem>>) src(%dma_wait3A_1064 : memref<16x50x32xf32, #tpu.memory_space<vmem>>) dst(%dma_wait3A_1059 : memref<16x50x32xf32, #tpu.memory_space<hbm>>)
    return
  }
}

</mosaic_0001>

<sc_bundles>
// kernel: kernel.3.cloned.1.call-start
scs
__scs_entry_jumppad:
0x0: {  	(pc) =	sbr.rel $0x88, $3  }
0x1: {  	(tag) =	ssettag $0x0;
	lr =	simm.s32 $0x1  }
0x2: {  	[smem:$0x3F9F] =	sst lr;
	_ =	strace $0xD0000000  }
0x3: {  	_ = 	snop  }
0x4: {  	_ = 	snop  }
0x5: {  	_ = 	snop  }
0x6: {  	_ = 	snop  }
0x7: {  	_ = 	snop  }
__scs_overlays_trampoline_lowered:
0x8: {  	[smem:$0x3FAE] =	sst s0  }
0x9: {  	[smem:$0x3FAF] =	sst s1  }
0xa: {  	[smem:$0x3FB0] =	sst s2  }
0xb: {  	[smem:$0x3FB1] =	sst s3  }
0xc: {  	[smem:$0x3FB2] =	sst s4  }
0xd: {  	[smem:$0x3FB3] =	sst s5  }
0xe: {  	[smem:$0x3FB4] =	sst s6  }
0xf: {  	[smem:$0x3FB5] =	sst s7  }
0x10: {  	[smem:$0x3FB6] =	sst s8  }
0x11: {  	[smem:$0x3FB7] =	sst s9;
	s0 =	simm.s32 @!p0 $0x0  }
0x12: {  	s1 =	sld [smem:$0x3F9D];
	s0 =	simm.s32 @p0 $0x1  }
0x13: {  	[smem:$0x3FB8] =	sst s0;
	s0 =	simm.s32 @!p1 $0x0  }
0x14: {  	s2 =	sld [smem:$0x3F9C];
	s0 =	simm.s32 @p1 $0x1  }
0x15: {  	[smem:$0x3FB9] =	sst s0;
	s0 =	simm.s32 @!p2 $0x0  }
0x16: {  	s3 =	sld [smem:$0x3FDB];
	s0 =	simm.s32 @p2 $0x1  }
0x17: {  	s4 =	simm.s32 $0x1BF5;
	[smem:$0x3FBB] =	sst s0  }
0x18: {  	s0 =	sld [smem:$0x3F9E];
	_ =	swait.ge [sflag:s4], $0x0  }
0x19: {  	s7 =	sld [smem:$0x3F9F]  }
0x1a: {  	s8 =	sadd.s32 $0xFFFFE003, lr  }
0x1b: {  	s9 =	sadd.s32 $0xFFFFFEF7, lr;
	s5 =	simm.s32 $0xFFFFFFFF;
	p2 =	slt.u32 s8, $0xFFFFF086  }
0x1c: {  	p1 =	slt.u32 s9, $0xF7A;
	s5 =	simm.s32 @!p2 $0x0  }
0x1d: {  	s5 =	simm.s32 @p1 $0x1;
	p0 =	seq.s32 s7, s2  }
0x1e: {  	s7 =	smul.u32 @!p0 $0xF7A, s2;
	p2 =	seq.s32 @!p0 s5, $0x0  }
0x1f: {  	s9 =	smul.u32 $0xF7A, s1;
	s8 =	simm.s32 @!p0 $0x1BF5;
	p2 =	por !p2, p0  }
0x20: {  	[sflag:s8] =	ssyncset.s32 @!p0 $0xFFFFF086;
	s6 =	sadd.s32 @!p0 s3, s7;
	s7 =	simm.s32 @!p0 $0x108  }
0x21: {  	s3 =	sadd.s32 s3, s9;
	s6 =	sadd.s32 @!p0 $0x88, s6;
	s7 =	simm.s32 @p2 $0x1082  }
0x22: {  	[simem:s7], [sflag:s8] =	dma.local @!p0 [hbm:s6], $0xF7A  }
0x23: {  	s9 =	sor.u32 $0xD0000000, s2;
	s6 =	simm.s32 $0x108;
	_ =	swait.ge @!p0 [sflag:s8], $0x0  }
0x24: {  	s3 =	sadd.s32 $0x88, s3;
	s6 =	simm.s32 @!p1 $0x1082;
	[sflag:s4] =	ssyncset.s32 $0xFFFFF086  }
0x25: {  	[simem:s6], [sflag:s4] =	dma.local [hbm:s3], $0xF7A  }
0x26: {  	[smem:$0x3F9F] =	sst s1;
	(tag) =	ssettag s2;
	_ =	strace s9  }
0x27: {  	s1 =	sld [smem:$0x3FAF]  }
0x28: {  	s2 =	sld [smem:$0x3FB0]  }
0x29: {  	s4 =	sld [smem:$0x3FB2]  }
0x2a: {  	p0 =	seq.s32 s5, $0x0;
	s5 =	sld [smem:$0x3FB3]  }
0x2b: {  	s6 =	sld [smem:$0x3FB4]  }
0x2c: {  	s7 =	sld [smem:$0x3FB5]  }
0x2d: {  	s3 =	simm.s32 $0x108;
	s8 =	sld [smem:$0x3FB6]  }
0x2e: {  	s3 =	simm.s32 @!p0 $0x1082;
	s9 =	sld [smem:$0x3FB7]  }
0x2f: {  	lr =	sadd.s32 s0, s3;
	s0 =	sld [smem:$0x3FAE]  }
0x30: {  	s3 =	sld [smem:$0x3FB1]  }
0x31: {  	[smem:$0x3FBA] =	sst s10  }
0x32: {  	s10 =	sld [smem:$0x3FB8];
	_ =	sdelay $0x3  }
0x33: {  	p0 =	seq.s32 s10, $0x1;
	s10 =	sld [smem:$0x3FBA];
	_ =	sdelay $0x3  }
0x34: {  	[smem:$0x3FBA] =	sst s10  }
0x35: {  	s10 =	sld [smem:$0x3FB9];
	_ =	sdelay $0x3  }
0x36: {  	p1 =	seq.s32 s10, $0x1;
	s10 =	sld [smem:$0x3FBA];
	_ =	sdelay $0x3  }
0x37: {  	[smem:$0x3FBA] =	sst s10  }
0x38: {  	s10 =	sld [smem:$0x3FBB]  }
0x39: {  	_ = 	snop;
	(pc) =	sbr.ind lr, $3  }
0x3a: {  	_ = 	snop  }
0x3b: {  	_ = 	snop  }
0x3c: {  	p2 =	seq.s32 s10, $0x1;
	s10 =	sld [smem:$0x3FBA]  }
0x3d: {  	_ =	shalt  }
0x3e: {  	_ =	shalt  }
0x3f: {  	_ =	shalt  }
0x40: {  	_ =	shalt  }
0x41: {  	_ =	shalt  }
0x42: {  	_ =	shalt  }
0x43: {  	_ =	shalt  }
0x44: {  	_ =	shalt  }
0x45: {  	_ =	shalt  }
0x46: {  	_ =	shalt  }
0x47: {  	_ =	shalt  }
0x48: {  	_ =	shalt  }
0x49: {  	_ =	shalt  }
0x4a: {  	_ =	shalt  }
0x4b: {  	_ =	shalt  }
0x4c: {  	_ =	shalt  }
0x4d: {  	_ =	shalt  }
0x4e: {  	_ =	shalt  }
0x4f: {  	_ =	shalt  }
0x50: {  	_ =	shalt  }
0x51: {  	_ =	shalt  }
0x52: {  	_ =	shalt  }
0x53: {  	_ =	shalt  }
0x54: {  	_ =	shalt  }
0x55: {  	_ =	shalt  }
0x56: {  	_ =	shalt  }
0x57: {  	_ =	shalt  }
0x58: {  	_ =	shalt  }
0x59: {  	_ =	shalt  }
0x5a: {  	_ =	shalt  }
0x5b: {  	_ =	shalt  }
0x5c: {  	_ =	shalt  }
0x5d: {  	_ =	shalt  }
0x5e: {  	_ =	shalt  }
0x5f: {  	_ =	shalt  }
0x60: {  	_ =	shalt  }
0x61: {  	_ =	shalt  }
0x62: {  	_ =	shalt  }
0x63: {  	_ =	shalt  }
0x64: {  	_ =	shalt  }
0x65: {  	_ =	shalt  }
0x66: {  	_ =	shalt  }
0x67: {  	_ =	shalt  }
0x68: {  	_ =	shalt  }
0x69: {  	_ =	shalt  }
0x6a: {  	_ =	shalt  }
0x6b: {  	_ =	shalt  }
0x6c: {  	_ =	shalt  }
0x6d: {  	_ =	shalt  }
0x6e: {  	_ =	shalt  }
0x6f: {  	_ =	shalt  }
0x70: {  	_ =	shalt  }
0x71: {  	_ =	shalt  }
0x72: {  	_ =	shalt  }
0x73: {  	_ =	shalt  }
0x74: {  	_ =	shalt  }
0x75: {  	_ =	shalt  }
0x76: {  	_ =	shalt  }
0x77: {  	_ =	shalt  }
0x78: {  	_ =	shalt  }
0x79: {  	_ =	shalt  }
0x7a: {  	_ =	shalt  }
0x7b: {  	_ =	shalt  }
0x7c: {  	_ =	shalt  }
0x7d: {  	_ =	shalt  }
0x7e: {  	_ =	shalt  }
0x7f: {  	_ =	shalt  }
0x80: {  	_ =	shalt  }
0x81: {  	_ =	shalt  }
0x82: {  	_ =	shalt  }
0x83: {  	_ =	shalt  }
0x84: {  	_ =	shalt  }
0x85: {  	_ =	shalt  }
0x86: {  	_ =	shalt  }
0x87: {  	_ =	shalt  }
.Lfunc_end0:
.L_simem_size_0:
called_computation.1_lowered:
.L_overlay_start_0:
0x88: {  	s2 =	sld [smem:$0x3FD9]  }
0x89: {  	s3 =	sld [smem:$0x3FFE];
	_ =	sdelay $0x1  }
0x8a: {  	s1 =	srdreg.scid  }
0x8b: {  	s0 =	sand.u32 $0x1, s1  }
0x8c: {  	s17 =	sshll.u32 s0, $0xA;
	s2 =	sadd.s32 s3, s2  }
0x8d: {  	s2 =	sadd.s32 s2, s17  }
0x8e: {  	[smem:$0x3FC6] =	sst s2  }
0x8f: {  	_ = 	snop  }
0x90: {  	s2 =	sld [smem:$0x3FD0];
	(tm) =	ssettm $0x1  }
0x91: {  	s18 =	sld [smem:$0x3FFB];
	_ =	sdelay $0x3  }
0x92: {  	_ =	strace s18  }
0x93: {  	s3 =	sld [smem:$0x3FFC];
	_ =	sdelay $0x3  }
0x94: {  	_ =	strace s3  }
0x95: {  	s3 =	sld [smem:$0x3FFD];
	_ =	sdelay $0x3  }
0x96: {  	_ =	strace s3  }
0x97: {  	_ =	strace $0x8FFFFFFF  }
0x98: {  	s19 =	sld [smem:$0x3FDB];
	_ =	sdelay $0x1  }
0x99: {  	s4 =	simm.s32 $_scs_section_size  }
0x9a: {  	s5 =	simm.s32 $_size__tile_overlayer_lowered;
	s6 =	simm.s32 $_tile_overlayer_lowered  }
0x9b: {  	s22 =	simm.s32 $0x1BFF;
	s21 =	sshll.u32 s6, $0x1;
	s3 =	sadd.s32 s4, s19  }
0x9c: {  	s7 =	simm.s32 $0x0;
	s20 =	sshll.u32 s5, $0x1;
	s5 =	sadd.s32 s21, s3  }
0x9d: {  	[timem:s7], [sflag:s22] =	dma.local [hbm:s5], s20  }
0x9e: {  	_ =	swait.ge [sflag:s22], s20  }
0x9f: {  	s4 =	ssub.s32 $0x0, s20;
	[sflag:s22] =	ssyncset.done $0x0  }
0xa0: {  	[sflag:s22] =	ssyncadd.s32 s4;
	_ =	sdelay $0x1  }
0xa1: {  	s23 =	simm.s32 $0x1B8B  }
0xa2: {  	_ =	swait.ge [sflag:s23], $0x1  }
0xa3: {  	[sflag:s23] =	ssyncset.done $0x0  }
0xa4: {  	s25 =	simm.s32 $0x1B8E;
	s24 =	sld [smem:$0x3FFE];
	[sflag:s23] =	ssyncadd.s32 $0xFFFFFFFF  }
0xa5: {  	s26 =	simm.s32 $execute0_lowered;
	[smem:$0x3FD2] =	sst s25  }
0xa6: {  	s5 =	sshll.u32 s26, $0x1;
	_ =	strace $0x80000046;
	[dreg:$0x1] =	wrdreg $0xFFFFFFFF  }
0xa7: {  	s28 =	simm.s32 $_size_execute0_lowered;
	s3 =	sadd.s32 s3, s5;
	[dreg:$0x0] =	wrdreg $0x0  }
0xa8: {  	s5 =	sshll.u32 s28, $0x1;
	[dreg:$0x2] =	wrdreg s3  }
0xa9: {  	[dreg:$0x3] =	wrdreg s5  }
0xaa: {  	[dreg:$0x4] =	wrdreg $0xC0  }
0xab: {  	_ =	task [dreg:s7], $0x5FFFF  }
0xac: {  	[dreg:$0x1] =	wrdreg $0xFFFFFFFF  }
0xad: {  	[dreg:$0x0] =	wrdreg $0x60  }
0xae: {  	[dreg:$0x2] =	wrdreg s24  }
0xaf: {  	[dreg:$0x3] =	wrdreg s2  }
0xb0: {  	[dreg:$0x4] =	wrdreg $0x9  }
0xb1: {  	_ =	task.clear_ibuf [dreg:s7], $0x5FFFF;
	_ =	strace $0x90000046  }
0xb2: {  	s29 =	simm.s32 $0x9;
	_ =	strace $0x80000048  }
0xb3: {  	_ =	swait.ge [sflag:s29], $0x1  }
0xb4: {  	[sflag:s29] =	ssyncadd.s32 $0xFFFFFFFF  }
0xb5: {  	_ =	strace $0x90000048  }
0xb6: {  	_ =	sfence  }
0xb7: {  	s30 =	sld [smem:$0x0];
	_ =	sdelay $0x2  }
0xb8: {  	s31 =	sshll.u32 s1, $0xD;
	s1 =	sshrl.u32 s1, $0x2  }
0xb9: {  	s3 =	sand.u32 $0x4000, s31;
	s1 =	sadd.s32 s1, s30  }
0xba: {  	s0 =	sor.u32 s3, s0;
	s1 =	sshll.u32 s1, $0x11  }
0xbb: {  	s0 =	sor.u32 s1, s0  }
0xbc: {  	s0 =	sadd.s32 $0x8F2B, s0  }
0xbd: {  	[sflag:s0] =	ssyncadd.remote.s32 $0x1  }
0xbe: {  	_ =	sfence.sel $0xFFFF  }
0xbf: {  	[dreg:$0x0] =	wrdreg $0xFFFFFFFF;
	(pc) =	sbr.abs _section_cstart, $3  }
0xc0: {  	[dreg:$0x1] =	wrdreg $0xFFFFFFFF  }
0xc1: {  	_ =	task.clear_ibuf [dreg:s7], $0x2FFFF;
	_ =	strace $0x9FFFFFFF  }
0xc2: {  	(tm) =	ssettm $0x7FFFFFFF  }
0xc3: {  	_ =	shalt  }
tec
execute0_lowered:
.L_overlay_start_1:
0x0: {  	(tag) =	ssettag $0x1  }
0x1: {  	s0 =	srdreg.scid;
	s1 =	rddreg [dreg:$0x0]  }
0x2: {  	s10 =	stileid.u32;
	s4 =	rddreg [dreg:$0x1];
	s2 =	simm.s32 $0x0  }
0x3: {  	s12 =	simm.s32 $0x32;
	s13 =	simm.s32 $0x7000;
	s18 =	simm.s32 $0x7640  }
0x4: {  	s16 =	simm.s32 $0x8900;
	s31 =	simm.s32 $0x8F40;
	s29 =	simm.s32 $0x9580  }
0x5: {  	s20 =	simm.s32 $0x9BC0;
	s11 =	simm.s32 $0xC780;
	s0 =	sand.u32 $0x1, s0  }
0x6: {  	s3 =	sshll.u32 s10, $0xA;
	s22 =	smul.u32 $0x32000, s10;
	s5 =	sshll.u32 s0, $0x9  }
0x7: {  	s6 =	ssub.s32 $0x2, s0;
	s0 =	smul.u32 $0x19000, s0;
	s3 =	sor.u32 s5, s3  }
0x8: {  	s28 =	simm.s32 $0x2;
	s30 =	simm.s32 $0x4;
	s5 =	smul.u32 $0x7, s3  }
0x9: {  	[smem:$0x7FF] =	sst s2;
	s10 =	simm.s32 $0xCDC0;
	s7 =	smul.u32 $0xC8, s3  }
0xa: {  	_ =	strace $0x80000047;
	s8 =	sshrl.u32 s6, $0x1;
	s9 =	smul.u32 $0x640, s3  }
0xb: {  	s3 =	sadd.s32 $0xF42E00, s1;
	s21 =	ssub.s32 s6, s8;
	s6 =	simm.s32 $0xA840  }
0xc: {  	s8 =	simm.s32 $0xB4C0;
	s5 =	sadd.s32 s5, s1;
	s7 =	sadd.s32 s4, s7  }
0xd: {  	s23 =	sshrl.u32 s9, $0x3;
	s1 =	smax.u32 s21, $0x1;
	[dreg:$0x4] =	wrdreg s7  }
0xe: {  	s9 =	simm.s32 $0xBB00;
	s5 =	sadd.s32 $0xA00, s5;
	[dreg:$0x8] =	wrdreg s1  }
0xf: {  	s24 =	sadd.s32 $0xC80, s7;
	s7 =	simm.s32 $0xAE80;
	[dreg:$0x3] =	wrdreg s5  }
0x10: {  	s5 =	sadd.s32 s4, s23;
	s4 =	sadd.s32 s22, s4;
	[dreg:$0x5] =	wrdreg s24  }
0x11: {  	s22 =	simm.s32 $0x7C80;
	s24 =	simm.s32 $0xD400;
	s23 =	simm.s32 $0x1  }
0x12: {  	s25 =	sadd.s32 $0x17700, s5;
	s0 =	sadd.s32 s0, s4;
	s26 =	sadd.s32 $0x18380, s5  }
0x13: {  	s4 =	simm.s32 $0xA200;
	s5 =	simm.s32 $0xC140;
	[dreg:$0x6] =	wrdreg s25  }
0x14: {  	[dreg:$0x7] =	wrdreg s26;
	s0 =	sadd.s32 $0x1900, s0;
	s26 =	simm.s32 $0x82C0  }
0x15: {  	s25 =	simm.s32 $0x3;
	[dreg:$0x9] =	wrdreg s0;
	s0 =	simm.s32 $0x0  }
.LBB2_1:
0x16: {  	[dreg:$0xa] =	wrdreg s0  }
0x17: {  	s1 =	rddreg [dreg:$0x3];
	s0 =	simm.s32 $0x5  }
0x18: {  	[tilespmem:s2], [sflag:$0x5] =	stream.linear.gather [hbm4b:s1+s2], $0x7000, $0x38;
	[tilespmem:$0x13800] =	vst v63  }
0x19: {  	_ =	swait.ge [sflag:s0], $0x7000  }
0x1a: {  	[sflag:s0] =	ssyncset.done $0x0  }
0x1b: {  	[sflag:s0] =	ssyncadd.s32 $0xFFFF9000  }
0x1c: {  	[tilespmem:s13], [sflag:$0x1] =	stream.indirect.gather [hbm4b:s3+s12], $0x20, s2, s12, $0xb8;
	[tilespmem:$0x13800] =	vst v63  }
0x1d: {  	s14 =	simm.s32 $0x38  }
0x1e: {  	[tilespmem:s18], [sflag:$0x1] =	stream.indirect.gather [hbm4b:s3+s12], $0x20, s14, s12, $0xb8;
	[tilespmem:$0x13800] =	vst v63  }
0x1f: {  	s15 =	simm.s32 $0x70  }
0x20: {  	[tilespmem:s22], [sflag:$0x1] =	stream.indirect.gather [hbm4b:s3+s12], $0x20, s15, s12, $0xb8;
	[tilespmem:$0x13800] =	vst v63  }
0x21: {  	s17 =	simm.s32 $0xA8  }
0x22: {  	[tilespmem:s26], [sflag:$0x1] =	stream.indirect.gather [hbm4b:s3+s12], $0x20, s17, s12, $0xb8;
	[tilespmem:$0x13800] =	vst v63  }
0x23: {  	s19 =	simm.s32 $0xE0  }
0x24: {  	[tilespmem:s16], [sflag:$0x1] =	stream.indirect.gather [hbm4b:s3+s12], $0x20, s19, s12, $0xb8;
	[tilespmem:$0x13800] =	vst v63  }
0x25: {  	s21 =	simm.s32 $0x118  }
0x26: {  	[tilespmem:s31], [sflag:$0x1] =	stream.indirect.gather [hbm4b:s3+s12], $0x20, s21, s12, $0xb8;
	[tilespmem:$0x13800] =	vst v63  }
0x27: {  	s1 =	simm.s32 $0x150  }
0x28: {  	[tilespmem:s29], [sflag:$0x1] =	stream.indirect.gather [hbm4b:s3+s12], $0x20, s1, s12, $0xb8;
	[tilespmem:$0x13800] =	vst v63  }
0x29: {  	s14 =	simm.s32 $0x188  }
0x2a: {  	[tilespmem:s20], [sflag:$0x1] =	stream.indirect.gather [hbm4b:s3+s12], $0x20, s14, s12, $0xb8;
	[tilespmem:$0x13800] =	vst v63  }
0x2b: {  	s15 =	simm.s32 $0x1C0  }
0x2c: {  	[tilespmem:s4], [sflag:$0x1] =	stream.indirect.gather [hbm4b:s3+s12], $0x20, s15, s12, $0xb8;
	[tilespmem:$0x13800] =	vst v63  }
0x2d: {  	s17 =	simm.s32 $0x1F8  }
0x2e: {  	[tilespmem:s6], [sflag:$0x1] =	stream.indirect.gather [hbm4b:s3+s12], $0x20, s17, s12, $0xb8;
	[tilespmem:$0x13800] =	vst v63  }
0x2f: {  	s19 =	simm.s32 $0x230  }
0x30: {  	[tilespmem:s7], [sflag:$0x1] =	stream.indirect.gather [hbm4b:s3+s12], $0x20, s19, s12, $0xb8;
	[tilespmem:$0x13800] =	vst v63  }
0x31: {  	s21 =	simm.s32 $0x268  }
0x32: {  	[tilespmem:s8], [sflag:$0x1] =	stream.indirect.gather [hbm4b:s3+s12], $0x20, s21, s12, $0xb8;
	[tilespmem:$0x13800] =	vst v63  }
0x33: {  	s1 =	simm.s32 $0x2A0  }
0x34: {  	[tilespmem:s9], [sflag:$0x1] =	stream.indirect.gather [hbm4b:s3+s12], $0x20, s1, s12, $0xb8;
	[tilespmem:$0x13800] =	vst v63  }
0x35: {  	s14 =	simm.s32 $0x2D8  }
0x36: {  	[tilespmem:s5], [sflag:$0x1] =	stream.indirect.gather [hbm4b:s3+s12], $0x20, s14, s12, $0xb8;
	[tilespmem:$0x13800] =	vst v63  }
0x37: {  	s15 =	simm.s32 $0x310  }
0x38: {  	[tilespmem:s11], [sflag:$0x1] =	stream.indirect.gather [hbm4b:s3+s12], $0x20, s15, s12, $0xb8;
	[tilespmem:$0x13800] =	vst v63  }
0x39: {  	s17 =	simm.s32 $0x348  }
0x3a: {  	[tilespmem:s10], [sflag:$0x1] =	stream.indirect.gather [hbm4b:s3+s12], $0x20, s17, s12, $0xb8;
	[tilespmem:$0x13800] =	vst v63  }
0x3b: {  	s19 =	simm.s32 $0x380  }
0x3c: {  	[tilespmem:s24], [sflag:$0x2] =	stream.indirect.gather [hbm4b:s3+s12], $0x20, s19, s12, $0xb8;
	[tilespmem:$0x13800] =	vst v63  }
0x3d: {  	s21 =	simm.s32 $0x3B8;
	s14 =	simm.s32 $0xDA40  }
0x3e: {  	[tilespmem:s14], [sflag:$0x2] =	stream.indirect.gather [hbm4b:s3+s12], $0x20, s21, s12, $0xb8;
	[tilespmem:$0x13800] =	vst v63  }
0x3f: {  	s1 =	simm.s32 $0x3F0;
	s15 =	simm.s32 $0xE080  }
0x40: {  	[tilespmem:s15], [sflag:$0x2] =	stream.indirect.gather [hbm4b:s3+s12], $0x20, s1, s12, $0xb8;
	[tilespmem:$0x13800] =	vst v63  }
0x41: {  	s17 =	simm.s32 $0x428;
	s19 =	simm.s32 $0xE6C0  }
0x42: {  	[tilespmem:s19], [sflag:$0x2] =	stream.indirect.gather [hbm4b:s3+s12], $0x20, s17, s12, $0xb8;
	[tilespmem:$0x13800] =	vst v63  }
0x43: {  	s0 =	simm.s32 $0xED00;
	s21 =	simm.s32 $0x460  }
0x44: {  	[tilespmem:s0], [sflag:$0x2] =	stream.indirect.gather [hbm4b:s3+s12], $0x20, s21, s12, $0xb8;
	[tilespmem:$0x13800] =	vst v63  }
0x45: {  	s19 =	simm.s32 $0xF340;
	s17 =	simm.s32 $0x498  }
0x46: {  	[tilespmem:s19], [sflag:$0x2] =	stream.indirect.gather [hbm4b:s3+s12], $0x20, s17, s12, $0xb8;
	[tilespmem:$0x13800] =	vst v63  }
0x47: {  	s21 =	simm.s32 $0x4D0;
	s17 =	simm.s32 $0xF980  }
0x48: {  	[tilespmem:s17], [sflag:$0x2] =	stream.indirect.gather [hbm4b:s3+s12], $0x20, s21, s12, $0xb8;
	[tilespmem:$0x13800] =	vst v63  }
0x49: {  	s1 =	simm.s32 $0xFFC0;
	s21 =	simm.s32 $0x508  }
0x4a: {  	[tilespmem:s1], [sflag:$0x2] =	stream.indirect.gather [hbm4b:s3+s12], $0x20, s21, s12, $0xb8;
	[tilespmem:$0x13800] =	vst v63  }
0x4b: {  	s1 =	simm.s32 $0x10600;
	s21 =	simm.s32 $0x540  }
0x4c: {  	[tilespmem:s1], [sflag:$0x2] =	stream.indirect.gather [hbm4b:s3+s12], $0x20, s21, s12, $0xb8;
	[tilespmem:$0x13800] =	vst v63  }
0x4d: {  	s1 =	simm.s32 $0x10C40;
	s21 =	simm.s32 $0x578  }
0x4e: {  	[tilespmem:s1], [sflag:$0x2] =	stream.indirect.gather [hbm4b:s3+s12], $0x20, s21, s12, $0xb8;
	[tilespmem:$0x13800] =	vst v63  }
0x4f: {  	s1 =	simm.s32 $0x11280;
	s21 =	simm.s32 $0x5B0  }
0x50: {  	[tilespmem:s1], [sflag:$0x2] =	stream.indirect.gather [hbm4b:s3+s12], $0x20, s21, s12, $0xb8;
	[tilespmem:$0x13800] =	vst v63  }
0x51: {  	s1 =	simm.s32 $0x118C0;
	s21 =	simm.s32 $0x5E8  }
0x52: {  	[tilespmem:s1], [sflag:$0x2] =	stream.indirect.gather [hbm4b:s3+s12], $0x20, s21, s12, $0xb8;
	[tilespmem:$0x13800] =	vst v63  }
0x53: {  	s1 =	simm.s32 $0x11F00;
	s21 =	simm.s32 $0x620  }
0x54: {  	[tilespmem:s1], [sflag:$0x2] =	stream.indirect.gather [hbm4b:s3+s12], $0x20, s21, s12, $0xb8;
	[tilespmem:$0x13800] =	vst v63  }
0x55: {  	s1 =	simm.s32 $0x12540;
	s21 =	simm.s32 $0x658  }
0x56: {  	[tilespmem:s1], [sflag:$0x2] =	stream.indirect.gather [hbm4b:s3+s12], $0x20, s21, s12, $0xb8;
	[tilespmem:$0x13800] =	vst v63  }
0x57: {  	s17 =	simm.s32 $0x690;
	s21 =	simm.s32 $0x12B80  }
0x58: {  	[tilespmem:s21], [sflag:$0x2] =	stream.indirect.gather [hbm4b:s3+s12], $0x20, s17, s12, $0xb8;
	[tilespmem:$0x13800] =	vst v63  }
0x59: {  	s1 =	simm.s32 $0x6C8;
	s17 =	simm.s32 $0x131C0  }
0x5a: {  	[tilespmem:s17], [sflag:$0x2] =	stream.indirect.gather [hbm4b:s3+s12], $0x20, s1, s12, $0xb8;
	[tilespmem:$0x13800] =	vst v63  }
0x5b: {  	_ =	swait.ge [sflag:s23], $0x6400  }
0x5c: {  	[sflag:s23] =	ssyncset.done $0x0  }
0x5d: {  	s17 =	rddreg [dreg:$0x4];
	[sflag:s23] =	ssyncadd.s32 $0xFFFF9C00  }
0x5e: {  	[hbm4b:s17+s2] =	stream.linear.scatter [tilespmem:s13], [sflag:$0x3], $0x6400, $0x38;
	[tilespmem:$0x13800] =	vst v63  }
0x5f: {  	_ =	swait.ge [sflag:s25], $0x6400  }
0x60: {  	[sflag:s25] =	ssyncset.done $0x0  }
0x61: {  	s17 =	simm.s32 $0x700;
	[sflag:s25] =	ssyncadd.s32 $0xFFFF9C00  }
0x62: {  	[tilespmem:s13], [sflag:$0x1] =	stream.indirect.gather [hbm4b:s3+s12], $0x20, s17, s12, $0xb8;
	[tilespmem:$0x13800] =	vst v63  }
0x63: {  	s17 =	simm.s32 $0x738  }
0x64: {  	[tilespmem:s18], [sflag:$0x1] =	stream.indirect.gather [hbm4b:s3+s12], $0x20, s17, s12, $0xb8;
	[tilespmem:$0x13800] =	vst v63  }
0x65: {  	s17 =	simm.s32 $0x770  }
0x66: {  	[tilespmem:s22], [sflag:$0x1] =	stream.indirect.gather [hbm4b:s3+s12], $0x20, s17, s12, $0xb8;
	[tilespmem:$0x13800] =	vst v63  }
0x67: {  	s17 =	simm.s32 $0x7A8  }
0x68: {  	[tilespmem:s26], [sflag:$0x1] =	stream.indirect.gather [hbm4b:s3+s12], $0x20, s17, s12, $0xb8;
	[tilespmem:$0x13800] =	vst v63  }
0x69: {  	s17 =	simm.s32 $0x7E0  }
0x6a: {  	[tilespmem:s16], [sflag:$0x1] =	stream.indirect.gather [hbm4b:s3+s12], $0x20, s17, s12, $0xb8;
	[tilespmem:$0x13800] =	vst v63  }
0x6b: {  	s17 =	simm.s32 $0x818  }
0x6c: {  	[tilespmem:s31], [sflag:$0x1] =	stream.indirect.gather [hbm4b:s3+s12], $0x20, s17, s12, $0xb8;
	[tilespmem:$0x13800] =	vst v63  }
0x6d: {  	s17 =	simm.s32 $0x850  }
0x6e: {  	[tilespmem:s29], [sflag:$0x1] =	stream.indirect.gather [hbm4b:s3+s12], $0x20, s17, s12, $0xb8;
	[tilespmem:$0x13800] =	vst v63  }
0x6f: {  	s17 =	simm.s32 $0x888  }
0x70: {  	[tilespmem:s20], [sflag:$0x1] =	stream.indirect.gather [hbm4b:s3+s12], $0x20, s17, s12, $0xb8;
	[tilespmem:$0x13800] =	vst v63  }
0x71: {  	s17 =	simm.s32 $0x8C0  }
0x72: {  	[tilespmem:s4], [sflag:$0x1] =	stream.indirect.gather [hbm4b:s3+s12], $0x20, s17, s12, $0xb8;
	[tilespmem:$0x13800] =	vst v63  }
0x73: {  	s17 =	simm.s32 $0x8F8  }
0x74: {  	[tilespmem:s6], [sflag:$0x1] =	stream.indirect.gather [hbm4b:s3+s12], $0x20, s17, s12, $0xb8;
	[tilespmem:$0x13800] =	vst v63  }
0x75: {  	s17 =	simm.s32 $0x930  }
0x76: {  	[tilespmem:s7], [sflag:$0x1] =	stream.indirect.gather [hbm4b:s3+s12], $0x20, s17, s12, $0xb8;
	[tilespmem:$0x13800] =	vst v63  }
0x77: {  	s17 =	simm.s32 $0x968  }
0x78: {  	[tilespmem:s8], [sflag:$0x1] =	stream.indirect.gather [hbm4b:s3+s12], $0x20, s17, s12, $0xb8;
	[tilespmem:$0x13800] =	vst v63  }
0x79: {  	s17 =	simm.s32 $0x9A0  }
0x7a: {  	[tilespmem:s9], [sflag:$0x1] =	stream.indirect.gather [hbm4b:s3+s12], $0x20, s17, s12, $0xb8;
	[tilespmem:$0x13800] =	vst v63  }
0x7b: {  	s17 =	simm.s32 $0x9D8  }
0x7c: {  	[tilespmem:s5], [sflag:$0x1] =	stream.indirect.gather [hbm4b:s3+s12], $0x20, s17, s12, $0xb8;
	[tilespmem:$0x13800] =	vst v63  }
0x7d: {  	s17 =	simm.s32 $0xA10  }
0x7e: {  	[tilespmem:s11], [sflag:$0x1] =	stream.indirect.gather [hbm4b:s3+s12], $0x20, s17, s12, $0xb8;
	[tilespmem:$0x13800] =	vst v63  }
0x7f: {  	s17 =	simm.s32 $0xA48  }
0x80: {  	[tilespmem:s10], [sflag:$0x1] =	stream.indirect.gather [hbm4b:s3+s12], $0x20, s17, s12, $0xb8;
	[tilespmem:$0x13800] =	vst v63  }
0x81: {  	_ =	swait.ge [sflag:s28], $0x6400  }
0x82: {  	[sflag:s28] =	ssyncset.done $0x0  }
0x83: {  	s17 =	rddreg [dreg:$0x5];
	[sflag:s28] =	ssyncadd.s32 $0xFFFF9C00  }
0x84: {  	[hbm4b:s17+s2] =	stream.linear.scatter [tilespmem:s24], [sflag:$0x4], $0x6400, $0x38;
	[tilespmem:$0x13800] =	vst v63  }
0x85: {  	_ =	swait.ge [sflag:s30], $0x6400  }
0x86: {  	[sflag:s30] =	ssyncset.done $0x0  }
0x87: {  	s17 =	simm.s32 $0xA80;
	[sflag:s30] =	ssyncadd.s32 $0xFFFF9C00  }
0x88: {  	[tilespmem:s24], [sflag:$0x2] =	stream.indirect.gather [hbm4b:s3+s12], $0x20, s17, s12, $0xb8;
	[tilespmem:$0x13800] =	vst v63  }
0x89: {  	s17 =	simm.s32 $0xAB8  }
0x8a: {  	[tilespmem:s14], [sflag:$0x2] =	stream.indirect.gather [hbm4b:s3+s12], $0x20, s17, s12, $0xb8;
	[tilespmem:$0x13800] =	vst v63  }
0x8b: {  	s17 =	simm.s32 $0xAF0  }
0x8c: {  	[tilespmem:s15], [sflag:$0x2] =	stream.indirect.gather [hbm4b:s3+s12], $0x20, s17, s12, $0xb8;
	[tilespmem:$0x13800] =	vst v63  }
0x8d: {  	s14 =	simm.s32 $0xB28;
	s15 =	simm.s32 $0xE6C0  }
0x8e: {  	[tilespmem:s15], [sflag:$0x2] =	stream.indirect.gather [hbm4b:s3+s12], $0x20, s14, s12, $0xb8;
	[tilespmem:$0x13800] =	vst v63  }
0x8f: {  	s17 =	simm.s32 $0xB60  }
0x90: {  	[tilespmem:s0], [sflag:$0x2] =	stream.indirect.gather [hbm4b:s3+s12], $0x20, s17, s12, $0xb8;
	[tilespmem:$0x13800] =	vst v63  }
0x91: {  	s0 =	simm.s32 $0xB98  }
0x92: {  	[tilespmem:s19], [sflag:$0x2] =	stream.indirect.gather [hbm4b:s3+s12], $0x20, s0, s12, $0xb8;
	[tilespmem:$0x13800] =	vst v63  }
0x93: {  	s14 =	simm.s32 $0xBD0;
	s15 =	simm.s32 $0xF980  }
0x94: {  	[tilespmem:s15], [sflag:$0x2] =	stream.indirect.gather [hbm4b:s3+s12], $0x20, s14, s12, $0xb8;
	[tilespmem:$0x13800] =	vst v63  }
0x95: {  	s17 =	simm.s32 $0xC08;
	s19 =	simm.s32 $0xFFC0  }
0x96: {  	[tilespmem:s19], [sflag:$0x2] =	stream.indirect.gather [hbm4b:s3+s12], $0x20, s17, s12, $0xb8;
	[tilespmem:$0x13800] =	vst v63  }
0x97: {  	s14 =	simm.s32 $0xC40;
	s15 =	simm.s32 $0x10600  }
0x98: {  	[tilespmem:s15], [sflag:$0x2] =	stream.indirect.gather [hbm4b:s3+s12], $0x20, s14, s12, $0xb8;
	[tilespmem:$0x13800] =	vst v63  }
0x99: {  	s17 =	simm.s32 $0xC78;
	s19 =	simm.s32 $0x10C40  }
0x9a: {  	[tilespmem:s19], [sflag:$0x2] =	stream.indirect.gather [hbm4b:s3+s12], $0x20, s17, s12, $0xb8;
	[tilespmem:$0x13800] =	vst v63  }
0x9b: {  	s14 =	simm.s32 $0xCB0;
	s15 =	simm.s32 $0x11280  }
0x9c: {  	[tilespmem:s15], [sflag:$0x2] =	stream.indirect.gather [hbm4b:s3+s12], $0x20, s14, s12, $0xb8;
	[tilespmem:$0x13800] =	vst v63  }
0x9d: {  	s17 =	simm.s32 $0xCE8;
	s19 =	simm.s32 $0x118C0  }
0x9e: {  	[tilespmem:s19], [sflag:$0x2] =	stream.indirect.gather [hbm4b:s3+s12], $0x20, s17, s12, $0xb8;
	[tilespmem:$0x13800] =	vst v63  }
0x9f: {  	s0 =	simm.s32 $0xD20;
	s14 =	simm.s32 $0x11F00  }
0xa0: {  	[tilespmem:s14], [sflag:$0x2] =	stream.indirect.gather [hbm4b:s3+s12], $0x20, s0, s12, $0xb8;
	[tilespmem:$0x13800] =	vst v63  }
0xa1: {  	s15 =	simm.s32 $0xD58;
	s17 =	simm.s32 $0x12540  }
0xa2: {  	[tilespmem:s17], [sflag:$0x2] =	stream.indirect.gather [hbm4b:s3+s12], $0x20, s15, s12, $0xb8;
	[tilespmem:$0x13800] =	vst v63  }
0xa3: {  	s19 =	simm.s32 $0xD90  }
0xa4: {  	[tilespmem:s21], [sflag:$0x2] =	stream.indirect.gather [hbm4b:s3+s12], $0x20, s19, s12, $0xb8;
	[tilespmem:$0x13800] =	vst v63  }
0xa5: {  	s0 =	simm.s32 $0xDC8;
	s14 =	simm.s32 $0x131C0  }
0xa6: {  	[tilespmem:s14], [sflag:$0x2] =	stream.indirect.gather [hbm4b:s3+s12], $0x20, s0, s12, $0xb8;
	[tilespmem:$0x13800] =	vst v63  }
0xa7: {  	_ =	swait.ge [sflag:s23], $0x6400  }
0xa8: {  	[sflag:s23] =	ssyncset.done $0x0  }
0xa9: {  	s14 =	rddreg [dreg:$0x9];
	[sflag:s23] =	ssyncadd.s32 $0xFFFF9C00  }
0xaa: {  	[hbm4b:s14+s2] =	stream.linear.scatter [tilespmem:s13], [sflag:$0x3], $0x6400, $0x38;
	[tilespmem:$0x13800] =	vst v63  }
0xab: {  	_ =	swait.ge [sflag:s25], $0x6400  }
0xac: {  	[sflag:s25] =	ssyncset.done $0x0  }
0xad: {  	s15 =	simm.s32 $0xE00;
	[sflag:s25] =	ssyncadd.s32 $0xFFFF9C00  }
0xae: {  	[tilespmem:s13], [sflag:$0x1] =	stream.indirect.gather [hbm4b:s3+s12], $0x20, s15, s12, $0xb8;
	[tilespmem:$0x13800] =	vst v63  }
0xaf: {  	s19 =	simm.s32 $0xE38  }
0xb0: {  	[tilespmem:s18], [sflag:$0x1] =	stream.indirect.gather [hbm4b:s3+s12], $0x20, s19, s12, $0xb8;
	[tilespmem:$0x13800] =	vst v63  }
0xb1: {  	s0 =	simm.s32 $0xE70  }
0xb2: {  	[tilespmem:s22], [sflag:$0x1] =	stream.indirect.gather [hbm4b:s3+s12], $0x20, s0, s12, $0xb8;
	[tilespmem:$0x13800] =	vst v63  }
0xb3: {  	s15 =	simm.s32 $0xEA8  }
0xb4: {  	[tilespmem:s26], [sflag:$0x1] =	stream.indirect.gather [hbm4b:s3+s12], $0x20, s15, s12, $0xb8;
	[tilespmem:$0x13800] =	vst v63  }
0xb5: {  	s18 =	simm.s32 $0xEE0  }
0xb6: {  	[tilespmem:s16], [sflag:$0x1] =	stream.indirect.gather [hbm4b:s3+s12], $0x20, s18, s12, $0xb8;
	[tilespmem:$0x13800] =	vst v63  }
0xb7: {  	s19 =	simm.s32 $0xF18  }
0xb8: {  	[tilespmem:s31], [sflag:$0x1] =	stream.indirect.gather [hbm4b:s3+s12], $0x20, s19, s12, $0xb8;
	[tilespmem:$0x13800] =	vst v63  }
0xb9: {  	s22 =	simm.s32 $0xF50  }
0xba: {  	[tilespmem:s29], [sflag:$0x1] =	stream.indirect.gather [hbm4b:s3+s12], $0x20, s22, s12, $0xb8;
	[tilespmem:$0x13800] =	vst v63  }
0xbb: {  	s26 =	simm.s32 $0xF88  }
0xbc: {  	[tilespmem:s20], [sflag:$0x1] =	stream.indirect.gather [hbm4b:s3+s12], $0x20, s26, s12, $0xb8;
	[tilespmem:$0x13800] =	vst v63  }
0xbd: {  	s0 =	simm.s32 $0xFC0  }
0xbe: {  	[tilespmem:s4], [sflag:$0x1] =	stream.indirect.gather [hbm4b:s3+s12], $0x20, s0, s12, $0xb8;
	[tilespmem:$0x13800] =	vst v63  }
0xbf: {  	s1 =	simm.s32 $0x1C00;
	s17 =	simm.s32 $0x12B80;
	s15 =	simm.s32 $0xFF8  }
0xc0: {  	[tilespmem:s6], [sflag:$0x1] =	stream.indirect.gather [hbm4b:s3+s12], $0x20, s15, s12, $0xb8;
	[tilespmem:$0x13800] =	vst v63  }
0xc1: {  	s21 =	simm.s32 $0x131C0;
	s16 =	simm.s32 $0x1030;
	s18 =	simm.s32 $0x1068  }
0xc2: {  	[tilespmem:s7], [sflag:$0x1] =	stream.indirect.gather [hbm4b:s3+s12], $0x20, s16, s12, $0xb8;
	[tilespmem:$0x13800] =	vst v63  }
0xc3: {  	s19 =	simm.s32 $0x10A0;
	s31 =	simm.s32 $0x7C80;
	s22 =	simm.s32 $0x1110  }
0xc4: {  	[tilespmem:s8], [sflag:$0x1] =	stream.indirect.gather [hbm4b:s3+s12], $0x20, s18, s12, $0xb8;
	[tilespmem:$0x13800] =	vst v63  }
0xc5: {  	s29 =	simm.s32 $0x8F40;
	s20 =	simm.s32 $0x10D8;
	s26 =	simm.s32 $0x1148  }
0xc6: {  	[tilespmem:s9], [sflag:$0x1] =	stream.indirect.gather [hbm4b:s3+s12], $0x20, s19, s12, $0xb8;
	[tilespmem:$0x13800] =	vst v63  }
0xc7: {  	s0 =	simm.s32 $0x8900;
	s4 =	simm.s32 $0x9BC0;
	s15 =	simm.s32 $0xCDC0  }
0xc8: {  	[tilespmem:s5], [sflag:$0x1] =	stream.indirect.gather [hbm4b:s3+s12], $0x20, s20, s12, $0xb8;
	[tilespmem:$0x13800] =	vst v63  }
0xc9: {  	s6 =	simm.s32 $0xA200;
	s16 =	simm.s32 $0x82C0;
	s7 =	simm.s32 $0xA840  }
0xca: {  	[tilespmem:s11], [sflag:$0x1] =	stream.indirect.gather [hbm4b:s3+s12], $0x20, s22, s12, $0xb8;
	[tilespmem:$0x13800] =	vst v63  }
0xcb: {  	s18 =	sadd.s32 $0xC80, s14;
	s14 =	sadd.s32 $0x1900, s14;
	s8 =	simm.s32 $0xAE80  }
0xcc: {  	[tilespmem:s10], [sflag:$0x1] =	stream.indirect.gather [hbm4b:s3+s12], $0x20, s26, s12, $0xb8;
	[tilespmem:$0x13800] =	vst v63  }
0xcd: {  	s9 =	simm.s32 $0xB4C0;
	s5 =	simm.s32 $0xBB00;
	_ =	swait.ge [sflag:s28], $0x6400  }
0xce: {  	s20 =	simm.s32 $0x9580;
	s11 =	simm.s32 $0xC140;
	[sflag:s28] =	ssyncset.done $0x0  }
0xcf: {  	s26 =	simm.s32 $0x7640;
	s10 =	simm.s32 $0xC780;
	[sflag:s28] =	ssyncadd.s32 $0xFFFF9C00  }
.LBB2_2:
0xd0: {  	[hbm4b:s18+s2] =	stream.linear.scatter [tilespmem:s24], [sflag:$0x4], $0x6400, $0x38;
	[tilespmem:$0x13800] =	vst v63  }
0xd1: {  	s18 =	smov.u32 s1  }
0xd2: {  	p0 =	sne.s32 s1, $0x16C00;
	s1 =	sadd.s32 $0x1C00, s1;
	_ =	swait.ge [sflag:s30], $0x6400  }
0xd3: {  	s18 =	sshra.s32 s18, $0x2;
	[sflag:s30] =	ssyncset.done $0x0  }
0xd4: {  	s22 =	sadd.s32 $0xA80, s18;
	[sflag:s30] =	ssyncadd.s32 $0xFFFF9C00  }
0xd5: {  	[tilespmem:s24], [sflag:$0x2] =	stream.indirect.gather [hbm4b:s3+s12], $0x20, s22, s12, $0xb8;
	[tilespmem:$0x13800] =	vst v63  }
0xd6: {  	s19 =	simm.s32 $0xDA40;
	s22 =	sadd.s32 $0xAB8, s18  }
0xd7: {  	[tilespmem:s19], [sflag:$0x2] =	stream.indirect.gather [hbm4b:s3+s12], $0x20, s22, s12, $0xb8;
	[tilespmem:$0x13800] =	vst v63  }
0xd8: {  	s22 =	sadd.s32 $0xAF0, s18;
	s19 =	simm.s32 $0xE080  }
0xd9: {  	[tilespmem:s19], [sflag:$0x2] =	stream.indirect.gather [hbm4b:s3+s12], $0x20, s22, s12, $0xb8;
	[tilespmem:$0x13800] =	vst v63  }
0xda: {  	s22 =	sadd.s32 $0xB28, s18;
	s19 =	simm.s32 $0xE6C0  }
0xdb: {  	[tilespmem:s19], [sflag:$0x2] =	stream.indirect.gather [hbm4b:s3+s12], $0x20, s22, s12, $0xb8;
	[tilespmem:$0x13800] =	vst v63  }
0xdc: {  	s22 =	sadd.s32 $0xB60, s18;
	s19 =	simm.s32 $0xED00  }
0xdd: {  	[tilespmem:s19], [sflag:$0x2] =	stream.indirect.gather [hbm4b:s3+s12], $0x20, s22, s12, $0xb8;
	[tilespmem:$0x13800] =	vst v63  }
0xde: {  	s22 =	sadd.s32 $0xB98, s18;
	s19 =	simm.s32 $0xF340  }
0xdf: {  	[tilespmem:s19], [sflag:$0x2] =	stream.indirect.gather [hbm4b:s3+s12], $0x20, s22, s12, $0xb8;
	[tilespmem:$0x13800] =	vst v63  }
0xe0: {  	s22 =	sadd.s32 $0xBD0, s18;
	s19 =	simm.s32 $0xF980  }
0xe1: {  	[tilespmem:s19], [sflag:$0x2] =	stream.indirect.gather [hbm4b:s3+s12], $0x20, s22, s12, $0xb8;
	[tilespmem:$0x13800] =	vst v63  }
0xe2: {  	s22 =	sadd.s32 $0xC08, s18;
	s19 =	simm.s32 $0xFFC0  }
0xe3: {  	[tilespmem:s19], [sflag:$0x2] =	stream.indirect.gather [hbm4b:s3+s12], $0x20, s22, s12, $0xb8;
	[tilespmem:$0x13800] =	vst v63  }
0xe4: {  	s22 =	sadd.s32 $0xC40, s18;
	s19 =	simm.s32 $0x10600  }
0xe5: {  	[tilespmem:s19], [sflag:$0x2] =	stream.indirect.gather [hbm4b:s3+s12], $0x20, s22, s12, $0xb8;
	[tilespmem:$0x13800] =	vst v63  }
0xe6: {  	s22 =	sadd.s32 $0xC78, s18;
	s19 =	simm.s32 $0x10C40  }
0xe7: {  	[tilespmem:s19], [sflag:$0x2] =	stream.indirect.gather [hbm4b:s3+s12], $0x20, s22, s12, $0xb8;
	[tilespmem:$0x13800] =	vst v63  }
0xe8: {  	s22 =	sadd.s32 $0xCB0, s18;
	s19 =	simm.s32 $0x11280  }
0xe9: {  	[tilespmem:s19], [sflag:$0x2] =	stream.indirect.gather [hbm4b:s3+s12], $0x20, s22, s12, $0xb8;
	[tilespmem:$0x13800] =	vst v63  }
0xea: {  	s22 =	sadd.s32 $0xCE8, s18;
	s19 =	simm.s32 $0x118C0  }
0xeb: {  	[tilespmem:s19], [sflag:$0x2] =	stream.indirect.gather [hbm4b:s3+s12], $0x20, s22, s12, $0xb8;
	[tilespmem:$0x13800] =	vst v63  }
0xec: {  	s22 =	sadd.s32 $0xD20, s18;
	s19 =	simm.s32 $0x11F00  }
0xed: {  	[tilespmem:s19], [sflag:$0x2] =	stream.indirect.gather [hbm4b:s3+s12], $0x20, s22, s12, $0xb8;
	[tilespmem:$0x13800] =	vst v63  }
0xee: {  	s22 =	sadd.s32 $0xD58, s18;
	s19 =	simm.s32 $0x12540  }
0xef: {  	[tilespmem:s19], [sflag:$0x2] =	stream.indirect.gather [hbm4b:s3+s12], $0x20, s22, s12, $0xb8;
	[tilespmem:$0x13800] =	vst v63  }
0xf0: {  	s22 =	sadd.s32 $0xD90, s18  }
0xf1: {  	[tilespmem:s17], [sflag:$0x2] =	stream.indirect.gather [hbm4b:s3+s12], $0x20, s22, s12, $0xb8;
	[tilespmem:$0x13800] =	vst v63  }
0xf2: {  	s22 =	sadd.s32 $0xDC8, s18  }
0xf3: {  	[tilespmem:s21], [sflag:$0x2] =	stream.indirect.gather [hbm4b:s3+s12], $0x20, s22, s12, $0xb8;
	[tilespmem:$0x13800] =	vst v63  }
0xf4: {  	_ =	swait.ge [sflag:s23], $0x6400  }
0xf5: {  	[sflag:s23] =	ssyncset.done $0x0  }
0xf6: {  	[sflag:s23] =	ssyncadd.s32 $0xFFFF9C00  }
0xf7: {  	[hbm4b:s14+s2] =	stream.linear.scatter [tilespmem:s13], [sflag:$0x3], $0x6400, $0x38;
	[tilespmem:$0x13800] =	vst v63  }
0xf8: {  	_ =	swait.ge [sflag:s25], $0x6400  }
0xf9: {  	[sflag:s25] =	ssyncset.done $0x0  }
0xfa: {  	s22 =	sadd.s32 $0xE00, s18;
	[sflag:s25] =	ssyncadd.s32 $0xFFFF9C00  }
0xfb: {  	[tilespmem:s13], [sflag:$0x1] =	stream.indirect.gather [hbm4b:s3+s12], $0x20, s22, s12, $0xb8;
	[tilespmem:$0x13800] =	vst v63  }
0xfc: {  	s22 =	sadd.s32 $0xE38, s18  }
0xfd: {  	[tilespmem:s26], [sflag:$0x1] =	stream.indirect.gather [hbm4b:s3+s12], $0x20, s22, s12, $0xb8;
	[tilespmem:$0x13800] =	vst v63  }
0xfe: {  	s22 =	sadd.s32 $0xE70, s18  }
0xff: {  	[tilespmem:s31], [sflag:$0x1] =	stream.indirect.gather [hbm4b:s3+s12], $0x20, s22, s12, $0xb8;
	[tilespmem:$0x13800] =	vst v63  }
0x100: {  	s22 =	sadd.s32 $0xEA8, s18  }
0x101: {  	[tilespmem:s16], [sflag:$0x1] =	stream.indirect.gather [hbm4b:s3+s12], $0x20, s22, s12, $0xb8;
	[tilespmem:$0x13800] =	vst v63  }
0x102: {  	s22 =	sadd.s32 $0xEE0, s18  }
0x103: {  	[tilespmem:s0], [sflag:$0x1] =	stream.indirect.gather [hbm4b:s3+s12], $0x20, s22, s12, $0xb8;
	[tilespmem:$0x13800] =	vst v63  }
0x104: {  	s22 =	sadd.s32 $0xF18, s18  }
0x105: {  	[tilespmem:s29], [sflag:$0x1] =	stream.indirect.gather [hbm4b:s3+s12], $0x20, s22, s12, $0xb8;
	[tilespmem:$0x13800] =	vst v63  }
0x106: {  	s22 =	sadd.s32 $0xF50, s18  }
0x107: {  	[tilespmem:s20], [sflag:$0x1] =	stream.indirect.gather [hbm4b:s3+s12], $0x20, s22, s12, $0xb8;
	[tilespmem:$0x13800] =	vst v63  }
0x108: {  	s22 =	sadd.s32 $0xF88, s18  }
0x109: {  	[tilespmem:s4], [sflag:$0x1] =	stream.indirect.gather [hbm4b:s3+s12], $0x20, s22, s12, $0xb8;
	[tilespmem:$0x13800] =	vst v63  }
0x10a: {  	s22 =	sadd.s32 $0xFC0, s18  }
0x10b: {  	[tilespmem:s6], [sflag:$0x1] =	stream.indirect.gather [hbm4b:s3+s12], $0x20, s22, s12, $0xb8;
	[tilespmem:$0x13800] =	vst v63  }
0x10c: {  	s22 =	sadd.s32 $0xFF8, s18  }
0x10d: {  	[tilespmem:s7], [sflag:$0x1] =	stream.indirect.gather [hbm4b:s3+s12], $0x20, s22, s12, $0xb8;
	[tilespmem:$0x13800] =	vst v63  }
0x10e: {  	s22 =	sadd.s32 $0x1030, s18  }
0x10f: {  	[tilespmem:s8], [sflag:$0x1] =	stream.indirect.gather [hbm4b:s3+s12], $0x20, s22, s12, $0xb8;
	[tilespmem:$0x13800] =	vst v63  }
0x110: {  	s22 =	sadd.s32 $0x1068, s18  }
0x111: {  	[tilespmem:s9], [sflag:$0x1] =	stream.indirect.gather [hbm4b:s3+s12], $0x20, s22, s12, $0xb8;
	[tilespmem:$0x13800] =	vst v63  }
0x112: {  	s22 =	sadd.s32 $0x10A0, s18  }
0x113: {  	[tilespmem:s5], [sflag:$0x1] =	stream.indirect.gather [hbm4b:s3+s12], $0x20, s22, s12, $0xb8;
	[tilespmem:$0x13800] =	vst v63  }
0x114: {  	s22 =	sadd.s32 $0x10D8, s18  }
0x115: {  	[tilespmem:s11], [sflag:$0x1] =	stream.indirect.gather [hbm4b:s3+s12], $0x20, s22, s12, $0xb8;
	[tilespmem:$0x13800] =	vst v63  }
0x116: {  	s22 =	sadd.s32 $0x1110, s18  }
0x117: {  	[tilespmem:s10], [sflag:$0x1] =	stream.indirect.gather [hbm4b:s3+s12], $0x20, s22, s12, $0xb8;
	[tilespmem:$0x13800] =	vst v63  }
.Ltmp0:
0x118: {  	s18 =	sadd.s32 $0x1148, s18;
	(pc) =	sbr.rel @p0 .LBB2_2-.Ltmp0, $4  }
0x119: {  	[tilespmem:s15], [sflag:$0x1] =	stream.indirect.gather [hbm4b:s3+s12], $0x20, s18, s12, $0xb8;
	[tilespmem:$0x13800] =	vst v63  }
0x11a: {  	_ =	swait.ge [sflag:s28], $0x6400  }
0x11b: {  	[sflag:s28] =	ssyncset.done $0x0  }
0x11c: {  	s18 =	sadd.s32 $0xC80, s14;
	s14 =	sadd.s32 $0x1900, s14;
	[sflag:s28] =	ssyncadd.s32 $0xFFFF9C00  }
0x11d: {  	[hbm4b:s18+s2] =	stream.linear.scatter [tilespmem:s24], [sflag:$0x4], $0x6400, $0x38;
	[tilespmem:$0x13800] =	vst v63  }
0x11e: {  	_ =	swait.ge [sflag:s30], $0x6400  }
0x11f: {  	[sflag:s30] =	ssyncset.done $0x0  }
0x120: {  	s0 =	simm.s32 $0x6C80;
	[sflag:s30] =	ssyncadd.s32 $0xFFFF9C00  }
0x121: {  	[tilespmem:s24], [sflag:$0x2] =	stream.indirect.gather [hbm4b:s3+s12], $0x20, s0, s12, $0xb8;
	[tilespmem:$0x13800] =	vst v63  }
0x122: {  	s7 =	simm.s32 $0xDA40;
	s1 =	simm.s32 $0x6CB8  }
0x123: {  	[tilespmem:s7], [sflag:$0x2] =	stream.indirect.gather [hbm4b:s3+s12], $0x20, s1, s12, $0xb8;
	[tilespmem:$0x13800] =	vst v63  }
0x124: {  	s8 =	simm.s32 $0xE080;
	s9 =	simm.s32 $0x6CF0  }
0x125: {  	[tilespmem:s8], [sflag:$0x2] =	stream.indirect.gather [hbm4b:s3+s12], $0x20, s9, s12, $0xb8;
	[tilespmem:$0x13800] =	vst v63  }
0x126: {  	s10 =	simm.s32 $0xE6C0;
	s11 =	simm.s32 $0x6D28  }
0x127: {  	[tilespmem:s10], [sflag:$0x2] =	stream.indirect.gather [hbm4b:s3+s12], $0x20, s11, s12, $0xb8;
	[tilespmem:$0x13800] =	vst v63  }
0x128: {  	s14 =	simm.s32 $0xED00;
	s15 =	simm.s32 $0x6D60  }
0x129: {  	[tilespmem:s14], [sflag:$0x2] =	stream.indirect.gather [hbm4b:s3+s12], $0x20, s15, s12, $0xb8;
	[tilespmem:$0x13800] =	vst v63  }
0x12a: {  	s16 =	simm.s32 $0xF340;
	s18 =	simm.s32 $0x6D98  }
0x12b: {  	[tilespmem:s16], [sflag:$0x2] =	stream.indirect.gather [hbm4b:s3+s12], $0x20, s18, s12, $0xb8;
	[tilespmem:$0x13800] =	vst v63  }
0x12c: {  	s19 =	simm.s32 $0xF980;
	s20 =	simm.s32 $0x6DD0  }
0x12d: {  	[tilespmem:s19], [sflag:$0x2] =	stream.indirect.gather [hbm4b:s3+s12], $0x20, s20, s12, $0xb8;
	[tilespmem:$0x13800] =	vst v63  }
0x12e: {  	s22 =	simm.s32 $0xFFC0;
	s26 =	simm.s32 $0x6E08  }
0x12f: {  	[tilespmem:s22], [sflag:$0x2] =	stream.indirect.gather [hbm4b:s3+s12], $0x20, s26, s12, $0xb8;
	[tilespmem:$0x13800] =	vst v63  }
0x130: {  	s4 =	simm.s32 $0x6E40;
	s1 =	simm.s32 $0x10600  }
0x131: {  	[tilespmem:s1], [sflag:$0x2] =	stream.indirect.gather [hbm4b:s3+s12], $0x20, s4, s12, $0xb8;
	[tilespmem:$0x13800] =	vst v63  }
0x132: {  	s5 =	simm.s32 $0x10C40;
	s6 =	simm.s32 $0x6E78  }
0x133: {  	[tilespmem:s5], [sflag:$0x2] =	stream.indirect.gather [hbm4b:s3+s12], $0x20, s6, s12, $0xb8;
	[tilespmem:$0x13800] =	vst v63  }
0x134: {  	s7 =	simm.s32 $0x11280;
	s8 =	simm.s32 $0x6EB0  }
0x135: {  	[tilespmem:s7], [sflag:$0x2] =	stream.indirect.gather [hbm4b:s3+s12], $0x20, s8, s12, $0xb8;
	[tilespmem:$0x13800] =	vst v63  }
0x136: {  	s9 =	simm.s32 $0x118C0;
	s10 =	simm.s32 $0x6EE8  }
0x137: {  	[tilespmem:s9], [sflag:$0x2] =	stream.indirect.gather [hbm4b:s3+s12], $0x20, s10, s12, $0xb8;
	[tilespmem:$0x13800] =	vst v63  }
0x138: {  	s11 =	simm.s32 $0x11F00;
	s14 =	simm.s32 $0x6F20  }
0x139: {  	[tilespmem:s11], [sflag:$0x2] =	stream.indirect.gather [hbm4b:s3+s12], $0x20, s14, s12, $0xb8;
	[tilespmem:$0x13800] =	vst v63  }
0x13a: {  	s15 =	simm.s32 $0x12540;
	s16 =	simm.s32 $0x6F58  }
0x13b: {  	[tilespmem:s15], [sflag:$0x2] =	stream.indirect.gather [hbm4b:s3+s12], $0x20, s16, s12, $0xb8;
	[tilespmem:$0x13800] =	vst v63  }
0x13c: {  	s18 =	simm.s32 $0x6F90  }
0x13d: {  	[tilespmem:s17], [sflag:$0x2] =	stream.indirect.gather [hbm4b:s3+s12], $0x20, s18, s12, $0xb8;
	[tilespmem:$0x13800] =	vst v63  }
0x13e: {  	s19 =	simm.s32 $0x6FC8  }
0x13f: {  	[tilespmem:s21], [sflag:$0x2] =	stream.indirect.gather [hbm4b:s3+s12], $0x20, s19, s12, $0xb8;
	[tilespmem:$0x13800] =	vst v63  }
0x140: {  	_ =	swait.ge [sflag:s23], $0x6400  }
0x141: {  	[sflag:s23] =	ssyncset.done $0x0  }
0x142: {  	s20 =	rddreg [dreg:$0x6];
	[sflag:s23] =	ssyncadd.s32 $0xFFFF9C00  }
0x143: {  	[hbm4b:s20+s2] =	stream.linear.scatter [tilespmem:s13], [sflag:$0x3], $0x6400, $0x38;
	[tilespmem:$0x13800] =	vst v63  }
0x144: {  	_ =	swait.ge [sflag:s28], $0x6400  }
0x145: {  	[sflag:s28] =	ssyncset.done $0x0  }
0x146: {  	s21 =	rddreg [dreg:$0x7];
	[sflag:s28] =	ssyncadd.s32 $0xFFFF9C00  }
0x147: {  	[hbm4b:s21+s2] =	stream.linear.scatter [tilespmem:s24], [sflag:$0x4], $0x6400, $0x38;
	[tilespmem:$0x13800] =	vst v63  }
0x148: {  	_ =	swait.ge [sflag:s25], $0x6400  }
0x149: {  	[sflag:s25] =	ssyncset.done $0x0  }
0x14a: {  	[sflag:s25] =	ssyncadd.s32 $0xFFFF9C00  }
0x14b: {  	_ =	swait.ge [sflag:s30], $0x6400  }
0x14c: {  	s22 =	rddreg [dreg:$0xa]  }
0x14d: {  	s31 =	simm.s32 $0x8F40;
	s26 =	rddreg [dreg:$0x8];
	s0 =	sadd.s32 $0x1, s22  }
0x14e: {  	s29 =	simm.s32 $0x9580;
	s4 =	simm.s32 $0xA200;
	p0 =	sne.s32 s0, s26  }
.Ltmp1:
0x14f: {  	s6 =	simm.s32 $0xA840;
	s5 =	simm.s32 $0xC140;
	(pc) =	sbr.rel @p0 .LBB2_1-.Ltmp1, $4  }
0x150: {  	s7 =	simm.s32 $0xAE80;
	s8 =	simm.s32 $0xB4C0;
	s9 =	simm.s32 $0xBB00  }
0x151: {  	s10 =	simm.s32 $0xCDC0;
	s11 =	simm.s32 $0xC780;
	s16 =	simm.s32 $0x8900  }
0x152: {  	s18 =	simm.s32 $0x7640;
	s20 =	simm.s32 $0x9BC0;
	[sflag:s30] =	ssyncset.done $0x0  }
0x153: {  	[sflag:s30] =	ssyncadd.s32 $0xFFFF9C00;
	s22 =	simm.s32 $0x7C80;
	s26 =	simm.s32 $0x82C0  }
0x154: {  	_ =	sfence.sel $0x180000  }
0x155: {  	[bflag:$0x0] =	sbarrier.arrive $0xFFFF  }
0x156: {  	_ =	strace $0x90000047  }
0x157: {  	s0 =	stileid.u32;
	[bflag:$0x2] =	sbarrier.arrive $0xFFFF  }
0x158: {  	p0 =	sne.s32 s0, $0x0;
	s0 =	rddreg [dreg:$0x2]  }
0x159: {  	s0 =	sadd.s32 @!p0 $0x100000, s0  }
0x15a: {  	[sflag:s0] =	ssyncadd.tile.s32 @!p0 $0x1;
	_ =	shalt  }
.Lfunc_end2:
_tile_overlayer_lowered:
.L_overlay_start_2:
0x15b: {  	(tag) =	ssettag $0x2  }
0x15c: {  	s0 =	rddreg [dreg:$0x0];
	s2 =	stileid.u32  }
0x15d: {  	s1 =	rddreg [dreg:$0x1];
	p0 =	sne.s32 s2, $0x0  }
0x15e: {  	s3 =	rddreg [dreg:$0x2];
	[bflag:$0x3] =	sbarrier.arrive $0xFFFF;
	s2 =	simm.s32 @!p0 $0x1C05  }
0x15f: {  	[timem:s3], [sflag:s2] =	dma.local @!p0 [hbm:s0], s1  }
0x160: {  	s0 =	simm.s32 @!p0 $0x5  }
0x161: {  	_ =	swait.ge @!p0 [sflag:s0], s1  }
0x162: {  	s1 =	ssub.s32 @!p0 $0x0, s1;
	[sflag:s0] =	ssyncset.done @!p0 $0x0  }
0x163: {  	[sflag:s0] =	ssyncadd.s32 @!p0 s1  }
0x164: {  	[bflag:$0x3] =	sbarrier.arrive $0xFFFF  }
0x165: {  	_ =	shalt  }

// kernel: sparse-core-data-format-call.cloned.1.call-start
scs
called_computation_lowered:
.L_overlay_start_0:
0x0: {  	s2 =	sld [smem:$0x3FD9]  }
0x1: {  	s3 =	sld [smem:$0x3FFE];
	_ =	sdelay $0x1  }
0x2: {  	s1 =	srdreg.scid  }
0x3: {  	s0 =	sand.u32 $0x1, s1  }
0x4: {  	s18 =	sshll.u32 s0, $0xA;
	s2 =	sadd.s32 s3, s2  }
0x5: {  	s2 =	sadd.s32 s2, s18  }
0x6: {  	[smem:$0x3FC6] =	sst s2  }
0x7: {  	_ = 	snop  }
0x8: {  	s2 =	sld [smem:$0x3FD0];
	(tm) =	ssettm $0x1  }
0x9: {  	s19 =	sld [smem:$0x3FFB];
	_ =	sdelay $0x3  }
0xa: {  	_ =	strace s19  }
0xb: {  	s3 =	sld [smem:$0x3FFC];
	_ =	sdelay $0x3  }
0xc: {  	_ =	strace s3  }
0xd: {  	s3 =	sld [smem:$0x3FFD];
	_ =	sdelay $0x3  }
0xe: {  	_ =	strace s3  }
0xf: {  	_ =	strace $0x8FFFFFFF  }
0x10: {  	s20 =	sld [smem:$0x3FDB];
	_ =	sdelay $0x1  }
0x11: {  	s4 =	simm.s32 $_scs_section_size  }
0x12: {  	s5 =	simm.s32 $_size__tile_overlayer_lowered;
	s6 =	simm.s32 $_tile_overlayer_lowered  }
0x13: {  	s23 =	simm.s32 $0x1BFF;
	s22 =	sshll.u32 s6, $0x1;
	s3 =	sadd.s32 s4, s20  }
0x14: {  	s7 =	simm.s32 $0x0;
	s21 =	sshll.u32 s5, $0x1;
	s5 =	sadd.s32 s22, s3  }
0x15: {  	[timem:s7], [sflag:s23] =	dma.local [hbm:s5], s21  }
0x16: {  	_ =	swait.ge [sflag:s23], s21  }
0x17: {  	s4 =	ssub.s32 $0x0, s21;
	[sflag:s23] =	ssyncset.done $0x0  }
0x18: {  	[sflag:s23] =	ssyncadd.s32 s4;
	_ =	sdelay $0x1  }
0x19: {  	s24 =	simm.s32 $0x1B8B  }
0x1a: {  	_ =	swait.ge [sflag:s24], $0x1  }
0x1b: {  	[sflag:s24] =	ssyncset.done $0x0  }
0x1c: {  	s26 =	simm.s32 $0x1B8E;
	s25 =	sld [smem:$0x3FFE];
	[sflag:s24] =	ssyncadd.s32 $0xFFFFFFFF  }
0x1d: {  	s27 =	simm.s32 $execute0_lowered;
	[smem:$0x3FD2] =	sst s26  }
0x1e: {  	s5 =	sshll.u32 s27, $0x1;
	_ =	strace $0x80000049;
	[dreg:$0x1] =	wrdreg $0xFFFFFFFF  }
0x1f: {  	s28 =	simm.s32 $_size_execute0_lowered;
	s3 =	sadd.s32 s3, s5;
	[dreg:$0x0] =	wrdreg $0x0  }
0x20: {  	s5 =	sshll.u32 s28, $0x1;
	[dreg:$0x2] =	wrdreg s3  }
0x21: {  	[dreg:$0x3] =	wrdreg s5  }
0x22: {  	[dreg:$0x4] =	wrdreg $0xC0  }
0x23: {  	_ =	task [dreg:s7], $0x5FFFF  }
0x24: {  	[dreg:$0x1] =	wrdreg $0xFFFFFFFF  }
0x25: {  	[dreg:$0x0] =	wrdreg $0x60  }
0x26: {  	[dreg:$0x2] =	wrdreg s25  }
0x27: {  	[dreg:$0x3] =	wrdreg s2  }
0x28: {  	[dreg:$0x4] =	wrdreg $0x9  }
0x29: {  	_ =	task.clear_ibuf [dreg:s7], $0x5FFFF;
	_ =	strace $0x90000049  }
0x2a: {  	s29 =	simm.s32 $0x9;
	_ =	strace $0x8000004B  }
0x2b: {  	_ =	swait.ge [sflag:s29], $0x1  }
0x2c: {  	[sflag:s29] =	ssyncadd.s32 $0xFFFFFFFF  }
0x2d: {  	_ =	strace $0x9000004B  }
0x2e: {  	_ =	sfence  }
0x2f: {  	s30 =	sld [smem:$0x0];
	_ =	sdelay $0x2  }
0x30: {  	s31 =	sshll.u32 s1, $0xD;
	s1 =	sshrl.u32 s1, $0x2  }
0x31: {  	s3 =	sand.u32 $0x4000, s31;
	s1 =	sadd.s32 s1, s30  }
0x32: {  	s0 =	sor.u32 s3, s0;
	s1 =	sshll.u32 s1, $0x11  }
0x33: {  	s0 =	sor.u32 s1, s0  }
0x34: {  	s0 =	sadd.s32 $0x8F2B, s0  }
0x35: {  	[sflag:s0] =	ssyncadd.remote.s32 $0x1  }
0x36: {  	_ =	sfence.sel $0xFFFF  }
0x37: {  	[dreg:$0x0] =	wrdreg $0xFFFFFFFF;
	(pc) =	sbr.abs _section_cstart, $3  }
0x38: {  	[dreg:$0x1] =	wrdreg $0xFFFFFFFF  }
0x39: {  	_ =	task.clear_ibuf [dreg:s7], $0x2FFFF;
	_ =	strace $0x9FFFFFFF  }
0x3a: {  	(tm) =	ssettm $0x7FFFFFFF  }
0x3b: {  	_ =	shalt  }
tec
execute0_lowered:
.L_overlay_start_1:
0x0: {  	(tag) =	ssettag $0x1  }
0x1: {  	s0 =	srdreg.scid  }
0x2: {  	s1 =	sshll.u32 s0, $0x4  }
0x3: {  	s0 =	stileid.u32;
	s1 =	sand.u32 $0x10, s1  }
0x4: {  	s1 =	sor.u32 s0, s1  }
0x5: {  	s6 =	rddreg [dreg:$0x0];
	s4 =	simm.s32 $0x1;
	s2 =	sshll.u32 s1, $0x7  }
0x6: {  	s7 =	simm.s32 $0x2;
	s12 =	simm.s32 $0x0;
	s1 =	ssub.s32 $0x4000, s2  }
0x7: {  	s8 =	simm.s32 $0x20000;
	s13 =	simm.s32 $0x0;
	s3 =	sand.u32 $0xF80, s1  }
0x8: {  	s9 =	simm.s32 $0x0;
	s5 =	sshrl.u32 s1, $0xC;
	p0 =	sne.s32 s3, $0x0  }
.Ltmp0:
0x9: {  	s1 =	rddreg [dreg:$0x2];
	s4 =	simm.s32 @!p0 $0x0;
	(pc) =	sbr.rel .LBB1_1-.Ltmp0, $4  }
0xa: {  	s11 =	simm.s32 $0x0;
	s3 =	rddreg [dreg:$0x1];
	s5 =	sadd.s32 s4, s5  }
0xb: {  	_ =	strace $0x8000004A;
	s4 =	simm.s32 $0x1;
	s5 =	smul.u32 $0x32, s5  }
0xc: {  	s6 =	sadd.s32 $0xA00, s6;
	s10 =	smov.u32 s2;
	[sflag:s4] =	ssyncpa.u1 $0x0  }
0xd: {  	p0 =	por $0x0, $0x0;
	[sflag:s7] =	ssyncpa.u1 $0x0;
	s7 =	sor.u32 $0x1, s5  }
.LBB1_4:
0xe: {  	s16 =	sshll.u32 s13, $0x3;
	s17 =	sand.u32 $0x78, s13  }
0xf: {  	s30 =	sand.u32 $0xF800, s13;
	s12 =	sshll.u32 s12, $0x10;
	s16 =	sand.u32 $0x3C00, s16  }
0x10: {  	s31 =	sand.u32 $0x7, s13;
	s16 =	sor.u32 s17, s16;
	s17 =	sadd.s32 s3, s30  }
0x11: {  	s13 =	sshll.u32 s31, $0x12;
	s16 =	sshrl.u32 s16, $0x3;
	s12 =	sadd.s32 s12, s17  }
0x12: {  	[tilespmem:s15+$0x0 ss:$0x81] =	vst.msk $0xffff, v0;
	s13 =	sor.u32 $0x400, s13;
	s12 =	sadd.s32 s16, s12  }
0x13: {  	[hbm4b:s12+s13] =	stream.strided.scatter [tilespmem:s14], [sflag:$0x2], $0x1000, s8, s13, $0x20;
	[tilespmem:$0x4040] =	vst v63  }
.LBB1_5:
0x14: {  	s14 =	sadd.s32 $0x1, s9  }
0x15: {  	s12 =	sadd.s32 $0x1000, s10;
	s16 =	smov.u32 s10;
	p2 =	sgt.s32 s14, $0x31  }
0x16: {  	s16 =	smov.u32 @p2 s12  }
0x17: {  	s14 =	simm.s32 @p2 $0x0;
	p2 =	sgt.s32 s16, $0x3FFF  }
0x18: {  	s16 =	smov.u32 @p2 s2;
	p2 =	sne.s32 s11, s7  }
.Ltmp1:
0x19: {  	p1 =	slt.u32 s11, $0x2;
	(pc) =	sbr.rel @!p2 .LBB1_6-.Ltmp1, $4  }
0x1a: {  	s15 =	simm.s32 @!p1 $0x2  }
0x1b: {  	s13 =	smov.u32 s10;
	p0 =	por !p0, !p0;
	_ =	swait.ge @!p1 [sflag:s15], $0x1000  }
0x1c: {  	s12 =	smov.u32 s9;
	[sflag:s15] =	ssyncset.done @!p1 $0x0;
	s9 =	smov.u32 s14  }
0x1d: {  	s11 =	sadd.s32 $0x1, s11;
	[sflag:s15] =	ssyncadd.s32 @!p1 $0xFFFFF000;
	s10 =	smov.u32 s16  }
.LBB1_1:
0x1e: {  	p1 =	sge.u32 s11, s5  }
0x1f: {  	s14 =	sand.u32 @!p1 $0x1FFFFFF, s9  }
0x20: {  	s15 =	smulhi.u32 @!p1 $0x4924925, s14;
	_ =	sdelay $0x1  }
0x21: {  	s15 =	smul.u32 @!p1 $0x38, s15  }
0x22: {  	s16 =	sxor.u32 @!p1 $0xFFFFFFFF, s11;
	s17 =	smul.u32 @!p1 $0x380, s10  }
0x23: {  	s31 =	sadd.s32 $0xFFFFFFFF, s11;
	s16 =	sshll.u32 @!p1 s16, $0xC;
	s14 =	ssub.s32 @!p1 s14, s15  }
0x24: {  	s15 =	sand.u32 @!p1 $0x1000, s16;
	s16 =	sadd.s32 @!p1 s6, s17;
	s14 =	sshll.u32 @!p1 s14, $0x4  }
0x25: {  	s17 =	simm.s32 @!p1 $0x1C00;
	s14 =	sadd.s32 @!p1 s14, s16;
	s16 =	simm.s32 @!p1 $0x20  }
0x26: {  	[tilespmem:s15], [sflag:$0x1] =	stream.strided.gather @!p1 [hbm4b:s14+s16], $0x1000, s17, s16, $0x38;
	[tilespmem:$0x4040] =	vst v63  }
0x27: {  	p1 =	sge.u32 s31, s5  }
.Ltmp2:
0x28: {  	_ = 	snop;
	(pc) =	sbr.rel @p1 .LBB1_5-.Ltmp2, $1  }
0x29: {  	_ =	sdelay $0x3  }
0x2a: {  	s14 =	simm.s32 $0x1  }
0x2b: {  	_ =	swait.ge [sflag:s4], $0x1000;
	s14 =	simm.s32 @!p0 $0x0  }
0x2c: {  	[sflag:s4] =	ssyncset.done $0x0;
	s15 =	sshll.u32 s14, $0xC  }
0x2d: {  	[sflag:s4] =	ssyncadd.s32 $0xFFFFF000;
	s18 =	sor.u32 $0x10, s15  }
0x2e: {  	s14 =	smul.u32 $0x4080, s14;
	v1 =	vld [tilespmem:s18+$0x0]  }
0x2f: {  	s30 =	sand.u32 $0x1, s11;
	v0 =	vld [tilespmem:s18+$0xFFFFFFF0]  }
0x30: {  	s15 =	smul.u32 $0x4080, s30;
	s14 =	sshrl.u32 s14, $0x2  }
0x31: {  	s16 =	sor.u32 $0x2000, s14  }
0x32: {  	s31 =	sshrl.u32 s15, $0x2;
	s15 =	sadd.s32 $0x0, s16  }
0x33: {  	s17 =	simm.s32 $0x4;
	s18 =	sadd.s32 $0x20, s18;
	s14 =	sor.u32 $0x2000, s31;
	[tilespmem:s15+$0x810 ss:$0x81] =	vst.msk $0xffff, v1  }
.LBB1_3:
0x34: {  	v1 =	vld [tilespmem:s18+$0x0];
	p1 =	sne.s32 s17, $0x1FC;
	[tilespmem:s15+$0x0 ss:$0x81] =	vst.msk $0xffff, v0;
	s15 =	smov.u32 s17;
	s17 =	sadd.s32 $0x4, s17  }
.Ltmp3:
0x35: {  	v0 =	vld [tilespmem:s18+$0xFFFFFFF0];
	(pc) =	sbr.rel @p1 .LBB1_3-.Ltmp3, $4  }
0x36: {  	_ = 	snop  }
0x37: {  	s15 =	sshra.s32 s15, $0x2  }
0x38: {  	s15 =	sadd.s32 s15, s16  }
0x39: {  	s18 =	sadd.s32 $0x20, s18;
	[tilespmem:s15+$0x810 ss:$0x81] =	vst.msk $0xffff, v1  }
.Ltmp4:
0x3a: {  	_ = 	snop;
	(pc) =	sbr.rel .LBB1_4-.Ltmp4, $1  }
0x3b: {  	_ =	sdelay $0x3  }
.LBB1_6:
0x3c: {  	_ =	sfence.sel $0x180000  }
0x3d: {  	s2 =	simm.s32 $0x1;
	[bflag:$0x0] =	sbarrier.arrive $0xFFFF  }
0x3e: {  	s31 =	simm.s32 $0x2;
	[sflag:s2] =	ssyncpa.u1 $0x1  }
0x3f: {  	[sflag:s31] =	ssyncpa.u1 $0x1  }
0x40: {  	p0 =	sne.s32 s0, $0x0;
	_ =	strace $0x9000004A  }
0x41: {  	s0 =	sadd.s32 @!p0 $0x100000, s1;
	[bflag:$0x2] =	sbarrier.arrive $0xFFFF  }
0x42: {  	[sflag:s0] =	ssyncadd.tile.s32 @!p0 $0x1;
	_ =	shalt  }
.Lfunc_end1:
_tile_overlayer_lowered:
.L_overlay_start_2:
0x43: {  	(tag) =	ssettag $0x2  }
0x44: {  	s0 =	rddreg [dreg:$0x0];
	s2 =	stileid.u32  }
0x45: {  	s1 =	rddreg [dreg:$0x1];
	p0 =	sne.s32 s2, $0x0  }
0x46: {  	s3 =	rddreg [dreg:$0x2];
	[bflag:$0x3] =	sbarrier.arrive $0xFFFF;
	s2 =	simm.s32 @!p0 $0x1C01  }
0x47: {  	[timem:s3], [sflag:s2] =	dma.local @!p0 [hbm:s0], s1  }
0x48: {  	s0 =	simm.s32 @!p0 $0x1  }
0x49: {  	_ =	swait.ge @!p0 [sflag:s0], s1  }
0x4a: {  	s1 =	ssub.s32 @!p0 $0x0, s1;
	[sflag:s0] =	ssyncset.done @!p0 $0x0  }
0x4b: {  	[sflag:s0] =	ssyncadd.s32 @!p0 s1  }
0x4c: {  	[bflag:$0x3] =	sbarrier.arrive $0xFFFF  }
0x4d: {  	_ =	shalt  }

</sc_bundles>
